<compile_context>
chip_gen: v7x
topology: tpu7x:2x2x1
jax: 0.10.2.dev20260603
libtpu: 0.0.44.dev20260713+nightly
codegen_flags: <defaults>
</compile_context>

<pallas_src>
import functools

import jax
import jax.numpy as jnp
from jax import lax
from jax.experimental import pallas as pl
from jax.experimental.pallas import tpu as pltpu
from jax.experimental.pallas import tpu_sc as plsc

NUM_QUESTS = 512
NUM_PATHS = 4
LINK_DIM = 256
NUM_LINKS = 10000
MAX_LEN = 32
B = NUM_QUESTS * NUM_PATHS

NBLK = 16
BLKB = B // NBLK
HALF_T = MAX_LEN // 2
CHUNKBUF = BLKB * MAX_LEN + 32


PROJ_ROWS = 5120
PSTRIDE = 10016


def _proj_body(x_ref, w_ref, pz_ref, pr_ref, ph_ref, ss_ref):
    i = pl.program_id(0)
    x = x_ref[...]
    pt = lax.dot_general(w_ref[...], x, (((1,), (1,)), ((), ())),
                         preferred_element_type=jnp.float32)
    pz_ref[...] = pt[0]
    pr_ref[...] = pt[1]
    ph_ref[...] = pt[2]
    row = lax.broadcasted_iota(jnp.int32, (PROJ_ROWS, 1), 0) + i * PROJ_ROWS
    xm = jnp.where(row < NUM_LINKS, x, 0.0)
    blk = jnp.sum(xm * xm)

    @pl.when(i == 0)
    def _():
        ss_ref[0, 0] = blk

    @pl.when(i > 0)
    def _():
        ss_ref[0, 0] += blk


def _project(inputs, w_t):
    n_blk = pl.cdiv(NUM_LINKS, PROJ_ROWS)
    chan = pl.BlockSpec((PROJ_ROWS,), lambda i: (i,))
    return pl.pallas_call(
        _proj_body,
        grid=(n_blk,),
        in_specs=[
            pl.BlockSpec((PROJ_ROWS, LINK_DIM), lambda i: (i, 0)),
            pl.BlockSpec((3, LINK_DIM), lambda i: (0, 0)),
        ],
        out_specs=[
            chan, chan, chan,
            pl.BlockSpec((1, 1), lambda i: (0, 0), memory_space=pltpu.SMEM),
        ],
        out_shape=[
            jax.ShapeDtypeStruct((PSTRIDE,), jnp.float32),
            jax.ShapeDtypeStruct((PSTRIDE,), jnp.float32),
            jax.ShapeDtypeStruct((PSTRIDE,), jnp.float32),
            jax.ShapeDtypeStruct((1, 1), jnp.float32),
        ],
    )(inputs, w_t)


def _make_scatter(total):
    mesh = plsc.VectorSubcoreMesh(core_axis_name="c", subcore_axis_name="s")
    flo = (total // 16) * 16
    assert flo > CHUNKBUF, "element list shorter than one worker chunk"
    cap = flo - CHUNKBUF
    toff = flo - 16
    tail = total - toff

    @functools.partial(
        pl.kernel,
        mesh=mesh,
        compiler_params=pltpu.CompilerParams(needs_layout_passes=False),
        out_type=[
            jax.ShapeDtypeStruct((NBLK, MAX_LEN, BLKB), jnp.float32),
            jax.ShapeDtypeStruct((NBLK, MAX_LEN, BLKB), jnp.float32),
            jax.ShapeDtypeStruct((NBLK, MAX_LEN, BLKB), jnp.float32),
            jax.ShapeDtypeStruct((2 * B,), jnp.int32),
        ],
        scratch_types=[
            pltpu.VMEM((total + 16,), jnp.int32),
            pltpu.VMEM((PSTRIDE,), jnp.float32),
            pltpu.VMEM((PSTRIDE,), jnp.float32),
            pltpu.VMEM((PSTRIDE,), jnp.float32),
            pltpu.VMEM((CHUNKBUF + 32,), jnp.int32),
            pltpu.VMEM((CHUNKBUF + 16,), jnp.int32),
            pltpu.VMEM((CHUNKBUF + 16,), jnp.int32),
            pltpu.VMEM((HALF_T, BLKB), jnp.float32),
            pltpu.VMEM((HALF_T, BLKB), jnp.float32),
            pltpu.VMEM((HALF_T, BLKB), jnp.float32),
            pltpu.VMEM((BLKB,), jnp.int32),
            pltpu.VMEM((16,), jnp.int32),
            pltpu.VMEM_SHARED((16,), jnp.int32),
        ],
    )
    def scatter_kernel(pz_hbm, pr_hbm, ph_hbm, idx_hbm, seq_hbm, path_hbm,
                       oz, orr, oh, olens,
                       idx_v, pz_v, pr_v, ph_v, idxc_v, path_v, seq_v,
                       sz, sr, sh, slens, bnd_v, bnd_sp):
        blk = lax.axis_index("s")
        par = lax.axis_index("c")
        b0 = blk * BLKB
        t0 = par * HALF_T

        n_search = max(1, (total + 1).bit_length())

        @pl.when(blk == 0)
        def _():
            pltpu.sync_copy(idx_hbm, idx_v.at[pl.ds(0, total)])
            targets = (lax.iota(jnp.int32, 16) + 1) * BLKB

            def body(_, st):
                lo, hi = st
                upd = lo < hi
                mid = (lo + hi) // 2
                v = plsc.load_gather(idx_v, [mid])
                go_right = v < targets
                return (jnp.where(upd & go_right, mid + 1, lo),
                        jnp.where(upd & (~go_right), mid, hi))

            lo, _ = lax.fori_loop(
                0, n_search, body,
                (jnp.zeros((16,), jnp.int32),
                 jnp.full((16,), total, jnp.int32)))
            bnd_v[...] = lo
            pltpu.sync_copy(bnd_v, bnd_sp)

        pltpu.sync_copy(pz_hbm, pz_v)
        pltpu.sync_copy(pr_hbm, pr_v)
        pltpu.sync_copy(ph_hbm, ph_v)
        plsc.subcore_barrier()
        pltpu.sync_copy(bnd_sp, bnd_v)
        bounds = bnd_v[...]
        prev = jnp.where(lax.iota(jnp.int32, 16) == blk - 1, bounds, 0)
        lo_w = jnp.max(prev)
        cur = jnp.where(lax.iota(jnp.int32, 16) == blk, bounds, 0)
        hi_w = jnp.max(cur)
        a0 = (lo_w // 16) * 16
        cs = jnp.minimum(a0, jnp.int32(cap))

        pltpu.sync_copy(idx_hbm.at[pl.ds(cs, CHUNKBUF)],
                        idxc_v.at[pl.ds(0, CHUNKBUF)])
        pltpu.sync_copy(seq_hbm.at[pl.ds(cs, CHUNKBUF)],
                        seq_v.at[pl.ds(0, CHUNKBUF)])
        pltpu.sync_copy(path_hbm.at[pl.ds(cs, CHUNKBUF)],
                        path_v.at[pl.ds(0, CHUNKBUF)])
        @pl.when(cs == jnp.int32(cap))
        def _():
            trel = jnp.int32(CHUNKBUF - 16)
            pltpu.sync_copy(idx_hbm.at[pl.ds(toff, tail)],
                            idxc_v.at[pl.ds(trel, tail)])
            pltpu.sync_copy(seq_hbm.at[pl.ds(toff, tail)],
                            seq_v.at[pl.ds(trel, tail)])
            pltpu.sync_copy(path_hbm.at[pl.ds(toff, tail)],
                            path_v.at[pl.ds(trel, tail)])

        zeros16 = jnp.zeros((16,), jnp.int32)
        for j in range(BLKB // 16):
            slens[pl.ds(j * 16, 16)] = zeros16

        lane = lax.iota(jnp.int32, 16)
        niter = (hi_w - a0 + 15) // 16
        rel = a0 - cs
        is_low = par == 0

        @plsc.parallel_loop(0, niter, 1, unroll=8)
        def _(i):
            off = rel + i * 16
            k = a0 + i * 16
            idxv = idxc_v[pl.ds(off, 16)]
            idxn = idxc_v[pl.ds(off + 1, 16)]
            pathv = path_v[pl.ds(off, 16)]
            seqv = seq_v[pl.ds(off, 16)]
            kk = k + lane
            m_rng = (kk >= lo_w) & (kk < hi_w)
            m = m_rng & (seqv >= t0) & (seqv < t0 + HALF_T)
            bl = jnp.where(m, idxv - b0, 0)
            tt = jnp.where(m, seqv - t0, 0)
            pb = jnp.where(m, pathv, 0)
            vz = plsc.load_gather(pz_v, [pb])
            vr = plsc.load_gather(pr_v, [pb])
            vh = plsc.load_gather(ph_v, [pb])
            plsc.store_scatter(sz, [tt, bl], vz, mask=m)
            plsc.store_scatter(sr, [tt, bl], vr, mask=m)
            plsc.store_scatter(sh, [tt, bl], vh, mask=m)
            m_last = m_rng & ((idxv != idxn) | (kk == total - 1)) & is_low
            bl2 = jnp.where(m_last, idxv - b0, 0)
            plsc.store_scatter(slens, [bl2], seqv + 1, mask=m_last)

        pltpu.sync_copy(slens, olens.at[pl.ds(par * B + b0, BLKB)])
        pltpu.sync_copy(sz, oz.at[blk, pl.ds(t0, HALF_T), :])
        pltpu.sync_copy(sr, orr.at[blk, pl.ds(t0, HALF_T), :])
        pltpu.sync_copy(sh, oh.at[blk, pl.ds(t0, HALF_T), :])

    return scatter_kernel


def _gru_body(ss_ref, rk_ref, b_ref, mz_ref, mr_ref, mh_ref, lens_ref, h0_ref,
              out_ref):
    s = lax.rsqrt(jnp.maximum(ss_ref[0, 0], 1e-12))
    rk0 = rk_ref[0, 0]
    rk1 = rk_ref[0, 1]
    rk2 = rk_ref[0, 2]
    b00 = b_ref[0, 0]
    b01 = b_ref[0, 1]
    b02 = b_ref[0, 2]
    b10 = b_ref[1, 0]
    b11 = b_ref[1, 1]
    b12 = b_ref[1, 2]
    h = h0_ref[...]
    lens = lens_ref[0] + lens_ref[1]
    for tq in range(MAX_LEN // 8):
        cz = mz_ref[:, pl.ds(tq * 8, 8), :]
        cr = mr_ref[:, pl.ds(tq * 8, 8), :]
        ch = mh_ref[:, pl.ds(tq * 8, 8), :]
        for tr in range(8):
            t = tq * 8 + tr
            xz = cz[:, tr, :] * s + b00
            xr = cr[:, tr, :] * s + b01
            xh = ch[:, tr, :] * s + b02
            z = jax.nn.sigmoid(xz + h * rk0 + b10)
            r = jax.nn.sigmoid(xr + h * rk1 + b11)
            hh = jnp.tanh(xh + r * (h * rk2 + b12))
            h = jnp.where(t < lens, z * h + (1.0 - z) * hh, h)
    out_ref[...] = h


def _gru_scan(ss, rk, bias, mz, mr, mh, lens, h0):
    smem = pl.BlockSpec(memory_space=pltpu.SMEM)
    vmem = pl.BlockSpec(memory_space=pltpu.VMEM)
    return pl.pallas_call(
        _gru_body,
        in_specs=[smem, smem, smem, vmem, vmem, vmem, vmem, vmem],
        out_specs=pl.BlockSpec(memory_space=pltpu.VMEM),
        out_shape=jax.ShapeDtypeStruct((16, 128), jnp.float32),
    )(ss, rk, bias, mz, mr, mh, lens, h0)


def kernel(inputs, paths, index, sequences, features, flow_size,
           kernel, recurrent_kernel, bias):
    del features
    pz, pr, ph, ss = _project(inputs, kernel.T)

    total = paths.shape[0]
    mz, mr, mh, lens = _make_scatter(total)(
        pz, pr, ph, index, sequences, paths)

    out = _gru_scan(ss, recurrent_kernel, bias, mz, mr, mh,
                    lens.reshape(2, 16, 128),
                    flow_size.reshape(16, 128))
    return out.reshape(NUM_QUESTS, NUM_PATHS)

# --- scband reference (transcript-rebuilt; emitter-appended) ---
"""Pipeline reference for scband-path-embedding-22093311770743 (READ-ONLY COPY).

The authoritative reference and input builder live on the scoring server;
editing this copy changes nothing except your own understanding.
"""

import jax, jax.numpy as jnp
import numpy as np

NUM_QUESTS = 512
NUM_PATHS = 4
LINK_DIM = 256
PATH_DIM = 1
NUM_LINKS = 10000
MAX_LEN = 32
B = NUM_QUESTS * NUM_PATHS


def _build_ragged():
    rng = np.random.default_rng(0)
    lengths = rng.integers(8, MAX_LEN + 1, size=B)
    index = np.repeat(np.arange(B), lengths).astype(np.int32)
    sequences = np.concatenate([np.arange(l) for l in lengths]).astype(np.int32)
    paths = rng.integers(0, NUM_LINKS, size=index.shape[0]).astype(np.int32)
    return paths, index, sequences


def setup_inputs(seed: int = 0):
    key = jax.random.key(seed)
    ks = jax.random.split(key, 6)
    paths, index, sequences = _build_ragged()
    inputs = jax.random.normal(ks[0], (NUM_LINKS, LINK_DIM), dtype=jnp.float32)
    flow_size = jax.random.uniform(ks[1], (B,), dtype=jnp.float32)
    features = jax.random.normal(ks[2], (B,), dtype=jnp.float32)
    kernel = jax.random.normal(ks[3], (LINK_DIM, 3 * PATH_DIM), dtype=jnp.float32) * 0.05
    recurrent_kernel = jax.random.normal(ks[4], (PATH_DIM, 3 * PATH_DIM), dtype=jnp.float32) * 0.05
    bias = jnp.zeros((2, 3 * PATH_DIM), dtype=jnp.float32)
    return {"inputs": inputs, "paths": jnp.asarray(paths), "index": jnp.asarray(index),
            "sequences": jnp.asarray(sequences), "features": features, "flow_size": flow_size,
            "kernel": kernel, "recurrent_kernel": recurrent_kernel, "bias": bias}


def _gru_step(h, x, kernel, rkernel, bias):
    # tf.keras.layers.GRUCell math (reset_after=True, bias shape [2, 3*units])
    mx = x @ kernel + bias[0]
    mh = h @ rkernel + bias[1]
    xz, xr, xh = jnp.split(mx, 3, axis=-1)
    rz, rr, rh = jnp.split(mh, 3, axis=-1)
    z = jax.nn.sigmoid(xz + rz)
    r = jax.nn.sigmoid(xr + rr)
    hh = jnp.tanh(xh + r * rh)
    return z * h + (1.0 - z) * hh


def reference(inputs, paths, index, sequences, features, flow_size, kernel, recurrent_kernel, bias):
    # tf.math.l2_normalize with axis=None: global L2 normalization
    x = inputs * jax.lax.rsqrt(jnp.maximum(jnp.sum(inputs * inputs), 1e-12))
    # gather link states along each path
    h_tild = jnp.take(x, paths, axis=0)
    max_len = MAX_LEN
    # scatter_nd: densify ragged [total, D] -> [B, max_len, D] (duplicates accumulate, like tf)
    link_inputs = jnp.zeros((B, max_len, LINK_DIM), jnp.float32).at[index, sequences].add(h_tild)
    # segment_sum of ones -> per-path lengths
    lens = jnp.zeros((B,), jnp.int32).at[index].add(1)
    h0 = flow_size.reshape(B, PATH_DIM)
    xs = jnp.transpose(link_inputs, (1, 0, 2))
    ts = jnp.arange(max_len)

    def step(h, inp):
        x_t, t = inp
        h_new = _gru_step(h, x_t, kernel, recurrent_kernel, bias)
        h = jnp.where((t < lens)[:, None], h_new, h)
        return h, None

    h_final, _ = jax.lax.scan(step, h0, (xs, ts))
    return h_final.reshape(NUM_QUESTS, NUM_PATHS)

if __name__ == "__main__":
    import jax
    _d = setup_inputs()
    print(jax.jit(kernel)(*tuple(_d.values())))

</pallas_src>

<mosaic_0001>
#map = affine_map<(d0, d1) -> (0)>
#map1 = affine_map<(d0, d1) -> (0, 0, 0)>
module attributes {stable_mosaic.version = 14 : i64} {
  func.func @scatter_kernel(%arg0: i32, %arg1: i32, %arg2: memref<10016xf32, #tpu.memory_space<hbm>>, %arg3: memref<10016xf32, #tpu.memory_space<hbm>>, %arg4: memref<10016xf32, #tpu.memory_space<hbm>>, %arg5: memref<41558xi32, #tpu.memory_space<hbm>>, %arg6: memref<41558xi32, #tpu.memory_space<hbm>>, %arg7: memref<41558xi32, #tpu.memory_space<hbm>>, %arg8: memref<16x32x128xf32, #tpu.memory_space<hbm>>, %arg9: memref<16x32x128xf32, #tpu.memory_space<hbm>>, %arg10: memref<16x32x128xf32, #tpu.memory_space<hbm>>, %arg11: memref<4096xi32, #tpu.memory_space<hbm>>, %arg12: memref<41574xi32, #tpu.memory_space<vmem>>, %arg13: memref<10016xf32, #tpu.memory_space<vmem>>, %arg14: memref<10016xf32, #tpu.memory_space<vmem>>, %arg15: memref<10016xf32, #tpu.memory_space<vmem>>, %arg16: memref<4160xi32, #tpu.memory_space<vmem>>, %arg17: memref<4144xi32, #tpu.memory_space<vmem>>, %arg18: memref<4144xi32, #tpu.memory_space<vmem>>, %arg19: memref<16x128xf32, #tpu.memory_space<vmem>>, %arg20: memref<16x128xf32, #tpu.memory_space<vmem>>, %arg21: memref<16x128xf32, #tpu.memory_space<vmem>>, %arg22: memref<128xi32, #tpu.memory_space<vmem>>, %arg23: memref<16xi32, #tpu.memory_space<vmem>>, %arg24: memref<16xi32, #tpu.memory_space<vmem_shared>>) attributes {dimension_semantics = [#tpu.dimension_semantics<core_parallel>, #tpu.dimension_semantics<subcore_parallel>], iteration_bounds = array<i64: 2, 16>, scalar_prefetch = 0 : i64, scratch_operands = 13 : i64, tpu.core_type = #tpu.core_type<sc_vector_subcore>, window_params = [{transform_indices = #map}, {transform_indices = #map}, {transform_indices = #map}, {transform_indices = #map}, {transform_indices = #map}, {transform_indices = #map}, {transform_indices = #map1}, {transform_indices = #map1}, {transform_indices = #map1}, {transform_indices = #map}]} {
    %mul3A = arith.constant 128 : i32
    %mul3A_0 = arith.muli %arg1, %mul3A : i32
    %mul3A_1 = arith.constant 16 : i32
    %mul3A_2 = arith.muli %arg0, %mul3A_1 : i32
    %eq3A = arith.constant 0 : i32
    %eq3A_3 = arith.cmpi eq, %arg1, %eq3A : i32
    %convert_element_type3A = arith.extui %eq3A_3 : i1 to i32
    %cond3A = arith.constant 0 : i32
    %cond3A_4 = arith.cmpi ne, %convert_element_type3A, %cond3A : i32
    scf.if %cond3A_4 {
      "tpu.region"() ({
        %run_scoped3A = tpu.sem_alloc : memref<!tpu.dma_semaphore, #tpu.memory_space<semaphore_mem>>
        %dma_start3A = arith.constant 0 : i32
        %dma_start3A_126 = tpu.memref_slice %arg12[%dma_start3A] : memref<41574xi32, #tpu.memory_space<vmem>> -> memref<41558xi32, #tpu.memory_space<vmem>>
        %dma_start3A_127 = arith.constant 0 : i32
        %dma_start3A_128 = tpu.memref_slice %arg12[%dma_start3A_127] : memref<41574xi32, #tpu.memory_space<vmem>> -> memref<41558xi32, #tpu.memory_space<vmem>>
        tpu.enqueue_dma source(%arg5 : memref<41558xi32, #tpu.memory_space<hbm>>) target(%dma_start3A_128 : memref<41558xi32, #tpu.memory_space<vmem>>) target_semaphore(%run_scoped3A : memref<!tpu.dma_semaphore, #tpu.memory_space<semaphore_mem>>)
        %dma_wait3A = arith.constant 0 : i32
        %dma_wait3A_129 = tpu.memref_slice %arg12[%dma_wait3A] : memref<41574xi32, #tpu.memory_space<vmem>> -> memref<41558xi32, #tpu.memory_space<vmem>>
        %dma_wait3A_130 = arith.constant 0 : i32
        %dma_wait3A_131 = tpu.memref_slice %arg12[%dma_wait3A_130] : memref<41574xi32, #tpu.memory_space<vmem>> -> memref<41558xi32, #tpu.memory_space<vmem>>
        tpu.wait_dma2 semaphore(%run_scoped3A : memref<!tpu.dma_semaphore, #tpu.memory_space<semaphore_mem>>) src(%arg5 : memref<41558xi32, #tpu.memory_space<hbm>>) dst(%dma_wait3A_131 : memref<41558xi32, #tpu.memory_space<vmem>>)
        tpu.yield
      }) : () -> ()
      %iota3A_108 = tpu.iota {dimensions = array<i32: 0>} : vector<16xi32>
      %add3A_109 = arith.constant 1 : i32
      %add3A_110 = vector.broadcast %add3A_109 : i32 to vector<16xi32>
      %add3A_111 = arith.addi %iota3A_108, %add3A_110 : vector<16xi32>
      %mul3A_112 = arith.constant 128 : i32
      %mul3A_113 = vector.broadcast %mul3A_112 : i32 to vector<16xi32>
      %mul3A_114 = arith.muli %add3A_111, %mul3A_113 : vector<16xi32>
      %broadcast_in_dim3A_115 = arith.constant 0 : i32
      %broadcast_in_dim3A_116 = vector.broadcast %broadcast_in_dim3A_115 : i32 to vector<16xi32>
      %broadcast_in_dim3A_117 = arith.constant 41558 : i32
      %broadcast_in_dim3A_118 = vector.broadcast %broadcast_in_dim3A_117 : i32 to vector<16xi32>
      %scan3A = arith.constant 0 : i32
      %scan3A_119 = arith.constant 16 : i32
      %scan3A_120 = arith.addi %scan3A, %scan3A_119 : i32
      %scan3A_121 = arith.constant 1 : i32
      %scan3A_122:2 = scf.for %scan3A_126 = %scan3A to %scan3A_120 step %scan3A_121 iter_args(%scan3A_127 = %broadcast_in_dim3A_116, %scan3A_128 = %broadcast_in_dim3A_118) -> (vector<16xi32>, vector<16xi32>)  : i32 {
        %lt3A = arith.cmpi slt, %scan3A_127, %scan3A_128 : vector<16xi32>
        %add3A_129 = arith.addi %scan3A_127, %scan3A_128 : vector<16xi32>
        %jit3A_130 = arith.constant 2 : i32
        %div3A_131 = vector.broadcast %jit3A_130 : i32 to vector<16xi32>
        %div3A_132 = arith.divsi %add3A_129, %div3A_131 : vector<16xi32>
        %sign3A_133 = arith.constant 0 : i32
        %sign3A_134 = vector.broadcast %sign3A_133 : i32 to vector<16xi32>
        %sign3A_135 = arith.cmpi sgt, %add3A_129, %sign3A_134 : vector<16xi32>
        %sign3A_136 = arith.extui %sign3A_135 : vector<16xi1> to vector<16xi32>
        %sign3A_137 = arith.constant 0 : i32
        %sign3A_138 = vector.broadcast %sign3A_137 : i32 to vector<16xi32>
        %sign3A_139 = arith.cmpi slt, %add3A_129, %sign3A_138 : vector<16xi32>
        %sign3A_140 = arith.extui %sign3A_139 : vector<16xi1> to vector<16xi32>
        %sign3A_141 = arith.subi %sign3A_136, %sign3A_140 : vector<16xi32>
        %sign3A_142 = arith.constant 0 : i32
        %sign3A_143 = arith.cmpi sgt, %jit3A_130, %sign3A_142 : i32
        %sign3A_144 = arith.extui %sign3A_143 : i1 to i32
        %sign3A_145 = arith.constant 0 : i32
        %sign3A_146 = arith.cmpi slt, %jit3A_130, %sign3A_145 : i32
        %sign3A_147 = arith.extui %sign3A_146 : i1 to i32
        %sign3A_148 = arith.subi %sign3A_144, %sign3A_147 : i32
        %ne3A_149 = vector.broadcast %sign3A_148 : i32 to vector<16xi32>
        %ne3A_150 = arith.cmpi ne, %sign3A_141, %ne3A_149 : vector<16xi32>
        %rem3A_151 = vector.broadcast %jit3A_130 : i32 to vector<16xi32>
        %rem3A_152 = arith.remsi %add3A_129, %rem3A_151 : vector<16xi32>
        %ne3A_153 = arith.constant 0 : i32
        %ne3A_154 = vector.broadcast %ne3A_153 : i32 to vector<16xi32>
        %ne3A_155 = arith.cmpi ne, %rem3A_152, %ne3A_154 : vector<16xi32>
        %and3A_156 = arith.andi %ne3A_150, %ne3A_155 : vector<16xi1>
        %sub3A_157 = arith.constant 1 : i32
        %sub3A_158 = vector.broadcast %sub3A_157 : i32 to vector<16xi32>
        %sub3A_159 = arith.subi %div3A_132, %sub3A_158 : vector<16xi32>
        %select_n3A_160 = arith.select %and3A_156, %sub3A_159, %div3A_132 : vector<16xi1>, vector<16xi32>
        %gather3A = tpu.vector_load_idx %arg12[%select_n3A_160] : memref<41574xi32, #tpu.memory_space<vmem>>[vector<16xi32>], vector<16xi32>,
        %lt3A_161 = arith.cmpi slt, %gather3A, %mul3A_114 : vector<16xi32>
        %and3A_162 = arith.andi %lt3A, %lt3A_161 : vector<16xi1>
        %add3A_163 = arith.constant 1 : i32
        %add3A_164 = vector.broadcast %add3A_163 : i32 to vector<16xi32>
        %add3A_165 = arith.addi %select_n3A_160, %add3A_164 : vector<16xi32>
        %select_n3A_166 = arith.select %and3A_162, %add3A_165, %scan3A_127 : vector<16xi1>, vector<16xi32>
        %not3A = arith.constant dense<true> : vector<16xi1>
        %not3A_167 = arith.xori %lt3A_161, %not3A : vector<16xi1>
        %and3A_168 = arith.andi %lt3A, %not3A_167 : vector<16xi1>
        %select_n3A_169 = arith.select %and3A_168, %select_n3A_160, %scan3A_128 : vector<16xi1>, vector<16xi32>
        scf.yield %select_n3A_166, %select_n3A_169 : vector<16xi32>, vector<16xi32>
      }
      %scan3A_123 = arith.constant 16 : i32
      %swap3A_124 = arith.constant 0 : index
      %swap3A_125 = tpu.vector_load %arg23[%swap3A_124] {strides = array<i32>} : memref<16xi32, #tpu.memory_space<vmem>>, vector<16xi32>,
      tpu.vector_store %arg23[%swap3A_124], %scan3A_122#0 {strides = array<i32>} : memref<16xi32, #tpu.memory_space<vmem>>, vector<16xi32>,
      "tpu.region"() ({
        %run_scoped3A = tpu.sem_alloc : memref<!tpu.dma_semaphore, #tpu.memory_space<semaphore_mem>>
        tpu.enqueue_dma source(%arg23 : memref<16xi32, #tpu.memory_space<vmem>>) target(%arg24 : memref<16xi32, #tpu.memory_space<vmem_shared>>) target_semaphore(%run_scoped3A : memref<!tpu.dma_semaphore, #tpu.memory_space<semaphore_mem>>)
        tpu.wait_dma2 semaphore(%run_scoped3A : memref<!tpu.dma_semaphore, #tpu.memory_space<semaphore_mem>>) src(%arg23 : memref<16xi32, #tpu.memory_space<vmem>>) dst(%arg24 : memref<16xi32, #tpu.memory_space<vmem_shared>>)
        tpu.yield
      }) : () -> ()
    } else {
    }
    "tpu.region"() ({
      %run_scoped3A = tpu.sem_alloc : memref<!tpu.dma_semaphore, #tpu.memory_space<semaphore_mem>>
      tpu.enqueue_dma source(%arg2 : memref<10016xf32, #tpu.memory_space<hbm>>) target(%arg13 : memref<10016xf32, #tpu.memory_space<vmem>>) target_semaphore(%run_scoped3A : memref<!tpu.dma_semaphore, #tpu.memory_space<semaphore_mem>>)
      tpu.wait_dma2 semaphore(%run_scoped3A : memref<!tpu.dma_semaphore, #tpu.memory_space<semaphore_mem>>) src(%arg2 : memref<10016xf32, #tpu.memory_space<hbm>>) dst(%arg13 : memref<10016xf32, #tpu.memory_space<vmem>>)
      tpu.yield
    }) : () -> ()
    "tpu.region"() ({
      %run_scoped3A = tpu.sem_alloc : memref<!tpu.dma_semaphore, #tpu.memory_space<semaphore_mem>>
      tpu.enqueue_dma source(%arg3 : memref<10016xf32, #tpu.memory_space<hbm>>) target(%arg14 : memref<10016xf32, #tpu.memory_space<vmem>>) target_semaphore(%run_scoped3A : memref<!tpu.dma_semaphore, #tpu.memory_space<semaphore_mem>>)
      tpu.wait_dma2 semaphore(%run_scoped3A : memref<!tpu.dma_semaphore, #tpu.memory_space<semaphore_mem>>) src(%arg3 : memref<10016xf32, #tpu.memory_space<hbm>>) dst(%arg14 : memref<10016xf32, #tpu.memory_space<vmem>>)
      tpu.yield
    }) : () -> ()
    "tpu.region"() ({
      %run_scoped3A = tpu.sem_alloc : memref<!tpu.dma_semaphore, #tpu.memory_space<semaphore_mem>>
      tpu.enqueue_dma source(%arg4 : memref<10016xf32, #tpu.memory_space<hbm>>) target(%arg15 : memref<10016xf32, #tpu.memory_space<vmem>>) target_semaphore(%run_scoped3A : memref<!tpu.dma_semaphore, #tpu.memory_space<semaphore_mem>>)
      tpu.wait_dma2 semaphore(%run_scoped3A : memref<!tpu.dma_semaphore, #tpu.memory_space<semaphore_mem>>) src(%arg4 : memref<10016xf32, #tpu.memory_space<hbm>>) dst(%arg15 : memref<10016xf32, #tpu.memory_space<vmem>>)
      tpu.yield
    }) : () -> ()
    %barrier3A = arith.constant 0 : index
    tpu.barrier barrier_id(%barrier3A)
    "tpu.region"() ({
      %run_scoped3A = tpu.sem_alloc : memref<!tpu.dma_semaphore, #tpu.memory_space<semaphore_mem>>
      tpu.enqueue_dma source(%arg24 : memref<16xi32, #tpu.memory_space<vmem_shared>>) target(%arg23 : memref<16xi32, #tpu.memory_space<vmem>>) target_semaphore(%run_scoped3A : memref<!tpu.dma_semaphore, #tpu.memory_space<semaphore_mem>>)
      tpu.wait_dma2 semaphore(%run_scoped3A : memref<!tpu.dma_semaphore, #tpu.memory_space<semaphore_mem>>) src(%arg24 : memref<16xi32, #tpu.memory_space<vmem_shared>>) dst(%arg23 : memref<16xi32, #tpu.memory_space<vmem>>)
      tpu.yield
    }) : () -> ()
    %get3A = arith.constant 0 : index
    %get3A_5 = tpu.vector_load %arg23[%get3A] {strides = array<i32>} : memref<16xi32, #tpu.memory_space<vmem>>, vector<16xi32>,
    %iota3A = tpu.iota {dimensions = array<i32: 0>} : vector<16xi32>
    %sub3A = arith.constant 1 : i32
    %sub3A_6 = arith.subi %arg1, %sub3A : i32
    %eq3A_7 = vector.broadcast %sub3A_6 : i32 to vector<16xi32>
    %eq3A_8 = arith.cmpi eq, %iota3A, %eq3A_7 : vector<16xi32>
    %jit3A = arith.constant 0 : i32
    %broadcast_in_dim3A = vector.broadcast %jit3A : i32 to vector<16xi32>
    %select_n3A = arith.select %eq3A_8, %get3A_5, %broadcast_in_dim3A : vector<16xi1>, vector<16xi32>
    %reduce_max3A = arith.constant true
    %reduce_max3A_9 = vector.broadcast %reduce_max3A : i1 to vector<16xi1>
    %reduce_max3A_10 = arith.constant -2147483648 : i32
    %reduce_max3A_11 = vector.broadcast %reduce_max3A_10 : i32 to vector<16xi32>
    %reduce_max3A_12 = arith.xori %select_n3A, %reduce_max3A_11 : vector<16xi32>
    %reduce_max3A_13 = tpu.scan <max>, %reduce_max3A_12 masked %reduce_max3A_9 : vector<16xi32>, vector<16xi1> -> vector<16xi32>
    %reduce_max3A_14 = arith.xori %reduce_max3A_13, %reduce_max3A_11 : vector<16xi32>
    %reduce_max3A_15 = vector.extract %reduce_max3A_14[15] : i32 from vector<16xi32>
    %iota3A_16 = tpu.iota {dimensions = array<i32: 0>} : vector<16xi32>
    %eq3A_17 = vector.broadcast %arg1 : i32 to vector<16xi32>
    %eq3A_18 = arith.cmpi eq, %iota3A_16, %eq3A_17 : vector<16xi32>
    %jit3A_19 = arith.constant 0 : i32
    %broadcast_in_dim3A_20 = vector.broadcast %jit3A_19 : i32 to vector<16xi32>
    %select_n3A_21 = arith.select %eq3A_18, %get3A_5, %broadcast_in_dim3A_20 : vector<16xi1>, vector<16xi32>
    %reduce_max3A_22 = arith.constant true
    %reduce_max3A_23 = vector.broadcast %reduce_max3A_22 : i1 to vector<16xi1>
    %reduce_max3A_24 = arith.constant -2147483648 : i32
    %reduce_max3A_25 = vector.broadcast %reduce_max3A_24 : i32 to vector<16xi32>
    %reduce_max3A_26 = arith.xori %select_n3A_21, %reduce_max3A_25 : vector<16xi32>
    %reduce_max3A_27 = tpu.scan <max>, %reduce_max3A_26 masked %reduce_max3A_23 : vector<16xi32>, vector<16xi1> -> vector<16xi32>
    %reduce_max3A_28 = arith.xori %reduce_max3A_27, %reduce_max3A_25 : vector<16xi32>
    %reduce_max3A_29 = vector.extract %reduce_max3A_28[15] : i32 from vector<16xi32>
    %jit3A_30 = arith.constant 16 : i32
    %div3A = arith.divsi %reduce_max3A_15, %jit3A_30 : i32
    %sign3A = arith.constant 0 : i32
    %sign3A_31 = arith.cmpi sgt, %reduce_max3A_15, %sign3A : i32
    %sign3A_32 = arith.extui %sign3A_31 : i1 to i32
    %sign3A_33 = arith.constant 0 : i32
    %sign3A_34 = arith.cmpi slt, %reduce_max3A_15, %sign3A_33 : i32
    %sign3A_35 = arith.extui %sign3A_34 : i1 to i32
    %sign3A_36 = arith.subi %sign3A_32, %sign3A_35 : i32
    %sign3A_37 = arith.constant 0 : i32
    %sign3A_38 = arith.cmpi sgt, %jit3A_30, %sign3A_37 : i32
    %sign3A_39 = arith.extui %sign3A_38 : i1 to i32
    %sign3A_40 = arith.constant 0 : i32
    %sign3A_41 = arith.cmpi slt, %jit3A_30, %sign3A_40 : i32
    %sign3A_42 = arith.extui %sign3A_41 : i1 to i32
    %sign3A_43 = arith.subi %sign3A_39, %sign3A_42 : i32
    %ne3A = arith.cmpi ne, %sign3A_36, %sign3A_43 : i32
    %rem3A = arith.remsi %reduce_max3A_15, %jit3A_30 : i32
    %ne3A_44 = arith.constant 0 : i32
    %ne3A_45 = arith.cmpi ne, %rem3A, %ne3A_44 : i32
    %and3A = arith.andi %ne3A, %ne3A_45 : i1
    %sub3A_46 = arith.constant 1 : i32
    %sub3A_47 = arith.subi %div3A, %sub3A_46 : i32
    %select_n3A_48 = arith.select %and3A, %sub3A_47, %div3A : i32
    %mul3A_49 = arith.constant 16 : i32
    %mul3A_50 = arith.muli %select_n3A_48, %mul3A_49 : i32
    %min3A = arith.constant 37424 : i32
    %min3A_51 = arith.minsi %mul3A_50, %min3A : i32
    "tpu.region"() ({
      %run_scoped3A = tpu.sem_alloc : memref<!tpu.dma_semaphore, #tpu.memory_space<semaphore_mem>>
      %dma_start3A = arith.constant 0 : i32
      %dma_start3A_108 = tpu.memref_slice %arg16[%dma_start3A] : memref<4160xi32, #tpu.memory_space<vmem>> -> memref<4128xi32, #tpu.memory_space<vmem>>
      %dma_start3A_109 = tpu.memref_slice %arg5[%min3A_51] : memref<41558xi32, #tpu.memory_space<hbm>> -> memref<4128xi32, #tpu.memory_space<hbm>>
      %dma_start3A_110 = arith.constant 0 : i32
      %dma_start3A_111 = tpu.memref_slice %arg16[%dma_start3A_110] : memref<4160xi32, #tpu.memory_space<vmem>> -> memref<4128xi32, #tpu.memory_space<vmem>>
      %dma_start3A_112 = tpu.memref_slice %arg5[%min3A_51] : memref<41558xi32, #tpu.memory_space<hbm>> -> memref<4128xi32, #tpu.memory_space<hbm>>
      tpu.enqueue_dma source(%dma_start3A_112 : memref<4128xi32, #tpu.memory_space<hbm>>) target(%dma_start3A_111 : memref<4128xi32, #tpu.memory_space<vmem>>) target_semaphore(%run_scoped3A : memref<!tpu.dma_semaphore, #tpu.memory_space<semaphore_mem>>)
      %dma_wait3A = arith.constant 0 : i32
      %dma_wait3A_113 = tpu.memref_slice %arg16[%dma_wait3A] : memref<4160xi32, #tpu.memory_space<vmem>> -> memref<4128xi32, #tpu.memory_space<vmem>>
      %dma_wait3A_114 = tpu.memref_slice %arg5[%min3A_51] : memref<41558xi32, #tpu.memory_space<hbm>> -> memref<4128xi32, #tpu.memory_space<hbm>>
      %dma_wait3A_115 = arith.constant 0 : i32
      %dma_wait3A_116 = tpu.memref_slice %arg16[%dma_wait3A_115] : memref<4160xi32, #tpu.memory_space<vmem>> -> memref<4128xi32, #tpu.memory_space<vmem>>
      %dma_wait3A_117 = tpu.memref_slice %arg5[%min3A_51] : memref<41558xi32, #tpu.memory_space<hbm>> -> memref<4128xi32, #tpu.memory_space<hbm>>
      tpu.wait_dma2 semaphore(%run_scoped3A : memref<!tpu.dma_semaphore, #tpu.memory_space<semaphore_mem>>) src(%dma_wait3A_117 : memref<4128xi32, #tpu.memory_space<hbm>>) dst(%dma_wait3A_116 : memref<4128xi32, #tpu.memory_space<vmem>>)
      tpu.yield
    }) : () -> ()
    "tpu.region"() ({
      %run_scoped3A = tpu.sem_alloc : memref<!tpu.dma_semaphore, #tpu.memory_space<semaphore_mem>>
      %dma_start3A = arith.constant 0 : i32
      %dma_start3A_108 = tpu.memref_slice %arg18[%dma_start3A] : memref<4144xi32, #tpu.memory_space<vmem>> -> memref<4128xi32, #tpu.memory_space<vmem>>
      %dma_start3A_109 = tpu.memref_slice %arg6[%min3A_51] : memref<41558xi32, #tpu.memory_space<hbm>> -> memref<4128xi32, #tpu.memory_space<hbm>>
      %dma_start3A_110 = arith.constant 0 : i32
      %dma_start3A_111 = tpu.memref_slice %arg18[%dma_start3A_110] : memref<4144xi32, #tpu.memory_space<vmem>> -> memref<4128xi32, #tpu.memory_space<vmem>>
      %dma_start3A_112 = tpu.memref_slice %arg6[%min3A_51] : memref<41558xi32, #tpu.memory_space<hbm>> -> memref<4128xi32, #tpu.memory_space<hbm>>
      tpu.enqueue_dma source(%dma_start3A_112 : memref<4128xi32, #tpu.memory_space<hbm>>) target(%dma_start3A_111 : memref<4128xi32, #tpu.memory_space<vmem>>) target_semaphore(%run_scoped3A : memref<!tpu.dma_semaphore, #tpu.memory_space<semaphore_mem>>)
      %dma_wait3A = arith.constant 0 : i32
      %dma_wait3A_113 = tpu.memref_slice %arg18[%dma_wait3A] : memref<4144xi32, #tpu.memory_space<vmem>> -> memref<4128xi32, #tpu.memory_space<vmem>>
      %dma_wait3A_114 = tpu.memref_slice %arg6[%min3A_51] : memref<41558xi32, #tpu.memory_space<hbm>> -> memref<4128xi32, #tpu.memory_space<hbm>>
      %dma_wait3A_115 = arith.constant 0 : i32
      %dma_wait3A_116 = tpu.memref_slice %arg18[%dma_wait3A_115] : memref<4144xi32, #tpu.memory_space<vmem>> -> memref<4128xi32, #tpu.memory_space<vmem>>
      %dma_wait3A_117 = tpu.memref_slice %arg6[%min3A_51] : memref<41558xi32, #tpu.memory_space<hbm>> -> memref<4128xi32, #tpu.memory_space<hbm>>
      tpu.wait_dma2 semaphore(%run_scoped3A : memref<!tpu.dma_semaphore, #tpu.memory_space<semaphore_mem>>) src(%dma_wait3A_117 : memref<4128xi32, #tpu.memory_space<hbm>>) dst(%dma_wait3A_116 : memref<4128xi32, #tpu.memory_space<vmem>>)
      tpu.yield
    }) : () -> ()
    "tpu.region"() ({
      %run_scoped3A = tpu.sem_alloc : memref<!tpu.dma_semaphore, #tpu.memory_space<semaphore_mem>>
      %dma_start3A = arith.constant 0 : i32
      %dma_start3A_108 = tpu.memref_slice %arg17[%dma_start3A] : memref<4144xi32, #tpu.memory_space<vmem>> -> memref<4128xi32, #tpu.memory_space<vmem>>
      %dma_start3A_109 = tpu.memref_slice %arg7[%min3A_51] : memref<41558xi32, #tpu.memory_space<hbm>> -> memref<4128xi32, #tpu.memory_space<hbm>>
      %dma_start3A_110 = arith.constant 0 : i32
      %dma_start3A_111 = tpu.memref_slice %arg17[%dma_start3A_110] : memref<4144xi32, #tpu.memory_space<vmem>> -> memref<4128xi32, #tpu.memory_space<vmem>>
      %dma_start3A_112 = tpu.memref_slice %arg7[%min3A_51] : memref<41558xi32, #tpu.memory_space<hbm>> -> memref<4128xi32, #tpu.memory_space<hbm>>
      tpu.enqueue_dma source(%dma_start3A_112 : memref<4128xi32, #tpu.memory_space<hbm>>) target(%dma_start3A_111 : memref<4128xi32, #tpu.memory_space<vmem>>) target_semaphore(%run_scoped3A : memref<!tpu.dma_semaphore, #tpu.memory_space<semaphore_mem>>)
      %dma_wait3A = arith.constant 0 : i32
      %dma_wait3A_113 = tpu.memref_slice %arg17[%dma_wait3A] : memref<4144xi32, #tpu.memory_space<vmem>> -> memref<4128xi32, #tpu.memory_space<vmem>>
      %dma_wait3A_114 = tpu.memref_slice %arg7[%min3A_51] : memref<41558xi32, #tpu.memory_space<hbm>> -> memref<4128xi32, #tpu.memory_space<hbm>>
      %dma_wait3A_115 = arith.constant 0 : i32
      %dma_wait3A_116 = tpu.memref_slice %arg17[%dma_wait3A_115] : memref<4144xi32, #tpu.memory_space<vmem>> -> memref<4128xi32, #tpu.memory_space<vmem>>
      %dma_wait3A_117 = tpu.memref_slice %arg7[%min3A_51] : memref<41558xi32, #tpu.memory_space<hbm>> -> memref<4128xi32, #tpu.memory_space<hbm>>
      tpu.wait_dma2 semaphore(%run_scoped3A : memref<!tpu.dma_semaphore, #tpu.memory_space<semaphore_mem>>) src(%dma_wait3A_117 : memref<4128xi32, #tpu.memory_space<hbm>>) dst(%dma_wait3A_116 : memref<4128xi32, #tpu.memory_space<vmem>>)
      tpu.yield
    }) : () -> ()
    %eq3A_52 = arith.constant 37424 : i32
    %eq3A_53 = arith.cmpi eq, %min3A_51, %eq3A_52 : i32
    %convert_element_type3A_54 = arith.extui %eq3A_53 : i1 to i32
    %cond3A_55 = arith.constant 0 : i32
    %cond3A_56 = arith.cmpi ne, %convert_element_type3A_54, %cond3A_55 : i32
    scf.if %cond3A_56 {
      %run_scoped3A = arith.constant 4112 : i32
      "tpu.region"() ({
        %run_scoped3A_110 = tpu.sem_alloc : memref<!tpu.dma_semaphore, #tpu.memory_space<semaphore_mem>>
        %dma_start3A = tpu.memref_slice %arg16[%run_scoped3A] : memref<4160xi32, #tpu.memory_space<vmem>> -> memref<22xi32, #tpu.memory_space<vmem>>
        %dma_start3A_111 = arith.constant 41536 : i32
        %dma_start3A_112 = tpu.memref_slice %arg5[%dma_start3A_111] : memref<41558xi32, #tpu.memory_space<hbm>> -> memref<22xi32, #tpu.memory_space<hbm>>
        %dma_start3A_113 = tpu.memref_slice %arg16[%run_scoped3A] : memref<4160xi32, #tpu.memory_space<vmem>> -> memref<22xi32, #tpu.memory_space<vmem>>
        %dma_start3A_114 = arith.constant 41536 : i32
        %dma_start3A_115 = tpu.memref_slice %arg5[%dma_start3A_114] : memref<41558xi32, #tpu.memory_space<hbm>> -> memref<22xi32, #tpu.memory_space<hbm>>
        tpu.enqueue_dma source(%dma_start3A_115 : memref<22xi32, #tpu.memory_space<hbm>>) target(%dma_start3A_113 : memref<22xi32, #tpu.memory_space<vmem>>) target_semaphore(%run_scoped3A_110 : memref<!tpu.dma_semaphore, #tpu.memory_space<semaphore_mem>>)
        %dma_wait3A = tpu.memref_slice %arg16[%run_scoped3A] : memref<4160xi32, #tpu.memory_space<vmem>> -> memref<22xi32, #tpu.memory_space<vmem>>
        %dma_wait3A_116 = arith.constant 41536 : i32
        %dma_wait3A_117 = tpu.memref_slice %arg5[%dma_wait3A_116] : memref<41558xi32, #tpu.memory_space<hbm>> -> memref<22xi32, #tpu.memory_space<hbm>>
        %dma_wait3A_118 = tpu.memref_slice %arg16[%run_scoped3A] : memref<4160xi32, #tpu.memory_space<vmem>> -> memref<22xi32, #tpu.memory_space<vmem>>
        %dma_wait3A_119 = arith.constant 41536 : i32
        %dma_wait3A_120 = tpu.memref_slice %arg5[%dma_wait3A_119] : memref<41558xi32, #tpu.memory_space<hbm>> -> memref<22xi32, #tpu.memory_space<hbm>>
        tpu.wait_dma2 semaphore(%run_scoped3A_110 : memref<!tpu.dma_semaphore, #tpu.memory_space<semaphore_mem>>) src(%dma_wait3A_120 : memref<22xi32, #tpu.memory_space<hbm>>) dst(%dma_wait3A_118 : memref<22xi32, #tpu.memory_space<vmem>>)
        tpu.yield
      }) : () -> ()
      %run_scoped3A_108 = arith.constant 4112 : i32
      "tpu.region"() ({
        %run_scoped3A_110 = tpu.sem_alloc : memref<!tpu.dma_semaphore, #tpu.memory_space<semaphore_mem>>
        %dma_start3A = tpu.memref_slice %arg18[%run_scoped3A_108] : memref<4144xi32, #tpu.memory_space<vmem>> -> memref<22xi32, #tpu.memory_space<vmem>>
        %dma_start3A_111 = arith.constant 41536 : i32
        %dma_start3A_112 = tpu.memref_slice %arg6[%dma_start3A_111] : memref<41558xi32, #tpu.memory_space<hbm>> -> memref<22xi32, #tpu.memory_space<hbm>>
        %dma_start3A_113 = tpu.memref_slice %arg18[%run_scoped3A_108] : memref<4144xi32, #tpu.memory_space<vmem>> -> memref<22xi32, #tpu.memory_space<vmem>>
        %dma_start3A_114 = arith.constant 41536 : i32
        %dma_start3A_115 = tpu.memref_slice %arg6[%dma_start3A_114] : memref<41558xi32, #tpu.memory_space<hbm>> -> memref<22xi32, #tpu.memory_space<hbm>>
        tpu.enqueue_dma source(%dma_start3A_115 : memref<22xi32, #tpu.memory_space<hbm>>) target(%dma_start3A_113 : memref<22xi32, #tpu.memory_space<vmem>>) target_semaphore(%run_scoped3A_110 : memref<!tpu.dma_semaphore, #tpu.memory_space<semaphore_mem>>)
        %dma_wait3A = tpu.memref_slice %arg18[%run_scoped3A_108] : memref<4144xi32, #tpu.memory_space<vmem>> -> memref<22xi32, #tpu.memory_space<vmem>>
        %dma_wait3A_116 = arith.constant 41536 : i32
        %dma_wait3A_117 = tpu.memref_slice %arg6[%dma_wait3A_116] : memref<41558xi32, #tpu.memory_space<hbm>> -> memref<22xi32, #tpu.memory_space<hbm>>
        %dma_wait3A_118 = tpu.memref_slice %arg18[%run_scoped3A_108] : memref<4144xi32, #tpu.memory_space<vmem>> -> memref<22xi32, #tpu.memory_space<vmem>>
        %dma_wait3A_119 = arith.constant 41536 : i32
        %dma_wait3A_120 = tpu.memref_slice %arg6[%dma_wait3A_119] : memref<41558xi32, #tpu.memory_space<hbm>> -> memref<22xi32, #tpu.memory_space<hbm>>
        tpu.wait_dma2 semaphore(%run_scoped3A_110 : memref<!tpu.dma_semaphore, #tpu.memory_space<semaphore_mem>>) src(%dma_wait3A_120 : memref<22xi32, #tpu.memory_space<hbm>>) dst(%dma_wait3A_118 : memref<22xi32, #tpu.memory_space<vmem>>)
        tpu.yield
      }) : () -> ()
      %run_scoped3A_109 = arith.constant 4112 : i32
      "tpu.region"() ({
        %run_scoped3A_110 = tpu.sem_alloc : memref<!tpu.dma_semaphore, #tpu.memory_space<semaphore_mem>>
        %dma_start3A = tpu.memref_slice %arg17[%run_scoped3A_109] : memref<4144xi32, #tpu.memory_space<vmem>> -> memref<22xi32, #tpu.memory_space<vmem>>
        %dma_start3A_111 = arith.constant 41536 : i32
        %dma_start3A_112 = tpu.memref_slice %arg7[%dma_start3A_111] : memref<41558xi32, #tpu.memory_space<hbm>> -> memref<22xi32, #tpu.memory_space<hbm>>
        %dma_start3A_113 = tpu.memref_slice %arg17[%run_scoped3A_109] : memref<4144xi32, #tpu.memory_space<vmem>> -> memref<22xi32, #tpu.memory_space<vmem>>
        %dma_start3A_114 = arith.constant 41536 : i32
        %dma_start3A_115 = tpu.memref_slice %arg7[%dma_start3A_114] : memref<41558xi32, #tpu.memory_space<hbm>> -> memref<22xi32, #tpu.memory_space<hbm>>
        tpu.enqueue_dma source(%dma_start3A_115 : memref<22xi32, #tpu.memory_space<hbm>>) target(%dma_start3A_113 : memref<22xi32, #tpu.memory_space<vmem>>) target_semaphore(%run_scoped3A_110 : memref<!tpu.dma_semaphore, #tpu.memory_space<semaphore_mem>>)
        %dma_wait3A = tpu.memref_slice %arg17[%run_scoped3A_109] : memref<4144xi32, #tpu.memory_space<vmem>> -> memref<22xi32, #tpu.memory_space<vmem>>
        %dma_wait3A_116 = arith.constant 41536 : i32
        %dma_wait3A_117 = tpu.memref_slice %arg7[%dma_wait3A_116] : memref<41558xi32, #tpu.memory_space<hbm>> -> memref<22xi32, #tpu.memory_space<hbm>>
        %dma_wait3A_118 = tpu.memref_slice %arg17[%run_scoped3A_109] : memref<4144xi32, #tpu.memory_space<vmem>> -> memref<22xi32, #tpu.memory_space<vmem>>
        %dma_wait3A_119 = arith.constant 41536 : i32
        %dma_wait3A_120 = tpu.memref_slice %arg7[%dma_wait3A_119] : memref<41558xi32, #tpu.memory_space<hbm>> -> memref<22xi32, #tpu.memory_space<hbm>>
        tpu.wait_dma2 semaphore(%run_scoped3A_110 : memref<!tpu.dma_semaphore, #tpu.memory_space<semaphore_mem>>) src(%dma_wait3A_120 : memref<22xi32, #tpu.memory_space<hbm>>) dst(%dma_wait3A_118 : memref<22xi32, #tpu.memory_space<vmem>>)
        tpu.yield
      }) : () -> ()
    } else {
    }
    %broadcast_in_dim3A_57 = arith.constant 0 : i32
    %broadcast_in_dim3A_58 = vector.broadcast %broadcast_in_dim3A_57 : i32 to vector<16xi32>
    %swap3A = arith.constant 0 : index
    %swap3A_59 = tpu.vector_load %arg22[%swap3A] {strides = array<i32>} : memref<128xi32, #tpu.memory_space<vmem>>, vector<16xi32>,
    tpu.vector_store %arg22[%swap3A], %broadcast_in_dim3A_58 {strides = array<i32>} : memref<128xi32, #tpu.memory_space<vmem>>, vector<16xi32>,
    %swap3A_60 = arith.constant 16 : index
    %swap3A_61 = tpu.vector_load %arg22[%swap3A_60] {strides = array<i32>} : memref<128xi32, #tpu.memory_space<vmem>>, vector<16xi32>,
    tpu.vector_store %arg22[%swap3A_60], %broadcast_in_dim3A_58 {strides = array<i32>} : memref<128xi32, #tpu.memory_space<vmem>>, vector<16xi32>,
    %swap3A_62 = arith.constant 32 : index
    %swap3A_63 = tpu.vector_load %arg22[%swap3A_62] {strides = array<i32>} : memref<128xi32, #tpu.memory_space<vmem>>, vector<16xi32>,
    tpu.vector_store %arg22[%swap3A_62], %broadcast_in_dim3A_58 {strides = array<i32>} : memref<128xi32, #tpu.memory_space<vmem>>, vector<16xi32>,
    %swap3A_64 = arith.constant 48 : index
    %swap3A_65 = tpu.vector_load %arg22[%swap3A_64] {strides = array<i32>} : memref<128xi32, #tpu.memory_space<vmem>>, vector<16xi32>,
    tpu.vector_store %arg22[%swap3A_64], %broadcast_in_dim3A_58 {strides = array<i32>} : memref<128xi32, #tpu.memory_space<vmem>>, vector<16xi32>,
    %swap3A_66 = arith.constant 64 : index
    %swap3A_67 = tpu.vector_load %arg22[%swap3A_66] {strides = array<i32>} : memref<128xi32, #tpu.memory_space<vmem>>, vector<16xi32>,
    tpu.vector_store %arg22[%swap3A_66], %broadcast_in_dim3A_58 {strides = array<i32>} : memref<128xi32, #tpu.memory_space<vmem>>, vector<16xi32>,
    %swap3A_68 = arith.constant 80 : index
    %swap3A_69 = tpu.vector_load %arg22[%swap3A_68] {strides = array<i32>} : memref<128xi32, #tpu.memory_space<vmem>>, vector<16xi32>,
    tpu.vector_store %arg22[%swap3A_68], %broadcast_in_dim3A_58 {strides = array<i32>} : memref<128xi32, #tpu.memory_space<vmem>>, vector<16xi32>,
    %swap3A_70 = arith.constant 96 : index
    %swap3A_71 = tpu.vector_load %arg22[%swap3A_70] {strides = array<i32>} : memref<128xi32, #tpu.memory_space<vmem>>, vector<16xi32>,
    tpu.vector_store %arg22[%swap3A_70], %broadcast_in_dim3A_58 {strides = array<i32>} : memref<128xi32, #tpu.memory_space<vmem>>, vector<16xi32>,
    %swap3A_72 = arith.constant 112 : index
    %swap3A_73 = tpu.vector_load %arg22[%swap3A_72] {strides = array<i32>} : memref<128xi32, #tpu.memory_space<vmem>>, vector<16xi32>,
    tpu.vector_store %arg22[%swap3A_72], %broadcast_in_dim3A_58 {strides = array<i32>} : memref<128xi32, #tpu.memory_space<vmem>>, vector<16xi32>,
    %iota3A_74 = tpu.iota {dimensions = array<i32: 0>} : vector<16xi32>
    %sub3A_75 = arith.subi %reduce_max3A_29, %mul3A_50 : i32
    %add3A = arith.constant 15 : i32
    %add3A_76 = arith.addi %sub3A_75, %add3A : i32
    %jit3A_77 = arith.constant 16 : i32
    %div3A_78 = arith.divsi %add3A_76, %jit3A_77 : i32
    %sign3A_79 = arith.constant 0 : i32
    %sign3A_80 = arith.cmpi sgt, %add3A_76, %sign3A_79 : i32
    %sign3A_81 = arith.extui %sign3A_80 : i1 to i32
    %sign3A_82 = arith.constant 0 : i32
    %sign3A_83 = arith.cmpi slt, %add3A_76, %sign3A_82 : i32
    %sign3A_84 = arith.extui %sign3A_83 : i1 to i32
    %sign3A_85 = arith.subi %sign3A_81, %sign3A_84 : i32
    %sign3A_86 = arith.constant 0 : i32
    %sign3A_87 = arith.cmpi sgt, %jit3A_77, %sign3A_86 : i32
    %sign3A_88 = arith.extui %sign3A_87 : i1 to i32
    %sign3A_89 = arith.constant 0 : i32
    %sign3A_90 = arith.cmpi slt, %jit3A_77, %sign3A_89 : i32
    %sign3A_91 = arith.extui %sign3A_90 : i1 to i32
    %sign3A_92 = arith.subi %sign3A_88, %sign3A_91 : i32
    %ne3A_93 = arith.cmpi ne, %sign3A_85, %sign3A_92 : i32
    %rem3A_94 = arith.remsi %add3A_76, %jit3A_77 : i32
    %ne3A_95 = arith.constant 0 : i32
    %ne3A_96 = arith.cmpi ne, %rem3A_94, %ne3A_95 : i32
    %and3A_97 = arith.andi %ne3A_93, %ne3A_96 : i1
    %sub3A_98 = arith.constant 1 : i32
    %sub3A_99 = arith.subi %div3A_78, %sub3A_98 : i32
    %select_n3A_100 = arith.select %and3A_97, %sub3A_99, %div3A_78 : i32
    %sub3A_101 = arith.subi %mul3A_50, %min3A_51 : i32
    %eq3A_102 = arith.constant 0 : i32
    %eq3A_103 = arith.cmpi eq, %arg0, %eq3A_102 : i32
    %parallel_loop3A = arith.constant 0 : i32
    %parallel_loop3A_104 = arith.constant 1 : i32
    scf.for %parallel_loop3A_108 = %parallel_loop3A to %select_n3A_100 step %parallel_loop3A_104  : i32 {
      %parallel_loop3A_109 = arith.constant 16 : i32
      %parallel_loop3A_110 = arith.muli %parallel_loop3A_108, %parallel_loop3A_109 : i32
      %parallel_loop3A_111 = arith.addi %sub3A_101, %parallel_loop3A_110 : i32
      %parallel_loop3A_112 = arith.constant 16 : i32
      %parallel_loop3A_113 = arith.muli %parallel_loop3A_108, %parallel_loop3A_112 : i32
      %parallel_loop3A_114 = arith.addi %mul3A_50, %parallel_loop3A_113 : i32
      %parallel_loop3A_115 = arith.index_cast %parallel_loop3A_111 : i32 to index
      %parallel_loop3A_116 = tpu.vector_load %arg16[%parallel_loop3A_115] {strides = array<i32>} : memref<4160xi32, #tpu.memory_space<vmem>>, vector<16xi32>,
      %parallel_loop3A_117 = arith.constant 1 : i32
      %parallel_loop3A_118 = arith.addi %parallel_loop3A_111, %parallel_loop3A_117 : i32
      %parallel_loop3A_119 = arith.index_cast %parallel_loop3A_118 : i32 to index
      %parallel_loop3A_120 = tpu.vector_load %arg16[%parallel_loop3A_119] {strides = array<i32>} : memref<4160xi32, #tpu.memory_space<vmem>>, vector<16xi32>,
      %parallel_loop3A_121 = arith.index_cast %parallel_loop3A_111 : i32 to index
      %parallel_loop3A_122 = tpu.vector_load %arg17[%parallel_loop3A_121] {strides = array<i32>} : memref<4144xi32, #tpu.memory_space<vmem>>, vector<16xi32>,
      %parallel_loop3A_123 = arith.index_cast %parallel_loop3A_111 : i32 to index
      %parallel_loop3A_124 = tpu.vector_load %arg18[%parallel_loop3A_123] {strides = array<i32>} : memref<4144xi32, #tpu.memory_space<vmem>>, vector<16xi32>,
      %parallel_loop3A_125 = vector.broadcast %parallel_loop3A_114 : i32 to vector<16xi32>
      %parallel_loop3A_126 = arith.addi %parallel_loop3A_125, %iota3A_74 : vector<16xi32>
      %parallel_loop3A_127 = vector.broadcast %reduce_max3A_15 : i32 to vector<16xi32>
      %parallel_loop3A_128 = arith.cmpi sge, %parallel_loop3A_126, %parallel_loop3A_127 : vector<16xi32>
      %parallel_loop3A_129 = vector.broadcast %reduce_max3A_29 : i32 to vector<16xi32>
      %parallel_loop3A_130 = arith.cmpi slt, %parallel_loop3A_126, %parallel_loop3A_129 : vector<16xi32>
      %parallel_loop3A_131 = arith.andi %parallel_loop3A_128, %parallel_loop3A_130 : vector<16xi1>
      %parallel_loop3A_132 = vector.broadcast %mul3A_2 : i32 to vector<16xi32>
      %parallel_loop3A_133 = arith.cmpi sge, %parallel_loop3A_124, %parallel_loop3A_132 : vector<16xi32>
      %parallel_loop3A_134 = arith.andi %parallel_loop3A_131, %parallel_loop3A_133 : vector<16xi1>
      %parallel_loop3A_135 = arith.constant 16 : i32
      %parallel_loop3A_136 = arith.addi %mul3A_2, %parallel_loop3A_135 : i32
      %parallel_loop3A_137 = vector.broadcast %parallel_loop3A_136 : i32 to vector<16xi32>
      %parallel_loop3A_138 = arith.cmpi slt, %parallel_loop3A_124, %parallel_loop3A_137 : vector<16xi32>
      %parallel_loop3A_139 = arith.andi %parallel_loop3A_134, %parallel_loop3A_138 : vector<16xi1>
      %parallel_loop3A_140 = vector.broadcast %mul3A_0 : i32 to vector<16xi32>
      %parallel_loop3A_141 = arith.subi %parallel_loop3A_116, %parallel_loop3A_140 : vector<16xi32>
      %parallel_loop3A_142 = arith.constant 0 : i32
      %parallel_loop3A_143 = vector.broadcast %parallel_loop3A_142 : i32 to vector<16xi32>
      %parallel_loop3A_144 = arith.select %parallel_loop3A_139, %parallel_loop3A_141, %parallel_loop3A_143 : vector<16xi1>, vector<16xi32>
      %parallel_loop3A_145 = vector.broadcast %mul3A_2 : i32 to vector<16xi32>
      %parallel_loop3A_146 = arith.subi %parallel_loop3A_124, %parallel_loop3A_145 : vector<16xi32>
      %parallel_loop3A_147 = arith.constant 0 : i32
      %parallel_loop3A_148 = vector.broadcast %parallel_loop3A_147 : i32 to vector<16xi32>
      %parallel_loop3A_149 = arith.select %parallel_loop3A_139, %parallel_loop3A_146, %parallel_loop3A_148 : vector<16xi1>, vector<16xi32>
      %parallel_loop3A_150 = arith.constant 0 : i32
      %parallel_loop3A_151 = vector.broadcast %parallel_loop3A_150 : i32 to vector<16xi32>
      %parallel_loop3A_152 = arith.select %parallel_loop3A_139, %parallel_loop3A_122, %parallel_loop3A_151 : vector<16xi1>, vector<16xi32>
      %parallel_loop3A_153 = tpu.vector_load_idx %arg13[%parallel_loop3A_152] : memref<10016xf32, #tpu.memory_space<vmem>>[vector<16xi32>], vector<16xf32>,
      %parallel_loop3A_154 = tpu.vector_load_idx %arg14[%parallel_loop3A_152] : memref<10016xf32, #tpu.memory_space<vmem>>[vector<16xi32>], vector<16xf32>,
      %parallel_loop3A_155 = tpu.vector_load_idx %arg15[%parallel_loop3A_152] : memref<10016xf32, #tpu.memory_space<vmem>>[vector<16xi32>], vector<16xf32>,
      tpu.vector_store_idx %arg19[%parallel_loop3A_149, %parallel_loop3A_144], %parallel_loop3A_153 masked %parallel_loop3A_139 : memref<16x128xf32, #tpu.memory_space<vmem>>[vector<16xi32>, vector<16xi32>], vector<16xf32>, vector<16xi1>
      tpu.vector_store_idx %arg20[%parallel_loop3A_149, %parallel_loop3A_144], %parallel_loop3A_154 masked %parallel_loop3A_139 : memref<16x128xf32, #tpu.memory_space<vmem>>[vector<16xi32>, vector<16xi32>], vector<16xf32>, vector<16xi1>
      tpu.vector_store_idx %arg21[%parallel_loop3A_149, %parallel_loop3A_144], %parallel_loop3A_155 masked %parallel_loop3A_139 : memref<16x128xf32, #tpu.memory_space<vmem>>[vector<16xi32>, vector<16xi32>], vector<16xf32>, vector<16xi1>
      %parallel_loop3A_156 = arith.cmpi ne, %parallel_loop3A_116, %parallel_loop3A_120 : vector<16xi32>
      %parallel_loop3A_157 = arith.constant 41557 : i32
      %parallel_loop3A_158 = vector.broadcast %parallel_loop3A_157 : i32 to vector<16xi32>
      %parallel_loop3A_159 = arith.cmpi eq, %parallel_loop3A_126, %parallel_loop3A_158 : vector<16xi32>
      %parallel_loop3A_160 = arith.ori %parallel_loop3A_156, %parallel_loop3A_159 : vector<16xi1>
      %parallel_loop3A_161 = arith.andi %parallel_loop3A_131, %parallel_loop3A_160 : vector<16xi1>
      %parallel_loop3A_162 = vector.broadcast %eq3A_103 : i1 to vector<16xi1>
      %parallel_loop3A_163 = arith.andi %parallel_loop3A_161, %parallel_loop3A_162 : vector<16xi1>
      %parallel_loop3A_164 = vector.broadcast %mul3A_0 : i32 to vector<16xi32>
      %parallel_loop3A_165 = arith.subi %parallel_loop3A_116, %parallel_loop3A_164 : vector<16xi32>
      %parallel_loop3A_166 = arith.constant 0 : i32
      %parallel_loop3A_167 = vector.broadcast %parallel_loop3A_166 : i32 to vector<16xi32>
      %parallel_loop3A_168 = arith.select %parallel_loop3A_163, %parallel_loop3A_165, %parallel_loop3A_167 : vector<16xi1>, vector<16xi32>
      %parallel_loop3A_169 = arith.constant 1 : i32
      %parallel_loop3A_170 = vector.broadcast %parallel_loop3A_169 : i32 to vector<16xi32>
      %parallel_loop3A_171 = arith.addi %parallel_loop3A_124, %parallel_loop3A_170 : vector<16xi32>
      tpu.vector_store_idx %arg22[%parallel_loop3A_168], %parallel_loop3A_171 masked %parallel_loop3A_163 : memref<128xi32, #tpu.memory_space<vmem>>[vector<16xi32>], vector<16xi32>, vector<16xi1>
    } {sc.loop_unroll_factor = 8 : i64, sc.parallel_access}
    %mul3A_105 = arith.constant 2048 : i32
    %mul3A_106 = arith.muli %arg0, %mul3A_105 : i32
    %add3A_107 = arith.addi %mul3A_106, %mul3A_0 : i32
    "tpu.region"() ({
      %run_scoped3A = tpu.sem_alloc : memref<!tpu.dma_semaphore, #tpu.memory_space<semaphore_mem>>
      %dma_start3A = tpu.memref_slice %arg11[%add3A_107] : memref<4096xi32, #tpu.memory_space<hbm>> -> memref<128xi32, #tpu.memory_space<hbm>>
      %dma_start3A_108 = tpu.memref_slice %arg11[%add3A_107] : memref<4096xi32, #tpu.memory_space<hbm>> -> memref<128xi32, #tpu.memory_space<hbm>>
      tpu.enqueue_dma source(%arg22 : memref<128xi32, #tpu.memory_space<vmem>>) target(%dma_start3A_108 : memref<128xi32, #tpu.memory_space<hbm>>) target_semaphore(%run_scoped3A : memref<!tpu.dma_semaphore, #tpu.memory_space<semaphore_mem>>)
      %dma_wait3A = tpu.memref_slice %arg11[%add3A_107] : memref<4096xi32, #tpu.memory_space<hbm>> -> memref<128xi32, #tpu.memory_space<hbm>>
      %dma_wait3A_109 = tpu.memref_slice %arg11[%add3A_107] : memref<4096xi32, #tpu.memory_space<hbm>> -> memref<128xi32, #tpu.memory_space<hbm>>
      tpu.wait_dma2 semaphore(%run_scoped3A : memref<!tpu.dma_semaphore, #tpu.memory_space<semaphore_mem>>) src(%arg22 : memref<128xi32, #tpu.memory_space<vmem>>) dst(%dma_wait3A_109 : memref<128xi32, #tpu.memory_space<hbm>>)
      tpu.yield
    }) : () -> ()
    "tpu.region"() ({
      %run_scoped3A = tpu.sem_alloc : memref<!tpu.dma_semaphore, #tpu.memory_space<semaphore_mem>>
      %dma_start3A = arith.constant 0 : i32
      %dma_start3A_108 = tpu.memref_slice %arg8[%arg1, %mul3A_2, %dma_start3A] : memref<16x32x128xf32, #tpu.memory_space<hbm>> -> memref<1x16x128xf32, #tpu.memory_space<hbm>>
      %dma_start3A_109 = tpu.memref_squeeze %dma_start3A_108 : memref<1x16x128xf32, #tpu.memory_space<hbm>> -> memref<16x128xf32, #tpu.memory_space<hbm>>
      %dma_start3A_110 = arith.constant 0 : i32
      %dma_start3A_111 = tpu.memref_slice %arg8[%arg1, %mul3A_2, %dma_start3A_110] : memref<16x32x128xf32, #tpu.memory_space<hbm>> -> memref<1x16x128xf32, #tpu.memory_space<hbm>>
      %dma_start3A_112 = tpu.memref_squeeze %dma_start3A_111 : memref<1x16x128xf32, #tpu.memory_space<hbm>> -> memref<16x128xf32, #tpu.memory_space<hbm>>
      tpu.enqueue_dma source(%arg19 : memref<16x128xf32, #tpu.memory_space<vmem>>) target(%dma_start3A_112 : memref<16x128xf32, #tpu.memory_space<hbm>>) target_semaphore(%run_scoped3A : memref<!tpu.dma_semaphore, #tpu.memory_space<semaphore_mem>>)
      %dma_wait3A = arith.constant 0 : i32
      %dma_wait3A_113 = tpu.memref_slice %arg8[%arg1, %mul3A_2, %dma_wait3A] : memref<16x32x128xf32, #tpu.memory_space<hbm>> -> memref<1x16x128xf32, #tpu.memory_space<hbm>>
      %dma_wait3A_114 = tpu.memref_squeeze %dma_wait3A_113 : memref<1x16x128xf32, #tpu.memory_space<hbm>> -> memref<16x128xf32, #tpu.memory_space<hbm>>
      %dma_wait3A_115 = arith.constant 0 : i32
      %dma_wait3A_116 = tpu.memref_slice %arg8[%arg1, %mul3A_2, %dma_wait3A_115] : memref<16x32x128xf32, #tpu.memory_space<hbm>> -> memref<1x16x128xf32, #tpu.memory_space<hbm>>
      %dma_wait3A_117 = tpu.memref_squeeze %dma_wait3A_116 : memref<1x16x128xf32, #tpu.memory_space<hbm>> -> memref<16x128xf32, #tpu.memory_space<hbm>>
      tpu.wait_dma2 semaphore(%run_scoped3A : memref<!tpu.dma_semaphore, #tpu.memory_space<semaphore_mem>>) src(%arg19 : memref<16x128xf32, #tpu.memory_space<vmem>>) dst(%dma_wait3A_117 : memref<16x128xf32, #tpu.memory_space<hbm>>)
      tpu.yield
    }) : () -> ()
    "tpu.region"() ({
      %run_scoped3A = tpu.sem_alloc : memref<!tpu.dma_semaphore, #tpu.memory_space<semaphore_mem>>
      %dma_start3A = arith.constant 0 : i32
      %dma_start3A_108 = tpu.memref_slice %arg9[%arg1, %mul3A_2, %dma_start3A] : memref<16x32x128xf32, #tpu.memory_space<hbm>> -> memref<1x16x128xf32, #tpu.memory_space<hbm>>
      %dma_start3A_109 = tpu.memref_squeeze %dma_start3A_108 : memref<1x16x128xf32, #tpu.memory_space<hbm>> -> memref<16x128xf32, #tpu.memory_space<hbm>>
      %dma_start3A_110 = arith.constant 0 : i32
      %dma_start3A_111 = tpu.memref_slice %arg9[%arg1, %mul3A_2, %dma_start3A_110] : memref<16x32x128xf32, #tpu.memory_space<hbm>> -> memref<1x16x128xf32, #tpu.memory_space<hbm>>
      %dma_start3A_112 = tpu.memref_squeeze %dma_start3A_111 : memref<1x16x128xf32, #tpu.memory_space<hbm>> -> memref<16x128xf32, #tpu.memory_space<hbm>>
      tpu.enqueue_dma source(%arg20 : memref<16x128xf32, #tpu.memory_space<vmem>>) target(%dma_start3A_112 : memref<16x128xf32, #tpu.memory_space<hbm>>) target_semaphore(%run_scoped3A : memref<!tpu.dma_semaphore, #tpu.memory_space<semaphore_mem>>)
      %dma_wait3A = arith.constant 0 : i32
      %dma_wait3A_113 = tpu.memref_slice %arg9[%arg1, %mul3A_2, %dma_wait3A] : memref<16x32x128xf32, #tpu.memory_space<hbm>> -> memref<1x16x128xf32, #tpu.memory_space<hbm>>
      %dma_wait3A_114 = tpu.memref_squeeze %dma_wait3A_113 : memref<1x16x128xf32, #tpu.memory_space<hbm>> -> memref<16x128xf32, #tpu.memory_space<hbm>>
      %dma_wait3A_115 = arith.constant 0 : i32
      %dma_wait3A_116 = tpu.memref_slice %arg9[%arg1, %mul3A_2, %dma_wait3A_115] : memref<16x32x128xf32, #tpu.memory_space<hbm>> -> memref<1x16x128xf32, #tpu.memory_space<hbm>>
      %dma_wait3A_117 = tpu.memref_squeeze %dma_wait3A_116 : memref<1x16x128xf32, #tpu.memory_space<hbm>> -> memref<16x128xf32, #tpu.memory_space<hbm>>
      tpu.wait_dma2 semaphore(%run_scoped3A : memref<!tpu.dma_semaphore, #tpu.memory_space<semaphore_mem>>) src(%arg20 : memref<16x128xf32, #tpu.memory_space<vmem>>) dst(%dma_wait3A_117 : memref<16x128xf32, #tpu.memory_space<hbm>>)
      tpu.yield
    }) : () -> ()
    "tpu.region"() ({
      %run_scoped3A = tpu.sem_alloc : memref<!tpu.dma_semaphore, #tpu.memory_space<semaphore_mem>>
      %dma_start3A = arith.constant 0 : i32
      %dma_start3A_108 = tpu.memref_slice %arg10[%arg1, %mul3A_2, %dma_start3A] : memref<16x32x128xf32, #tpu.memory_space<hbm>> -> memref<1x16x128xf32, #tpu.memory_space<hbm>>
      %dma_start3A_109 = tpu.memref_squeeze %dma_start3A_108 : memref<1x16x128xf32, #tpu.memory_space<hbm>> -> memref<16x128xf32, #tpu.memory_space<hbm>>
      %dma_start3A_110 = arith.constant 0 : i32
      %dma_start3A_111 = tpu.memref_slice %arg10[%arg1, %mul3A_2, %dma_start3A_110] : memref<16x32x128xf32, #tpu.memory_space<hbm>> -> memref<1x16x128xf32, #tpu.memory_space<hbm>>
      %dma_start3A_112 = tpu.memref_squeeze %dma_start3A_111 : memref<1x16x128xf32, #tpu.memory_space<hbm>> -> memref<16x128xf32, #tpu.memory_space<hbm>>
      tpu.enqueue_dma source(%arg21 : memref<16x128xf32, #tpu.memory_space<vmem>>) target(%dma_start3A_112 : memref<16x128xf32, #tpu.memory_space<hbm>>) target_semaphore(%run_scoped3A : memref<!tpu.dma_semaphore, #tpu.memory_space<semaphore_mem>>)
      %dma_wait3A = arith.constant 0 : i32
      %dma_wait3A_113 = tpu.memref_slice %arg10[%arg1, %mul3A_2, %dma_wait3A] : memref<16x32x128xf32, #tpu.memory_space<hbm>> -> memref<1x16x128xf32, #tpu.memory_space<hbm>>
      %dma_wait3A_114 = tpu.memref_squeeze %dma_wait3A_113 : memref<1x16x128xf32, #tpu.memory_space<hbm>> -> memref<16x128xf32, #tpu.memory_space<hbm>>
      %dma_wait3A_115 = arith.constant 0 : i32
      %dma_wait3A_116 = tpu.memref_slice %arg10[%arg1, %mul3A_2, %dma_wait3A_115] : memref<16x32x128xf32, #tpu.memory_space<hbm>> -> memref<1x16x128xf32, #tpu.memory_space<hbm>>
      %dma_wait3A_117 = tpu.memref_squeeze %dma_wait3A_116 : memref<1x16x128xf32, #tpu.memory_space<hbm>> -> memref<16x128xf32, #tpu.memory_space<hbm>>
      tpu.wait_dma2 semaphore(%run_scoped3A : memref<!tpu.dma_semaphore, #tpu.memory_space<semaphore_mem>>) src(%arg21 : memref<16x128xf32, #tpu.memory_space<vmem>>) dst(%dma_wait3A_117 : memref<16x128xf32, #tpu.memory_space<hbm>>)
      tpu.yield
    }) : () -> ()
    return
  }
}

module attributes {stable_mosaic.version = 14 : i64} {
  func.func @_proj_body(%arg0: i32, %arg1: memref<5120x256xf32, #tpu.memory_space<vmem>>, %arg2: memref<3x256xf32, #tpu.memory_space<vmem>>, %arg3: memref<5120xf32, #tpu.memory_space<vmem>>, %arg4: memref<5120xf32, #tpu.memory_space<vmem>>, %arg5: memref<5120xf32, #tpu.memory_space<vmem>>, %arg6: memref<1x1xf32, #tpu.memory_space<smem>>) attributes {dimension_semantics = [#tpu.dimension_semantics<arbitrary>], iteration_bounds = array<i64: 2>, scalar_prefetch = 0 : i64, scratch_operands = 0 : i64, tpu.core_type = #tpu.core_type<tc>, window_params = [{transform_indices = @transform_0, window_bounds = array<i64: 5120, 256>}, {pipeline_mode = #tpu.pipeline_mode<synchronous>, transform_indices = @transform_1, window_bounds = array<i64: 3, 256>}, {transform_indices = @transform_2, window_bounds = array<i64: 5120>}, {transform_indices = @transform_3, window_bounds = array<i64: 5120>}, {transform_indices = @transform_4, window_bounds = array<i64: 5120>}, {transform_indices = @transform_5, window_bounds = array<i64: 1, 1>}]} {
    %get3A = arith.constant 0 : index
    %get3A_0 = arith.constant 0 : index
    %get3A_1 = vector.load %arg1[%get3A, %get3A_0] : memref<5120x256xf32, #tpu.memory_space<vmem>>, vector<5120x256xf32>
    %get3A_2 = arith.constant 0 : index
    %get3A_3 = arith.constant 0 : index
    %get3A_4 = vector.load %arg2[%get3A_2, %get3A_3] : memref<3x256xf32, #tpu.memory_space<vmem>>, vector<3x256xf32>
    %dot_general3A = arith.constant dense<0.000000e+00> : vector<3x5120xf32>
    %dot_general3A_5 = tpu.matmul %get3A_4, %get3A_1, %dot_general3A {dimension_numbers = #tpu.dot_dimension_numbers<[1], [1], [0], [0], [0, 0, 1, 0], [], []>, transpose_lhs_hint = false} : vector<3x256xf32>, vector<5120x256xf32>, vector<3x5120xf32> -> vector<3x5120xf32>
    %slice3A = vector.extract_strided_slice %dot_general3A_5 {offsets = [0, 0], sizes = [1, 5120], strides = [1, 1]} : vector<3x5120xf32> to vector<1x5120xf32>
    %squeeze3A = vector.shape_cast %slice3A : vector<1x5120xf32> to vector<5120xf32>
    %swap3A = arith.constant 0 : index
    %swap3A_6 = vector.load %arg3[%swap3A] : memref<5120xf32, #tpu.memory_space<vmem>>, vector<5120xf32>
    tpu.vector_store %arg3[%swap3A], %squeeze3A {strides = array<i32>} : memref<5120xf32, #tpu.memory_space<vmem>>, vector<5120xf32>,
    %slice3A_7 = vector.extract_strided_slice %dot_general3A_5 {offsets = [1, 0], sizes = [1, 5120], strides = [1, 1]} : vector<3x5120xf32> to vector<1x5120xf32>
    %squeeze3A_8 = vector.shape_cast %slice3A_7 : vector<1x5120xf32> to vector<5120xf32>
    %swap3A_9 = arith.constant 0 : index
    %swap3A_10 = vector.load %arg4[%swap3A_9] : memref<5120xf32, #tpu.memory_space<vmem>>, vector<5120xf32>
    tpu.vector_store %arg4[%swap3A_9], %squeeze3A_8 {strides = array<i32>} : memref<5120xf32, #tpu.memory_space<vmem>>, vector<5120xf32>,
    %slice3A_11 = vector.extract_strided_slice %dot_general3A_5 {offsets = [2, 0], sizes = [1, 5120], strides = [1, 1]} : vector<3x5120xf32> to vector<1x5120xf32>
    %squeeze3A_12 = vector.shape_cast %slice3A_11 : vector<1x5120xf32> to vector<5120xf32>
    %swap3A_13 = arith.constant 0 : index
    %swap3A_14 = vector.load %arg5[%swap3A_13] : memref<5120xf32, #tpu.memory_space<vmem>>, vector<5120xf32>
    tpu.vector_store %arg5[%swap3A_13], %squeeze3A_12 {strides = array<i32>} : memref<5120xf32, #tpu.memory_space<vmem>>, vector<5120xf32>,
    %iota3A = tpu.iota {dimensions = array<i32: 0>} : vector<5120x1xi32>
    %mul3A = arith.constant 5120 : i32
    %mul3A_15 = arith.muli %arg0, %mul3A : i32
    %add3A = vector.broadcast %mul3A_15 : i32 to vector<5120x1xi32>
    %add3A_16 = arith.addi %iota3A, %add3A : vector<5120x1xi32>
    %lt3A = arith.constant 10000 : i32
    %lt3A_17 = vector.broadcast %lt3A : i32 to vector<5120x1xi32>
    %lt3A_18 = arith.cmpi slt, %add3A_16, %lt3A_17 : vector<5120x1xi32>
    %jit3A = arith.constant 0.000000e+00 : f32
    %broadcast_in_dim3A = vector.shape_cast %lt3A_18 : vector<5120x1xi1> to vector<5120x1xi1>
    %broadcast_in_dim3A_19 = vector.broadcast %broadcast_in_dim3A : vector<5120x1xi1> to vector<5120x256xi1>
    %broadcast_in_dim3A_20 = vector.broadcast %jit3A : f32 to vector<5120x256xf32>
    %select_n3A = arith.select %broadcast_in_dim3A_19, %get3A_1, %broadcast_in_dim3A_20 : vector<5120x256xi1>, vector<5120x256xf32>
    %mul3A_21 = arith.mulf %select_n3A, %select_n3A : vector<5120x256xf32>
    %reduce_sum3A = vector.shape_cast %mul3A_21 : vector<5120x256xf32> to vector<1x5120x256xf32>
    %reduce_sum3A_22 = arith.constant dense<0.000000e+00> : vector<1xf32>
    %reduce_sum3A_23 = vector.multi_reduction <add>, %reduce_sum3A, %reduce_sum3A_22 [1, 2] : vector<1x5120x256xf32> to vector<1xf32>
    %reduce_sum3A_24 = vector.shape_cast %reduce_sum3A_23 : vector<1xf32> to vector<1x1x1xf32>
    %reduce_sum3A_25 = vector.extract %reduce_sum3A_24[0, 0, 0] : f32 from vector<1x1x1xf32>
    %eq3A = arith.constant 0 : i32
    %eq3A_26 = arith.cmpi eq, %arg0, %eq3A : i32
    %convert_element_type3A = arith.extui %eq3A_26 : i1 to i32
    %cond3A = arith.constant 0 : i32
    %cond3A_27 = arith.cmpi ne, %convert_element_type3A, %cond3A : i32
    scf.if %cond3A_27 {
      %swap3A_32 = arith.constant 0 : index
      %swap3A_33 = arith.constant 0 : index
      %swap3A_34 = memref.load %arg6[%swap3A_32, %swap3A_33] : memref<1x1xf32, #tpu.memory_space<smem>>
      memref.store %reduce_sum3A_25, %arg6[%swap3A_32, %swap3A_33] : memref<1x1xf32, #tpu.memory_space<smem>>
    } else {
    }
    %gt3A = arith.constant 0 : i32
    %gt3A_28 = arith.cmpi sgt, %arg0, %gt3A : i32
    %convert_element_type3A_29 = arith.extui %gt3A_28 : i1 to i32
    %cond3A_30 = arith.constant 0 : i32
    %cond3A_31 = arith.cmpi ne, %convert_element_type3A_29, %cond3A_30 : i32
    scf.if %cond3A_31 {
      %get3A_32 = arith.constant 0 : index
      %get3A_33 = arith.constant 0 : index
      %get3A_34 = memref.load %arg6[%get3A_32, %get3A_33] : memref<1x1xf32, #tpu.memory_space<smem>>
      %add3A_35 = arith.addf %get3A_34, %reduce_sum3A_25 : f32
      %swap3A_36 = arith.constant 0 : index
      %swap3A_37 = arith.constant 0 : index
      %swap3A_38 = memref.load %arg6[%swap3A_36, %swap3A_37] : memref<1x1xf32, #tpu.memory_space<smem>>
      memref.store %add3A_35, %arg6[%swap3A_36, %swap3A_37] : memref<1x1xf32, #tpu.memory_space<smem>>
    } else {
    }
    return
  }
  func.func @transform_0(%arg0: i32) -> (i32, i32) {
    %c0_i32 = arith.constant 0 : i32
    %c0_i32_0 = arith.constant 0 : i32
    return %arg0, %c0_i32 : i32, i32
  }
  func.func @transform_1(%arg0: i32) -> (i32, i32) {
    %c0_i32 = arith.constant 0 : i32
    %c0_i32_0 = arith.constant 0 : i32
    %c0_i32_1 = arith.constant 0 : i32
    return %c0_i32, %c0_i32_0 : i32, i32
  }
  func.func @transform_2(%arg0: i32) -> i32 {
    %c0_i32 = arith.constant 0 : i32
    return %arg0 : i32
  }
  func.func @transform_3(%arg0: i32) -> i32 {
    %c0_i32 = arith.constant 0 : i32
    return %arg0 : i32
  }
  func.func @transform_4(%arg0: i32) -> i32 {
    %c0_i32 = arith.constant 0 : i32
    return %arg0 : i32
  }
  func.func @transform_5(%arg0: i32) -> (i32, i32) {
    %c0_i32 = arith.constant 0 : i32
    %c0_i32_0 = arith.constant 0 : i32
    %c0_i32_1 = arith.constant 0 : i32
    return %c0_i32, %c0_i32_0 : i32, i32
  }
}

module attributes {stable_mosaic.version = 14 : i64} {
  func.func @_gru_body(%arg0: memref<1x1xf32, #tpu.memory_space<smem>>, %arg1: memref<1x3xf32, #tpu.memory_space<smem>>, %arg2: memref<2x3xf32, #tpu.memory_space<smem>>, %arg3: memref<16x32x128xf32, #tpu.memory_space<vmem>>, %arg4: memref<16x32x128xf32, #tpu.memory_space<vmem>>, %arg5: memref<16x32x128xf32, #tpu.memory_space<vmem>>, %arg6: memref<2x16x128xi32, #tpu.memory_space<vmem>>, %arg7: memref<16x128xf32, #tpu.memory_space<vmem>>, %arg8: memref<16x128xf32, #tpu.memory_space<vmem>>) attributes {dimension_semantics = [], scalar_prefetch = 0 : i64, scratch_operands = 0 : i64, tpu.core_type = #tpu.core_type<tc>} {
    %get3A = arith.constant 0 : index
    %get3A_0 = arith.constant 0 : index
    %get3A_1 = memref.load %arg0[%get3A, %get3A_0] : memref<1x1xf32, #tpu.memory_space<smem>>
    %max3A = arith.constant 9.99999996E-13 : f32
    %max3A_2 = arith.maximumf %get3A_1, %max3A : f32
    %rsqrt3A = math.rsqrt %max3A_2 : f32
    %get3A_3 = arith.constant 0 : index
    %get3A_4 = arith.constant 0 : index
    %get3A_5 = memref.load %arg1[%get3A_3, %get3A_4] : memref<1x3xf32, #tpu.memory_space<smem>>
    %get3A_6 = arith.constant 0 : index
    %get3A_7 = arith.constant 1 : index
    %get3A_8 = memref.load %arg1[%get3A_6, %get3A_7] : memref<1x3xf32, #tpu.memory_space<smem>>
    %get3A_9 = arith.constant 0 : index
    %get3A_10 = arith.constant 2 : index
    %get3A_11 = memref.load %arg1[%get3A_9, %get3A_10] : memref<1x3xf32, #tpu.memory_space<smem>>
    %get3A_12 = arith.constant 0 : index
    %get3A_13 = arith.constant 0 : index
    %get3A_14 = memref.load %arg2[%get3A_12, %get3A_13] : memref<2x3xf32, #tpu.memory_space<smem>>
    %get3A_15 = arith.constant 0 : index
    %get3A_16 = arith.constant 1 : index
    %get3A_17 = memref.load %arg2[%get3A_15, %get3A_16] : memref<2x3xf32, #tpu.memory_space<smem>>
    %get3A_18 = arith.constant 0 : index
    %get3A_19 = arith.constant 2 : index
    %get3A_20 = memref.load %arg2[%get3A_18, %get3A_19] : memref<2x3xf32, #tpu.memory_space<smem>>
    %get3A_21 = arith.constant 1 : index
    %get3A_22 = arith.constant 0 : index
    %get3A_23 = memref.load %arg2[%get3A_21, %get3A_22] : memref<2x3xf32, #tpu.memory_space<smem>>
    %get3A_24 = arith.constant 1 : index
    %get3A_25 = arith.constant 1 : index
    %get3A_26 = memref.load %arg2[%get3A_24, %get3A_25] : memref<2x3xf32, #tpu.memory_space<smem>>
    %get3A_27 = arith.constant 1 : index
    %get3A_28 = arith.constant 2 : index
    %get3A_29 = memref.load %arg2[%get3A_27, %get3A_28] : memref<2x3xf32, #tpu.memory_space<smem>>
    %get3A_30 = arith.constant 0 : index
    %get3A_31 = arith.constant 0 : index
    %get3A_32 = vector.load %arg7[%get3A_30, %get3A_31] : memref<16x128xf32, #tpu.memory_space<vmem>>, vector<16x128xf32>
    %get3A_33 = arith.constant 0 : index
    %get3A_34 = arith.constant 0 : index
    %get3A_35 = arith.constant 0 : index
    %get3A_36 = vector.load %arg6[%get3A_33, %get3A_34, %get3A_35] : memref<2x16x128xi32, #tpu.memory_space<vmem>>, vector<1x16x128xi32>
    %get3A_37 = vector.shape_cast %get3A_36 : vector<1x16x128xi32> to vector<16x128xi32>
    %get3A_38 = arith.constant 1 : index
    %get3A_39 = arith.constant 0 : index
    %get3A_40 = arith.constant 0 : index
    %get3A_41 = vector.load %arg6[%get3A_38, %get3A_39, %get3A_40] : memref<2x16x128xi32, #tpu.memory_space<vmem>>, vector<1x16x128xi32>
    %get3A_42 = vector.shape_cast %get3A_41 : vector<1x16x128xi32> to vector<16x128xi32>
    %add3A = arith.addi %get3A_37, %get3A_42 : vector<16x128xi32>
    %get3A_43 = arith.constant 0 : index
    %get3A_44 = arith.constant 0 : index
    %get3A_45 = arith.constant 0 : index
    %get3A_46 = vector.load %arg3[%get3A_43, %get3A_44, %get3A_45] : memref<16x32x128xf32, #tpu.memory_space<vmem>>, vector<16x8x128xf32>
    %get3A_47 = arith.constant 0 : index
    %get3A_48 = arith.constant 0 : index
    %get3A_49 = arith.constant 0 : index
    %get3A_50 = vector.load %arg4[%get3A_47, %get3A_48, %get3A_49] : memref<16x32x128xf32, #tpu.memory_space<vmem>>, vector<16x8x128xf32>
    %get3A_51 = arith.constant 0 : index
    %get3A_52 = arith.constant 0 : index
    %get3A_53 = arith.constant 0 : index
    %get3A_54 = vector.load %arg5[%get3A_51, %get3A_52, %get3A_53] : memref<16x32x128xf32, #tpu.memory_space<vmem>>, vector<16x8x128xf32>
    %slice3A = vector.extract_strided_slice %get3A_46 {offsets = [0, 0, 0], sizes = [16, 1, 128], strides = [1, 1, 1]} : vector<16x8x128xf32> to vector<16x1x128xf32>
    %squeeze3A = vector.shape_cast %slice3A : vector<16x1x128xf32> to vector<16x128xf32>
    %mul3A = vector.broadcast %rsqrt3A : f32 to vector<16x128xf32>
    %mul3A_55 = arith.mulf %squeeze3A, %mul3A : vector<16x128xf32>
    %add3A_56 = vector.broadcast %get3A_14 : f32 to vector<16x128xf32>
    %add3A_57 = arith.addf %mul3A_55, %add3A_56 : vector<16x128xf32>
    %slice3A_58 = vector.extract_strided_slice %get3A_50 {offsets = [0, 0, 0], sizes = [16, 1, 128], strides = [1, 1, 1]} : vector<16x8x128xf32> to vector<16x1x128xf32>
    %squeeze3A_59 = vector.shape_cast %slice3A_58 : vector<16x1x128xf32> to vector<16x128xf32>
    %mul3A_60 = vector.broadcast %rsqrt3A : f32 to vector<16x128xf32>
    %mul3A_61 = arith.mulf %squeeze3A_59, %mul3A_60 : vector<16x128xf32>
    %add3A_62 = vector.broadcast %get3A_17 : f32 to vector<16x128xf32>
    %add3A_63 = arith.addf %mul3A_61, %add3A_62 : vector<16x128xf32>
    %slice3A_64 = vector.extract_strided_slice %get3A_54 {offsets = [0, 0, 0], sizes = [16, 1, 128], strides = [1, 1, 1]} : vector<16x8x128xf32> to vector<16x1x128xf32>
    %squeeze3A_65 = vector.shape_cast %slice3A_64 : vector<16x1x128xf32> to vector<16x128xf32>
    %mul3A_66 = vector.broadcast %rsqrt3A : f32 to vector<16x128xf32>
    %mul3A_67 = arith.mulf %squeeze3A_65, %mul3A_66 : vector<16x128xf32>
    %add3A_68 = vector.broadcast %get3A_20 : f32 to vector<16x128xf32>
    %add3A_69 = arith.addf %mul3A_67, %add3A_68 : vector<16x128xf32>
    %mul3A_70 = vector.broadcast %get3A_5 : f32 to vector<16x128xf32>
    %mul3A_71 = arith.mulf %get3A_32, %mul3A_70 : vector<16x128xf32>
    %add3A_72 = arith.addf %add3A_57, %mul3A_71 : vector<16x128xf32>
    %add3A_73 = vector.broadcast %get3A_23 : f32 to vector<16x128xf32>
    %add3A_74 = arith.addf %add3A_72, %add3A_73 : vector<16x128xf32>
    %logistic3A = arith.negf %add3A_74 : vector<16x128xf32>
    %logistic3A_75 = math.exp %logistic3A : vector<16x128xf32>
    %logistic3A_76 = arith.constant 1.000000e+00 : f32
    %logistic3A_77 = vector.broadcast %logistic3A_76 : f32 to vector<16x128xf32>
    %logistic3A_78 = arith.addf %logistic3A_77, %logistic3A_75 : vector<16x128xf32>
    %logistic3A_79 = arith.divf %logistic3A_77, %logistic3A_78 : vector<16x128xf32>
    %mul3A_80 = vector.broadcast %get3A_8 : f32 to vector<16x128xf32>
    %mul3A_81 = arith.mulf %get3A_32, %mul3A_80 : vector<16x128xf32>
    %add3A_82 = arith.addf %add3A_63, %mul3A_81 : vector<16x128xf32>
    %add3A_83 = vector.broadcast %get3A_26 : f32 to vector<16x128xf32>
    %add3A_84 = arith.addf %add3A_82, %add3A_83 : vector<16x128xf32>
    %logistic3A_85 = arith.negf %add3A_84 : vector<16x128xf32>
    %logistic3A_86 = math.exp %logistic3A_85 : vector<16x128xf32>
    %logistic3A_87 = arith.constant 1.000000e+00 : f32
    %logistic3A_88 = vector.broadcast %logistic3A_87 : f32 to vector<16x128xf32>
    %logistic3A_89 = arith.addf %logistic3A_88, %logistic3A_86 : vector<16x128xf32>
    %logistic3A_90 = arith.divf %logistic3A_88, %logistic3A_89 : vector<16x128xf32>
    %mul3A_91 = vector.broadcast %get3A_11 : f32 to vector<16x128xf32>
    %mul3A_92 = arith.mulf %get3A_32, %mul3A_91 : vector<16x128xf32>
    %add3A_93 = vector.broadcast %get3A_29 : f32 to vector<16x128xf32>
    %add3A_94 = arith.addf %mul3A_92, %add3A_93 : vector<16x128xf32>
    %mul3A_95 = arith.mulf %logistic3A_90, %add3A_94 : vector<16x128xf32>
    %add3A_96 = arith.addf %add3A_69, %mul3A_95 : vector<16x128xf32>
    %tanh3A = math.tanh %add3A_96 : vector<16x128xf32>
    %gt3A = arith.constant 0 : i32
    %gt3A_97 = vector.broadcast %gt3A : i32 to vector<16x128xi32>
    %gt3A_98 = arith.cmpi sgt, %add3A, %gt3A_97 : vector<16x128xi32>
    %mul3A_99 = arith.mulf %logistic3A_79, %get3A_32 : vector<16x128xf32>
    %sub3A = arith.constant 1.000000e+00 : f32
    %sub3A_100 = vector.broadcast %sub3A : f32 to vector<16x128xf32>
    %sub3A_101 = arith.subf %sub3A_100, %logistic3A_79 : vector<16x128xf32>
    %mul3A_102 = arith.mulf %sub3A_101, %tanh3A : vector<16x128xf32>
    %add3A_103 = arith.addf %mul3A_99, %mul3A_102 : vector<16x128xf32>
    %select_n3A = arith.select %gt3A_98, %add3A_103, %get3A_32 : vector<16x128xi1>, vector<16x128xf32>
    %slice3A_104 = vector.extract_strided_slice %get3A_46 {offsets = [0, 1, 0], sizes = [16, 1, 128], strides = [1, 1, 1]} : vector<16x8x128xf32> to vector<16x1x128xf32>
    %squeeze3A_105 = vector.shape_cast %slice3A_104 : vector<16x1x128xf32> to vector<16x128xf32>
    %mul3A_106 = vector.broadcast %rsqrt3A : f32 to vector<16x128xf32>
    %mul3A_107 = arith.mulf %squeeze3A_105, %mul3A_106 : vector<16x128xf32>
    %add3A_108 = vector.broadcast %get3A_14 : f32 to vector<16x128xf32>
    %add3A_109 = arith.addf %mul3A_107, %add3A_108 : vector<16x128xf32>
    %slice3A_110 = vector.extract_strided_slice %get3A_50 {offsets = [0, 1, 0], sizes = [16, 1, 128], strides = [1, 1, 1]} : vector<16x8x128xf32> to vector<16x1x128xf32>
    %squeeze3A_111 = vector.shape_cast %slice3A_110 : vector<16x1x128xf32> to vector<16x128xf32>
    %mul3A_112 = vector.broadcast %rsqrt3A : f32 to vector<16x128xf32>
    %mul3A_113 = arith.mulf %squeeze3A_111, %mul3A_112 : vector<16x128xf32>
    %add3A_114 = vector.broadcast %get3A_17 : f32 to vector<16x128xf32>
    %add3A_115 = arith.addf %mul3A_113, %add3A_114 : vector<16x128xf32>
    %slice3A_116 = vector.extract_strided_slice %get3A_54 {offsets = [0, 1, 0], sizes = [16, 1, 128], strides = [1, 1, 1]} : vector<16x8x128xf32> to vector<16x1x128xf32>
    %squeeze3A_117 = vector.shape_cast %slice3A_116 : vector<16x1x128xf32> to vector<16x128xf32>
    %mul3A_118 = vector.broadcast %rsqrt3A : f32 to vector<16x128xf32>
    %mul3A_119 = arith.mulf %squeeze3A_117, %mul3A_118 : vector<16x128xf32>
    %add3A_120 = vector.broadcast %get3A_20 : f32 to vector<16x128xf32>
    %add3A_121 = arith.addf %mul3A_119, %add3A_120 : vector<16x128xf32>
    %mul3A_122 = vector.broadcast %get3A_5 : f32 to vector<16x128xf32>
    %mul3A_123 = arith.mulf %select_n3A, %mul3A_122 : vector<16x128xf32>
    %add3A_124 = arith.addf %add3A_109, %mul3A_123 : vector<16x128xf32>
    %add3A_125 = vector.broadcast %get3A_23 : f32 to vector<16x128xf32>
    %add3A_126 = arith.addf %add3A_124, %add3A_125 : vector<16x128xf32>
    %logistic3A_127 = arith.negf %add3A_126 : vector<16x128xf32>
    %logistic3A_128 = math.exp %logistic3A_127 : vector<16x128xf32>
    %logistic3A_129 = arith.constant 1.000000e+00 : f32
    %logistic3A_130 = vector.broadcast %logistic3A_129 : f32 to vector<16x128xf32>
    %logistic3A_131 = arith.addf %logistic3A_130, %logistic3A_128 : vector<16x128xf32>
    %logistic3A_132 = arith.divf %logistic3A_130, %logistic3A_131 : vector<16x128xf32>
    %mul3A_133 = vector.broadcast %get3A_8 : f32 to vector<16x128xf32>
    %mul3A_134 = arith.mulf %select_n3A, %mul3A_133 : vector<16x128xf32>
    %add3A_135 = arith.addf %add3A_115, %mul3A_134 : vector<16x128xf32>
    %add3A_136 = vector.broadcast %get3A_26 : f32 to vector<16x128xf32>
    %add3A_137 = arith.addf %add3A_135, %add3A_136 : vector<16x128xf32>
    %logistic3A_138 = arith.negf %add3A_137 : vector<16x128xf32>
    %logistic3A_139 = math.exp %logistic3A_138 : vector<16x128xf32>
    %logistic3A_140 = arith.constant 1.000000e+00 : f32
    %logistic3A_141 = vector.broadcast %logistic3A_140 : f32 to vector<16x128xf32>
    %logistic3A_142 = arith.addf %logistic3A_141, %logistic3A_139 : vector<16x128xf32>
    %logistic3A_143 = arith.divf %logistic3A_141, %logistic3A_142 : vector<16x128xf32>
    %mul3A_144 = vector.broadcast %get3A_11 : f32 to vector<16x128xf32>
    %mul3A_145 = arith.mulf %select_n3A, %mul3A_144 : vector<16x128xf32>
    %add3A_146 = vector.broadcast %get3A_29 : f32 to vector<16x128xf32>
    %add3A_147 = arith.addf %mul3A_145, %add3A_146 : vector<16x128xf32>
    %mul3A_148 = arith.mulf %logistic3A_143, %add3A_147 : vector<16x128xf32>
    %add3A_149 = arith.addf %add3A_121, %mul3A_148 : vector<16x128xf32>
    %tanh3A_150 = math.tanh %add3A_149 : vector<16x128xf32>
    %gt3A_151 = arith.constant 1 : i32
    %gt3A_152 = vector.broadcast %gt3A_151 : i32 to vector<16x128xi32>
    %gt3A_153 = arith.cmpi sgt, %add3A, %gt3A_152 : vector<16x128xi32>
    %mul3A_154 = arith.mulf %logistic3A_132, %select_n3A : vector<16x128xf32>
    %sub3A_155 = arith.constant 1.000000e+00 : f32
    %sub3A_156 = vector.broadcast %sub3A_155 : f32 to vector<16x128xf32>
    %sub3A_157 = arith.subf %sub3A_156, %logistic3A_132 : vector<16x128xf32>
    %mul3A_158 = arith.mulf %sub3A_157, %tanh3A_150 : vector<16x128xf32>
    %add3A_159 = arith.addf %mul3A_154, %mul3A_158 : vector<16x128xf32>
    %select_n3A_160 = arith.select %gt3A_153, %add3A_159, %select_n3A : vector<16x128xi1>, vector<16x128xf32>
    %slice3A_161 = vector.extract_strided_slice %get3A_46 {offsets = [0, 2, 0], sizes = [16, 1, 128], strides = [1, 1, 1]} : vector<16x8x128xf32> to vector<16x1x128xf32>
    %squeeze3A_162 = vector.shape_cast %slice3A_161 : vector<16x1x128xf32> to vector<16x128xf32>
    %mul3A_163 = vector.broadcast %rsqrt3A : f32 to vector<16x128xf32>
    %mul3A_164 = arith.mulf %squeeze3A_162, %mul3A_163 : vector<16x128xf32>
    %add3A_165 = vector.broadcast %get3A_14 : f32 to vector<16x128xf32>
    %add3A_166 = arith.addf %mul3A_164, %add3A_165 : vector<16x128xf32>
    %slice3A_167 = vector.extract_strided_slice %get3A_50 {offsets = [0, 2, 0], sizes = [16, 1, 128], strides = [1, 1, 1]} : vector<16x8x128xf32> to vector<16x1x128xf32>
    %squeeze3A_168 = vector.shape_cast %slice3A_167 : vector<16x1x128xf32> to vector<16x128xf32>
    %mul3A_169 = vector.broadcast %rsqrt3A : f32 to vector<16x128xf32>
    %mul3A_170 = arith.mulf %squeeze3A_168, %mul3A_169 : vector<16x128xf32>
    %add3A_171 = vector.broadcast %get3A_17 : f32 to vector<16x128xf32>
    %add3A_172 = arith.addf %mul3A_170, %add3A_171 : vector<16x128xf32>
    %slice3A_173 = vector.extract_strided_slice %get3A_54 {offsets = [0, 2, 0], sizes = [16, 1, 128], strides = [1, 1, 1]} : vector<16x8x128xf32> to vector<16x1x128xf32>
    %squeeze3A_174 = vector.shape_cast %slice3A_173 : vector<16x1x128xf32> to vector<16x128xf32>
    %mul3A_175 = vector.broadcast %rsqrt3A : f32 to vector<16x128xf32>
    %mul3A_176 = arith.mulf %squeeze3A_174, %mul3A_175 : vector<16x128xf32>
    %add3A_177 = vector.broadcast %get3A_20 : f32 to vector<16x128xf32>
    %add3A_178 = arith.addf %mul3A_176, %add3A_177 : vector<16x128xf32>
    %mul3A_179 = vector.broadcast %get3A_5 : f32 to vector<16x128xf32>
    %mul3A_180 = arith.mulf %select_n3A_160, %mul3A_179 : vector<16x128xf32>
    %add3A_181 = arith.addf %add3A_166, %mul3A_180 : vector<16x128xf32>
    %add3A_182 = vector.broadcast %get3A_23 : f32 to vector<16x128xf32>
    %add3A_183 = arith.addf %add3A_181, %add3A_182 : vector<16x128xf32>
    %logistic3A_184 = arith.negf %add3A_183 : vector<16x128xf32>
    %logistic3A_185 = math.exp %logistic3A_184 : vector<16x128xf32>
    %logistic3A_186 = arith.constant 1.000000e+00 : f32
    %logistic3A_187 = vector.broadcast %logistic3A_186 : f32 to vector<16x128xf32>
    %logistic3A_188 = arith.addf %logistic3A_187, %logistic3A_185 : vector<16x128xf32>
    %logistic3A_189 = arith.divf %logistic3A_187, %logistic3A_188 : vector<16x128xf32>
    %mul3A_190 = vector.broadcast %get3A_8 : f32 to vector<16x128xf32>
    %mul3A_191 = arith.mulf %select_n3A_160, %mul3A_190 : vector<16x128xf32>
    %add3A_192 = arith.addf %add3A_172, %mul3A_191 : vector<16x128xf32>
    %add3A_193 = vector.broadcast %get3A_26 : f32 to vector<16x128xf32>
    %add3A_194 = arith.addf %add3A_192, %add3A_193 : vector<16x128xf32>
    %logistic3A_195 = arith.negf %add3A_194 : vector<16x128xf32>
    %logistic3A_196 = math.exp %logistic3A_195 : vector<16x128xf32>
    %logistic3A_197 = arith.constant 1.000000e+00 : f32
    %logistic3A_198 = vector.broadcast %logistic3A_197 : f32 to vector<16x128xf32>
    %logistic3A_199 = arith.addf %logistic3A_198, %logistic3A_196 : vector<16x128xf32>
    %logistic3A_200 = arith.divf %logistic3A_198, %logistic3A_199 : vector<16x128xf32>
    %mul3A_201 = vector.broadcast %get3A_11 : f32 to vector<16x128xf32>
    %mul3A_202 = arith.mulf %select_n3A_160, %mul3A_201 : vector<16x128xf32>
    %add3A_203 = vector.broadcast %get3A_29 : f32 to vector<16x128xf32>
    %add3A_204 = arith.addf %mul3A_202, %add3A_203 : vector<16x128xf32>
    %mul3A_205 = arith.mulf %logistic3A_200, %add3A_204 : vector<16x128xf32>
    %add3A_206 = arith.addf %add3A_178, %mul3A_205 : vector<16x128xf32>
    %tanh3A_207 = math.tanh %add3A_206 : vector<16x128xf32>
    %gt3A_208 = arith.constant 2 : i32
    %gt3A_209 = vector.broadcast %gt3A_208 : i32 to vector<16x128xi32>
    %gt3A_210 = arith.cmpi sgt, %add3A, %gt3A_209 : vector<16x128xi32>
    %mul3A_211 = arith.mulf %logistic3A_189, %select_n3A_160 : vector<16x128xf32>
    %sub3A_212 = arith.constant 1.000000e+00 : f32
    %sub3A_213 = vector.broadcast %sub3A_212 : f32 to vector<16x128xf32>
    %sub3A_214 = arith.subf %sub3A_213, %logistic3A_189 : vector<16x128xf32>
    %mul3A_215 = arith.mulf %sub3A_214, %tanh3A_207 : vector<16x128xf32>
    %add3A_216 = arith.addf %mul3A_211, %mul3A_215 : vector<16x128xf32>
    %select_n3A_217 = arith.select %gt3A_210, %add3A_216, %select_n3A_160 : vector<16x128xi1>, vector<16x128xf32>
    %slice3A_218 = vector.extract_strided_slice %get3A_46 {offsets = [0, 3, 0], sizes = [16, 1, 128], strides = [1, 1, 1]} : vector<16x8x128xf32> to vector<16x1x128xf32>
    %squeeze3A_219 = vector.shape_cast %slice3A_218 : vector<16x1x128xf32> to vector<16x128xf32>
    %mul3A_220 = vector.broadcast %rsqrt3A : f32 to vector<16x128xf32>
    %mul3A_221 = arith.mulf %squeeze3A_219, %mul3A_220 : vector<16x128xf32>
    %add3A_222 = vector.broadcast %get3A_14 : f32 to vector<16x128xf32>
    %add3A_223 = arith.addf %mul3A_221, %add3A_222 : vector<16x128xf32>
    %slice3A_224 = vector.extract_strided_slice %get3A_50 {offsets = [0, 3, 0], sizes = [16, 1, 128], strides = [1, 1, 1]} : vector<16x8x128xf32> to vector<16x1x128xf32>
    %squeeze3A_225 = vector.shape_cast %slice3A_224 : vector<16x1x128xf32> to vector<16x128xf32>
    %mul3A_226 = vector.broadcast %rsqrt3A : f32 to vector<16x128xf32>
    %mul3A_227 = arith.mulf %squeeze3A_225, %mul3A_226 : vector<16x128xf32>
    %add3A_228 = vector.broadcast %get3A_17 : f32 to vector<16x128xf32>
    %add3A_229 = arith.addf %mul3A_227, %add3A_228 : vector<16x128xf32>
    %slice3A_230 = vector.extract_strided_slice %get3A_54 {offsets = [0, 3, 0], sizes = [16, 1, 128], strides = [1, 1, 1]} : vector<16x8x128xf32> to vector<16x1x128xf32>
    %squeeze3A_231 = vector.shape_cast %slice3A_230 : vector<16x1x128xf32> to vector<16x128xf32>
    %mul3A_232 = vector.broadcast %rsqrt3A : f32 to vector<16x128xf32>
    %mul3A_233 = arith.mulf %squeeze3A_231, %mul3A_232 : vector<16x128xf32>
    %add3A_234 = vector.broadcast %get3A_20 : f32 to vector<16x128xf32>
    %add3A_235 = arith.addf %mul3A_233, %add3A_234 : vector<16x128xf32>
    %mul3A_236 = vector.broadcast %get3A_5 : f32 to vector<16x128xf32>
    %mul3A_237 = arith.mulf %select_n3A_217, %mul3A_236 : vector<16x128xf32>
    %add3A_238 = arith.addf %add3A_223, %mul3A_237 : vector<16x128xf32>
    %add3A_239 = vector.broadcast %get3A_23 : f32 to vector<16x128xf32>
    %add3A_240 = arith.addf %add3A_238, %add3A_239 : vector<16x128xf32>
    %logistic3A_241 = arith.negf %add3A_240 : vector<16x128xf32>
    %logistic3A_242 = math.exp %logistic3A_241 : vector<16x128xf32>
    %logistic3A_243 = arith.constant 1.000000e+00 : f32
    %logistic3A_244 = vector.broadcast %logistic3A_243 : f32 to vector<16x128xf32>
    %logistic3A_245 = arith.addf %logistic3A_244, %logistic3A_242 : vector<16x128xf32>
    %logistic3A_246 = arith.divf %logistic3A_244, %logistic3A_245 : vector<16x128xf32>
    %mul3A_247 = vector.broadcast %get3A_8 : f32 to vector<16x128xf32>
    %mul3A_248 = arith.mulf %select_n3A_217, %mul3A_247 : vector<16x128xf32>
    %add3A_249 = arith.addf %add3A_229, %mul3A_248 : vector<16x128xf32>
    %add3A_250 = vector.broadcast %get3A_26 : f32 to vector<16x128xf32>
    %add3A_251 = arith.addf %add3A_249, %add3A_250 : vector<16x128xf32>
    %logistic3A_252 = arith.negf %add3A_251 : vector<16x128xf32>
    %logistic3A_253 = math.exp %logistic3A_252 : vector<16x128xf32>
    %logistic3A_254 = arith.constant 1.000000e+00 : f32
    %logistic3A_255 = vector.broadcast %logistic3A_254 : f32 to vector<16x128xf32>
    %logistic3A_256 = arith.addf %logistic3A_255, %logistic3A_253 : vector<16x128xf32>
    %logistic3A_257 = arith.divf %logistic3A_255, %logistic3A_256 : vector<16x128xf32>
    %mul3A_258 = vector.broadcast %get3A_11 : f32 to vector<16x128xf32>
    %mul3A_259 = arith.mulf %select_n3A_217, %mul3A_258 : vector<16x128xf32>
    %add3A_260 = vector.broadcast %get3A_29 : f32 to vector<16x128xf32>
    %add3A_261 = arith.addf %mul3A_259, %add3A_260 : vector<16x128xf32>
    %mul3A_262 = arith.mulf %logistic3A_257, %add3A_261 : vector<16x128xf32>
    %add3A_263 = arith.addf %add3A_235, %mul3A_262 : vector<16x128xf32>
    %tanh3A_264 = math.tanh %add3A_263 : vector<16x128xf32>
    %gt3A_265 = arith.constant 3 : i32
    %gt3A_266 = vector.broadcast %gt3A_265 : i32 to vector<16x128xi32>
    %gt3A_267 = arith.cmpi sgt, %add3A, %gt3A_266 : vector<16x128xi32>
    %mul3A_268 = arith.mulf %logistic3A_246, %select_n3A_217 : vector<16x128xf32>
    %sub3A_269 = arith.constant 1.000000e+00 : f32
    %sub3A_270 = vector.broadcast %sub3A_269 : f32 to vector<16x128xf32>
    %sub3A_271 = arith.subf %sub3A_270, %logistic3A_246 : vector<16x128xf32>
    %mul3A_272 = arith.mulf %sub3A_271, %tanh3A_264 : vector<16x128xf32>
    %add3A_273 = arith.addf %mul3A_268, %mul3A_272 : vector<16x128xf32>
    %select_n3A_274 = arith.select %gt3A_267, %add3A_273, %select_n3A_217 : vector<16x128xi1>, vector<16x128xf32>
    %slice3A_275 = vector.extract_strided_slice %get3A_46 {offsets = [0, 4, 0], sizes = [16, 1, 128], strides = [1, 1, 1]} : vector<16x8x128xf32> to vector<16x1x128xf32>
    %squeeze3A_276 = vector.shape_cast %slice3A_275 : vector<16x1x128xf32> to vector<16x128xf32>
    %mul3A_277 = vector.broadcast %rsqrt3A : f32 to vector<16x128xf32>
    %mul3A_278 = arith.mulf %squeeze3A_276, %mul3A_277 : vector<16x128xf32>
    %add3A_279 = vector.broadcast %get3A_14 : f32 to vector<16x128xf32>
    %add3A_280 = arith.addf %mul3A_278, %add3A_279 : vector<16x128xf32>
    %slice3A_281 = vector.extract_strided_slice %get3A_50 {offsets = [0, 4, 0], sizes = [16, 1, 128], strides = [1, 1, 1]} : vector<16x8x128xf32> to vector<16x1x128xf32>
    %squeeze3A_282 = vector.shape_cast %slice3A_281 : vector<16x1x128xf32> to vector<16x128xf32>
    %mul3A_283 = vector.broadcast %rsqrt3A : f32 to vector<16x128xf32>
    %mul3A_284 = arith.mulf %squeeze3A_282, %mul3A_283 : vector<16x128xf32>
    %add3A_285 = vector.broadcast %get3A_17 : f32 to vector<16x128xf32>
    %add3A_286 = arith.addf %mul3A_284, %add3A_285 : vector<16x128xf32>
    %slice3A_287 = vector.extract_strided_slice %get3A_54 {offsets = [0, 4, 0], sizes = [16, 1, 128], strides = [1, 1, 1]} : vector<16x8x128xf32> to vector<16x1x128xf32>
    %squeeze3A_288 = vector.shape_cast %slice3A_287 : vector<16x1x128xf32> to vector<16x128xf32>
    %mul3A_289 = vector.broadcast %rsqrt3A : f32 to vector<16x128xf32>
    %mul3A_290 = arith.mulf %squeeze3A_288, %mul3A_289 : vector<16x128xf32>
    %add3A_291 = vector.broadcast %get3A_20 : f32 to vector<16x128xf32>
    %add3A_292 = arith.addf %mul3A_290, %add3A_291 : vector<16x128xf32>
    %mul3A_293 = vector.broadcast %get3A_5 : f32 to vector<16x128xf32>
    %mul3A_294 = arith.mulf %select_n3A_274, %mul3A_293 : vector<16x128xf32>
    %add3A_295 = arith.addf %add3A_280, %mul3A_294 : vector<16x128xf32>
    %add3A_296 = vector.broadcast %get3A_23 : f32 to vector<16x128xf32>
    %add3A_297 = arith.addf %add3A_295, %add3A_296 : vector<16x128xf32>
    %logistic3A_298 = arith.negf %add3A_297 : vector<16x128xf32>
    %logistic3A_299 = math.exp %logistic3A_298 : vector<16x128xf32>
    %logistic3A_300 = arith.constant 1.000000e+00 : f32
    %logistic3A_301 = vector.broadcast %logistic3A_300 : f32 to vector<16x128xf32>
    %logistic3A_302 = arith.addf %logistic3A_301, %logistic3A_299 : vector<16x128xf32>
    %logistic3A_303 = arith.divf %logistic3A_301, %logistic3A_302 : vector<16x128xf32>
    %mul3A_304 = vector.broadcast %get3A_8 : f32 to vector<16x128xf32>
    %mul3A_305 = arith.mulf %select_n3A_274, %mul3A_304 : vector<16x128xf32>
    %add3A_306 = arith.addf %add3A_286, %mul3A_305 : vector<16x128xf32>
    %add3A_307 = vector.broadcast %get3A_26 : f32 to vector<16x128xf32>
    %add3A_308 = arith.addf %add3A_306, %add3A_307 : vector<16x128xf32>
    %logistic3A_309 = arith.negf %add3A_308 : vector<16x128xf32>
    %logistic3A_310 = math.exp %logistic3A_309 : vector<16x128xf32>
    %logistic3A_311 = arith.constant 1.000000e+00 : f32
    %logistic3A_312 = vector.broadcast %logistic3A_311 : f32 to vector<16x128xf32>
    %logistic3A_313 = arith.addf %logistic3A_312, %logistic3A_310 : vector<16x128xf32>
    %logistic3A_314 = arith.divf %logistic3A_312, %logistic3A_313 : vector<16x128xf32>
    %mul3A_315 = vector.broadcast %get3A_11 : f32 to vector<16x128xf32>
    %mul3A_316 = arith.mulf %select_n3A_274, %mul3A_315 : vector<16x128xf32>
    %add3A_317 = vector.broadcast %get3A_29 : f32 to vector<16x128xf32>
    %add3A_318 = arith.addf %mul3A_316, %add3A_317 : vector<16x128xf32>
    %mul3A_319 = arith.mulf %logistic3A_314, %add3A_318 : vector<16x128xf32>
    %add3A_320 = arith.addf %add3A_292, %mul3A_319 : vector<16x128xf32>
    %tanh3A_321 = math.tanh %add3A_320 : vector<16x128xf32>
    %gt3A_322 = arith.constant 4 : i32
    %gt3A_323 = vector.broadcast %gt3A_322 : i32 to vector<16x128xi32>
    %gt3A_324 = arith.cmpi sgt, %add3A, %gt3A_323 : vector<16x128xi32>
    %mul3A_325 = arith.mulf %logistic3A_303, %select_n3A_274 : vector<16x128xf32>
    %sub3A_326 = arith.constant 1.000000e+00 : f32
    %sub3A_327 = vector.broadcast %sub3A_326 : f32 to vector<16x128xf32>
    %sub3A_328 = arith.subf %sub3A_327, %logistic3A_303 : vector<16x128xf32>
    %mul3A_329 = arith.mulf %sub3A_328, %tanh3A_321 : vector<16x128xf32>
    %add3A_330 = arith.addf %mul3A_325, %mul3A_329 : vector<16x128xf32>
    %select_n3A_331 = arith.select %gt3A_324, %add3A_330, %select_n3A_274 : vector<16x128xi1>, vector<16x128xf32>
    %slice3A_332 = vector.extract_strided_slice %get3A_46 {offsets = [0, 5, 0], sizes = [16, 1, 128], strides = [1, 1, 1]} : vector<16x8x128xf32> to vector<16x1x128xf32>
    %squeeze3A_333 = vector.shape_cast %slice3A_332 : vector<16x1x128xf32> to vector<16x128xf32>
    %mul3A_334 = vector.broadcast %rsqrt3A : f32 to vector<16x128xf32>
    %mul3A_335 = arith.mulf %squeeze3A_333, %mul3A_334 : vector<16x128xf32>
    %add3A_336 = vector.broadcast %get3A_14 : f32 to vector<16x128xf32>
    %add3A_337 = arith.addf %mul3A_335, %add3A_336 : vector<16x128xf32>
    %slice3A_338 = vector.extract_strided_slice %get3A_50 {offsets = [0, 5, 0], sizes = [16, 1, 128], strides = [1, 1, 1]} : vector<16x8x128xf32> to vector<16x1x128xf32>
    %squeeze3A_339 = vector.shape_cast %slice3A_338 : vector<16x1x128xf32> to vector<16x128xf32>
    %mul3A_340 = vector.broadcast %rsqrt3A : f32 to vector<16x128xf32>
    %mul3A_341 = arith.mulf %squeeze3A_339, %mul3A_340 : vector<16x128xf32>
    %add3A_342 = vector.broadcast %get3A_17 : f32 to vector<16x128xf32>
    %add3A_343 = arith.addf %mul3A_341, %add3A_342 : vector<16x128xf32>
    %slice3A_344 = vector.extract_strided_slice %get3A_54 {offsets = [0, 5, 0], sizes = [16, 1, 128], strides = [1, 1, 1]} : vector<16x8x128xf32> to vector<16x1x128xf32>
    %squeeze3A_345 = vector.shape_cast %slice3A_344 : vector<16x1x128xf32> to vector<16x128xf32>
    %mul3A_346 = vector.broadcast %rsqrt3A : f32 to vector<16x128xf32>
    %mul3A_347 = arith.mulf %squeeze3A_345, %mul3A_346 : vector<16x128xf32>
    %add3A_348 = vector.broadcast %get3A_20 : f32 to vector<16x128xf32>
    %add3A_349 = arith.addf %mul3A_347, %add3A_348 : vector<16x128xf32>
    %mul3A_350 = vector.broadcast %get3A_5 : f32 to vector<16x128xf32>
    %mul3A_351 = arith.mulf %select_n3A_331, %mul3A_350 : vector<16x128xf32>
    %add3A_352 = arith.addf %add3A_337, %mul3A_351 : vector<16x128xf32>
    %add3A_353 = vector.broadcast %get3A_23 : f32 to vector<16x128xf32>
    %add3A_354 = arith.addf %add3A_352, %add3A_353 : vector<16x128xf32>
    %logistic3A_355 = arith.negf %add3A_354 : vector<16x128xf32>
    %logistic3A_356 = math.exp %logistic3A_355 : vector<16x128xf32>
    %logistic3A_357 = arith.constant 1.000000e+00 : f32
    %logistic3A_358 = vector.broadcast %logistic3A_357 : f32 to vector<16x128xf32>
    %logistic3A_359 = arith.addf %logistic3A_358, %logistic3A_356 : vector<16x128xf32>
    %logistic3A_360 = arith.divf %logistic3A_358, %logistic3A_359 : vector<16x128xf32>
    %mul3A_361 = vector.broadcast %get3A_8 : f32 to vector<16x128xf32>
    %mul3A_362 = arith.mulf %select_n3A_331, %mul3A_361 : vector<16x128xf32>
    %add3A_363 = arith.addf %add3A_343, %mul3A_362 : vector<16x128xf32>
    %add3A_364 = vector.broadcast %get3A_26 : f32 to vector<16x128xf32>
    %add3A_365 = arith.addf %add3A_363, %add3A_364 : vector<16x128xf32>
    %logistic3A_366 = arith.negf %add3A_365 : vector<16x128xf32>
    %logistic3A_367 = math.exp %logistic3A_366 : vector<16x128xf32>
    %logistic3A_368 = arith.constant 1.000000e+00 : f32
    %logistic3A_369 = vector.broadcast %logistic3A_368 : f32 to vector<16x128xf32>
    %logistic3A_370 = arith.addf %logistic3A_369, %logistic3A_367 : vector<16x128xf32>
    %logistic3A_371 = arith.divf %logistic3A_369, %logistic3A_370 : vector<16x128xf32>
    %mul3A_372 = vector.broadcast %get3A_11 : f32 to vector<16x128xf32>
    %mul3A_373 = arith.mulf %select_n3A_331, %mul3A_372 : vector<16x128xf32>
    %add3A_374 = vector.broadcast %get3A_29 : f32 to vector<16x128xf32>
    %add3A_375 = arith.addf %mul3A_373, %add3A_374 : vector<16x128xf32>
    %mul3A_376 = arith.mulf %logistic3A_371, %add3A_375 : vector<16x128xf32>
    %add3A_377 = arith.addf %add3A_349, %mul3A_376 : vector<16x128xf32>
    %tanh3A_378 = math.tanh %add3A_377 : vector<16x128xf32>
    %gt3A_379 = arith.constant 5 : i32
    %gt3A_380 = vector.broadcast %gt3A_379 : i32 to vector<16x128xi32>
    %gt3A_381 = arith.cmpi sgt, %add3A, %gt3A_380 : vector<16x128xi32>
    %mul3A_382 = arith.mulf %logistic3A_360, %select_n3A_331 : vector<16x128xf32>
    %sub3A_383 = arith.constant 1.000000e+00 : f32
    %sub3A_384 = vector.broadcast %sub3A_383 : f32 to vector<16x128xf32>
    %sub3A_385 = arith.subf %sub3A_384, %logistic3A_360 : vector<16x128xf32>
    %mul3A_386 = arith.mulf %sub3A_385, %tanh3A_378 : vector<16x128xf32>
    %add3A_387 = arith.addf %mul3A_382, %mul3A_386 : vector<16x128xf32>
    %select_n3A_388 = arith.select %gt3A_381, %add3A_387, %select_n3A_331 : vector<16x128xi1>, vector<16x128xf32>
    %slice3A_389 = vector.extract_strided_slice %get3A_46 {offsets = [0, 6, 0], sizes = [16, 1, 128], strides = [1, 1, 1]} : vector<16x8x128xf32> to vector<16x1x128xf32>
    %squeeze3A_390 = vector.shape_cast %slice3A_389 : vector<16x1x128xf32> to vector<16x128xf32>
    %mul3A_391 = vector.broadcast %rsqrt3A : f32 to vector<16x128xf32>
    %mul3A_392 = arith.mulf %squeeze3A_390, %mul3A_391 : vector<16x128xf32>
    %add3A_393 = vector.broadcast %get3A_14 : f32 to vector<16x128xf32>
    %add3A_394 = arith.addf %mul3A_392, %add3A_393 : vector<16x128xf32>
    %slice3A_395 = vector.extract_strided_slice %get3A_50 {offsets = [0, 6, 0], sizes = [16, 1, 128], strides = [1, 1, 1]} : vector<16x8x128xf32> to vector<16x1x128xf32>
    %squeeze3A_396 = vector.shape_cast %slice3A_395 : vector<16x1x128xf32> to vector<16x128xf32>
    %mul3A_397 = vector.broadcast %rsqrt3A : f32 to vector<16x128xf32>
    %mul3A_398 = arith.mulf %squeeze3A_396, %mul3A_397 : vector<16x128xf32>
    %add3A_399 = vector.broadcast %get3A_17 : f32 to vector<16x128xf32>
    %add3A_400 = arith.addf %mul3A_398, %add3A_399 : vector<16x128xf32>
    %slice3A_401 = vector.extract_strided_slice %get3A_54 {offsets = [0, 6, 0], sizes = [16, 1, 128], strides = [1, 1, 1]} : vector<16x8x128xf32> to vector<16x1x128xf32>
    %squeeze3A_402 = vector.shape_cast %slice3A_401 : vector<16x1x128xf32> to vector<16x128xf32>
    %mul3A_403 = vector.broadcast %rsqrt3A : f32 to vector<16x128xf32>
    %mul3A_404 = arith.mulf %squeeze3A_402, %mul3A_403 : vector<16x128xf32>
    %add3A_405 = vector.broadcast %get3A_20 : f32 to vector<16x128xf32>
    %add3A_406 = arith.addf %mul3A_404, %add3A_405 : vector<16x128xf32>
    %mul3A_407 = vector.broadcast %get3A_5 : f32 to vector<16x128xf32>
    %mul3A_408 = arith.mulf %select_n3A_388, %mul3A_407 : vector<16x128xf32>
    %add3A_409 = arith.addf %add3A_394, %mul3A_408 : vector<16x128xf32>
    %add3A_410 = vector.broadcast %get3A_23 : f32 to vector<16x128xf32>
    %add3A_411 = arith.addf %add3A_409, %add3A_410 : vector<16x128xf32>
    %logistic3A_412 = arith.negf %add3A_411 : vector<16x128xf32>
    %logistic3A_413 = math.exp %logistic3A_412 : vector<16x128xf32>
    %logistic3A_414 = arith.constant 1.000000e+00 : f32
    %logistic3A_415 = vector.broadcast %logistic3A_414 : f32 to vector<16x128xf32>
    %logistic3A_416 = arith.addf %logistic3A_415, %logistic3A_413 : vector<16x128xf32>
    %logistic3A_417 = arith.divf %logistic3A_415, %logistic3A_416 : vector<16x128xf32>
    %mul3A_418 = vector.broadcast %get3A_8 : f32 to vector<16x128xf32>
    %mul3A_419 = arith.mulf %select_n3A_388, %mul3A_418 : vector<16x128xf32>
    %add3A_420 = arith.addf %add3A_400, %mul3A_419 : vector<16x128xf32>
    %add3A_421 = vector.broadcast %get3A_26 : f32 to vector<16x128xf32>
    %add3A_422 = arith.addf %add3A_420, %add3A_421 : vector<16x128xf32>
    %logistic3A_423 = arith.negf %add3A_422 : vector<16x128xf32>
    %logistic3A_424 = math.exp %logistic3A_423 : vector<16x128xf32>
    %logistic3A_425 = arith.constant 1.000000e+00 : f32
    %logistic3A_426 = vector.broadcast %logistic3A_425 : f32 to vector<16x128xf32>
    %logistic3A_427 = arith.addf %logistic3A_426, %logistic3A_424 : vector<16x128xf32>
    %logistic3A_428 = arith.divf %logistic3A_426, %logistic3A_427 : vector<16x128xf32>
    %mul3A_429 = vector.broadcast %get3A_11 : f32 to vector<16x128xf32>
    %mul3A_430 = arith.mulf %select_n3A_388, %mul3A_429 : vector<16x128xf32>
    %add3A_431 = vector.broadcast %get3A_29 : f32 to vector<16x128xf32>
    %add3A_432 = arith.addf %mul3A_430, %add3A_431 : vector<16x128xf32>
    %mul3A_433 = arith.mulf %logistic3A_428, %add3A_432 : vector<16x128xf32>
    %add3A_434 = arith.addf %add3A_406, %mul3A_433 : vector<16x128xf32>
    %tanh3A_435 = math.tanh %add3A_434 : vector<16x128xf32>
    %gt3A_436 = arith.constant 6 : i32
    %gt3A_437 = vector.broadcast %gt3A_436 : i32 to vector<16x128xi32>
    %gt3A_438 = arith.cmpi sgt, %add3A, %gt3A_437 : vector<16x128xi32>
    %mul3A_439 = arith.mulf %logistic3A_417, %select_n3A_388 : vector<16x128xf32>
    %sub3A_440 = arith.constant 1.000000e+00 : f32
    %sub3A_441 = vector.broadcast %sub3A_440 : f32 to vector<16x128xf32>
    %sub3A_442 = arith.subf %sub3A_441, %logistic3A_417 : vector<16x128xf32>
    %mul3A_443 = arith.mulf %sub3A_442, %tanh3A_435 : vector<16x128xf32>
    %add3A_444 = arith.addf %mul3A_439, %mul3A_443 : vector<16x128xf32>
    %select_n3A_445 = arith.select %gt3A_438, %add3A_444, %select_n3A_388 : vector<16x128xi1>, vector<16x128xf32>
    %slice3A_446 = vector.extract_strided_slice %get3A_46 {offsets = [0, 7, 0], sizes = [16, 1, 128], strides = [1, 1, 1]} : vector<16x8x128xf32> to vector<16x1x128xf32>
    %squeeze3A_447 = vector.shape_cast %slice3A_446 : vector<16x1x128xf32> to vector<16x128xf32>
    %mul3A_448 = vector.broadcast %rsqrt3A : f32 to vector<16x128xf32>
    %mul3A_449 = arith.mulf %squeeze3A_447, %mul3A_448 : vector<16x128xf32>
    %add3A_450 = vector.broadcast %get3A_14 : f32 to vector<16x128xf32>
    %add3A_451 = arith.addf %mul3A_449, %add3A_450 : vector<16x128xf32>
    %slice3A_452 = vector.extract_strided_slice %get3A_50 {offsets = [0, 7, 0], sizes = [16, 1, 128], strides = [1, 1, 1]} : vector<16x8x128xf32> to vector<16x1x128xf32>
    %squeeze3A_453 = vector.shape_cast %slice3A_452 : vector<16x1x128xf32> to vector<16x128xf32>
    %mul3A_454 = vector.broadcast %rsqrt3A : f32 to vector<16x128xf32>
    %mul3A_455 = arith.mulf %squeeze3A_453, %mul3A_454 : vector<16x128xf32>
    %add3A_456 = vector.broadcast %get3A_17 : f32 to vector<16x128xf32>
    %add3A_457 = arith.addf %mul3A_455, %add3A_456 : vector<16x128xf32>
    %slice3A_458 = vector.extract_strided_slice %get3A_54 {offsets = [0, 7, 0], sizes = [16, 1, 128], strides = [1, 1, 1]} : vector<16x8x128xf32> to vector<16x1x128xf32>
    %squeeze3A_459 = vector.shape_cast %slice3A_458 : vector<16x1x128xf32> to vector<16x128xf32>
    %mul3A_460 = vector.broadcast %rsqrt3A : f32 to vector<16x128xf32>
    %mul3A_461 = arith.mulf %squeeze3A_459, %mul3A_460 : vector<16x128xf32>
    %add3A_462 = vector.broadcast %get3A_20 : f32 to vector<16x128xf32>
    %add3A_463 = arith.addf %mul3A_461, %add3A_462 : vector<16x128xf32>
    %mul3A_464 = vector.broadcast %get3A_5 : f32 to vector<16x128xf32>
    %mul3A_465 = arith.mulf %select_n3A_445, %mul3A_464 : vector<16x128xf32>
    %add3A_466 = arith.addf %add3A_451, %mul3A_465 : vector<16x128xf32>
    %add3A_467 = vector.broadcast %get3A_23 : f32 to vector<16x128xf32>
    %add3A_468 = arith.addf %add3A_466, %add3A_467 : vector<16x128xf32>
    %logistic3A_469 = arith.negf %add3A_468 : vector<16x128xf32>
    %logistic3A_470 = math.exp %logistic3A_469 : vector<16x128xf32>
    %logistic3A_471 = arith.constant 1.000000e+00 : f32
    %logistic3A_472 = vector.broadcast %logistic3A_471 : f32 to vector<16x128xf32>
    %logistic3A_473 = arith.addf %logistic3A_472, %logistic3A_470 : vector<16x128xf32>
    %logistic3A_474 = arith.divf %logistic3A_472, %logistic3A_473 : vector<16x128xf32>
    %mul3A_475 = vector.broadcast %get3A_8 : f32 to vector<16x128xf32>
    %mul3A_476 = arith.mulf %select_n3A_445, %mul3A_475 : vector<16x128xf32>
    %add3A_477 = arith.addf %add3A_457, %mul3A_476 : vector<16x128xf32>
    %add3A_478 = vector.broadcast %get3A_26 : f32 to vector<16x128xf32>
    %add3A_479 = arith.addf %add3A_477, %add3A_478 : vector<16x128xf32>
    %logistic3A_480 = arith.negf %add3A_479 : vector<16x128xf32>
    %logistic3A_481 = math.exp %logistic3A_480 : vector<16x128xf32>
    %logistic3A_482 = arith.constant 1.000000e+00 : f32
    %logistic3A_483 = vector.broadcast %logistic3A_482 : f32 to vector<16x128xf32>
    %logistic3A_484 = arith.addf %logistic3A_483, %logistic3A_481 : vector<16x128xf32>
    %logistic3A_485 = arith.divf %logistic3A_483, %logistic3A_484 : vector<16x128xf32>
    %mul3A_486 = vector.broadcast %get3A_11 : f32 to vector<16x128xf32>
    %mul3A_487 = arith.mulf %select_n3A_445, %mul3A_486 : vector<16x128xf32>
    %add3A_488 = vector.broadcast %get3A_29 : f32 to vector<16x128xf32>
    %add3A_489 = arith.addf %mul3A_487, %add3A_488 : vector<16x128xf32>
    %mul3A_490 = arith.mulf %logistic3A_485, %add3A_489 : vector<16x128xf32>
    %add3A_491 = arith.addf %add3A_463, %mul3A_490 : vector<16x128xf32>
    %tanh3A_492 = math.tanh %add3A_491 : vector<16x128xf32>
    %gt3A_493 = arith.constant 7 : i32
    %gt3A_494 = vector.broadcast %gt3A_493 : i32 to vector<16x128xi32>
    %gt3A_495 = arith.cmpi sgt, %add3A, %gt3A_494 : vector<16x128xi32>
    %mul3A_496 = arith.mulf %logistic3A_474, %select_n3A_445 : vector<16x128xf32>
    %sub3A_497 = arith.constant 1.000000e+00 : f32
    %sub3A_498 = vector.broadcast %sub3A_497 : f32 to vector<16x128xf32>
    %sub3A_499 = arith.subf %sub3A_498, %logistic3A_474 : vector<16x128xf32>
    %mul3A_500 = arith.mulf %sub3A_499, %tanh3A_492 : vector<16x128xf32>
    %add3A_501 = arith.addf %mul3A_496, %mul3A_500 : vector<16x128xf32>
    %select_n3A_502 = arith.select %gt3A_495, %add3A_501, %select_n3A_445 : vector<16x128xi1>, vector<16x128xf32>
    %get3A_503 = arith.constant 0 : index
    %get3A_504 = arith.constant 8 : index
    %get3A_505 = arith.constant 0 : index
    %get3A_506 = vector.load %arg3[%get3A_503, %get3A_504, %get3A_505] : memref<16x32x128xf32, #tpu.memory_space<vmem>>, vector<16x8x128xf32>
    %get3A_507 = arith.constant 0 : index
    %get3A_508 = arith.constant 8 : index
    %get3A_509 = arith.constant 0 : index
    %get3A_510 = vector.load %arg4[%get3A_507, %get3A_508, %get3A_509] : memref<16x32x128xf32, #tpu.memory_space<vmem>>, vector<16x8x128xf32>
    %get3A_511 = arith.constant 0 : index
    %get3A_512 = arith.constant 8 : index
    %get3A_513 = arith.constant 0 : index
    %get3A_514 = vector.load %arg5[%get3A_511, %get3A_512, %get3A_513] : memref<16x32x128xf32, #tpu.memory_space<vmem>>, vector<16x8x128xf32>
    %slice3A_515 = vector.extract_strided_slice %get3A_506 {offsets = [0, 0, 0], sizes = [16, 1, 128], strides = [1, 1, 1]} : vector<16x8x128xf32> to vector<16x1x128xf32>
    %squeeze3A_516 = vector.shape_cast %slice3A_515 : vector<16x1x128xf32> to vector<16x128xf32>
    %mul3A_517 = vector.broadcast %rsqrt3A : f32 to vector<16x128xf32>
    %mul3A_518 = arith.mulf %squeeze3A_516, %mul3A_517 : vector<16x128xf32>
    %add3A_519 = vector.broadcast %get3A_14 : f32 to vector<16x128xf32>
    %add3A_520 = arith.addf %mul3A_518, %add3A_519 : vector<16x128xf32>
    %slice3A_521 = vector.extract_strided_slice %get3A_510 {offsets = [0, 0, 0], sizes = [16, 1, 128], strides = [1, 1, 1]} : vector<16x8x128xf32> to vector<16x1x128xf32>
    %squeeze3A_522 = vector.shape_cast %slice3A_521 : vector<16x1x128xf32> to vector<16x128xf32>
    %mul3A_523 = vector.broadcast %rsqrt3A : f32 to vector<16x128xf32>
    %mul3A_524 = arith.mulf %squeeze3A_522, %mul3A_523 : vector<16x128xf32>
    %add3A_525 = vector.broadcast %get3A_17 : f32 to vector<16x128xf32>
    %add3A_526 = arith.addf %mul3A_524, %add3A_525 : vector<16x128xf32>
    %slice3A_527 = vector.extract_strided_slice %get3A_514 {offsets = [0, 0, 0], sizes = [16, 1, 128], strides = [1, 1, 1]} : vector<16x8x128xf32> to vector<16x1x128xf32>
    %squeeze3A_528 = vector.shape_cast %slice3A_527 : vector<16x1x128xf32> to vector<16x128xf32>
    %mul3A_529 = vector.broadcast %rsqrt3A : f32 to vector<16x128xf32>
    %mul3A_530 = arith.mulf %squeeze3A_528, %mul3A_529 : vector<16x128xf32>
    %add3A_531 = vector.broadcast %get3A_20 : f32 to vector<16x128xf32>
    %add3A_532 = arith.addf %mul3A_530, %add3A_531 : vector<16x128xf32>
    %mul3A_533 = vector.broadcast %get3A_5 : f32 to vector<16x128xf32>
    %mul3A_534 = arith.mulf %select_n3A_502, %mul3A_533 : vector<16x128xf32>
    %add3A_535 = arith.addf %add3A_520, %mul3A_534 : vector<16x128xf32>
    %add3A_536 = vector.broadcast %get3A_23 : f32 to vector<16x128xf32>
    %add3A_537 = arith.addf %add3A_535, %add3A_536 : vector<16x128xf32>
    %logistic3A_538 = arith.negf %add3A_537 : vector<16x128xf32>
    %logistic3A_539 = math.exp %logistic3A_538 : vector<16x128xf32>
    %logistic3A_540 = arith.constant 1.000000e+00 : f32
    %logistic3A_541 = vector.broadcast %logistic3A_540 : f32 to vector<16x128xf32>
    %logistic3A_542 = arith.addf %logistic3A_541, %logistic3A_539 : vector<16x128xf32>
    %logistic3A_543 = arith.divf %logistic3A_541, %logistic3A_542 : vector<16x128xf32>
    %mul3A_544 = vector.broadcast %get3A_8 : f32 to vector<16x128xf32>
    %mul3A_545 = arith.mulf %select_n3A_502, %mul3A_544 : vector<16x128xf32>
    %add3A_546 = arith.addf %add3A_526, %mul3A_545 : vector<16x128xf32>
    %add3A_547 = vector.broadcast %get3A_26 : f32 to vector<16x128xf32>
    %add3A_548 = arith.addf %add3A_546, %add3A_547 : vector<16x128xf32>
    %logistic3A_549 = arith.negf %add3A_548 : vector<16x128xf32>
    %logistic3A_550 = math.exp %logistic3A_549 : vector<16x128xf32>
    %logistic3A_551 = arith.constant 1.000000e+00 : f32
    %logistic3A_552 = vector.broadcast %logistic3A_551 : f32 to vector<16x128xf32>
    %logistic3A_553 = arith.addf %logistic3A_552, %logistic3A_550 : vector<16x128xf32>
    %logistic3A_554 = arith.divf %logistic3A_552, %logistic3A_553 : vector<16x128xf32>
    %mul3A_555 = vector.broadcast %get3A_11 : f32 to vector<16x128xf32>
    %mul3A_556 = arith.mulf %select_n3A_502, %mul3A_555 : vector<16x128xf32>
    %add3A_557 = vector.broadcast %get3A_29 : f32 to vector<16x128xf32>
    %add3A_558 = arith.addf %mul3A_556, %add3A_557 : vector<16x128xf32>
    %mul3A_559 = arith.mulf %logistic3A_554, %add3A_558 : vector<16x128xf32>
    %add3A_560 = arith.addf %add3A_532, %mul3A_559 : vector<16x128xf32>
    %tanh3A_561 = math.tanh %add3A_560 : vector<16x128xf32>
    %gt3A_562 = arith.constant 8 : i32
    %gt3A_563 = vector.broadcast %gt3A_562 : i32 to vector<16x128xi32>
    %gt3A_564 = arith.cmpi sgt, %add3A, %gt3A_563 : vector<16x128xi32>
    %mul3A_565 = arith.mulf %logistic3A_543, %select_n3A_502 : vector<16x128xf32>
    %sub3A_566 = arith.constant 1.000000e+00 : f32
    %sub3A_567 = vector.broadcast %sub3A_566 : f32 to vector<16x128xf32>
    %sub3A_568 = arith.subf %sub3A_567, %logistic3A_543 : vector<16x128xf32>
    %mul3A_569 = arith.mulf %sub3A_568, %tanh3A_561 : vector<16x128xf32>
    %add3A_570 = arith.addf %mul3A_565, %mul3A_569 : vector<16x128xf32>
    %select_n3A_571 = arith.select %gt3A_564, %add3A_570, %select_n3A_502 : vector<16x128xi1>, vector<16x128xf32>
    %slice3A_572 = vector.extract_strided_slice %get3A_506 {offsets = [0, 1, 0], sizes = [16, 1, 128], strides = [1, 1, 1]} : vector<16x8x128xf32> to vector<16x1x128xf32>
    %squeeze3A_573 = vector.shape_cast %slice3A_572 : vector<16x1x128xf32> to vector<16x128xf32>
    %mul3A_574 = vector.broadcast %rsqrt3A : f32 to vector<16x128xf32>
    %mul3A_575 = arith.mulf %squeeze3A_573, %mul3A_574 : vector<16x128xf32>
    %add3A_576 = vector.broadcast %get3A_14 : f32 to vector<16x128xf32>
    %add3A_577 = arith.addf %mul3A_575, %add3A_576 : vector<16x128xf32>
    %slice3A_578 = vector.extract_strided_slice %get3A_510 {offsets = [0, 1, 0], sizes = [16, 1, 128], strides = [1, 1, 1]} : vector<16x8x128xf32> to vector<16x1x128xf32>
    %squeeze3A_579 = vector.shape_cast %slice3A_578 : vector<16x1x128xf32> to vector<16x128xf32>
    %mul3A_580 = vector.broadcast %rsqrt3A : f32 to vector<16x128xf32>
    %mul3A_581 = arith.mulf %squeeze3A_579, %mul3A_580 : vector<16x128xf32>
    %add3A_582 = vector.broadcast %get3A_17 : f32 to vector<16x128xf32>
    %add3A_583 = arith.addf %mul3A_581, %add3A_582 : vector<16x128xf32>
    %slice3A_584 = vector.extract_strided_slice %get3A_514 {offsets = [0, 1, 0], sizes = [16, 1, 128], strides = [1, 1, 1]} : vector<16x8x128xf32> to vector<16x1x128xf32>
    %squeeze3A_585 = vector.shape_cast %slice3A_584 : vector<16x1x128xf32> to vector<16x128xf32>
    %mul3A_586 = vector.broadcast %rsqrt3A : f32 to vector<16x128xf32>
    %mul3A_587 = arith.mulf %squeeze3A_585, %mul3A_586 : vector<16x128xf32>
    %add3A_588 = vector.broadcast %get3A_20 : f32 to vector<16x128xf32>
    %add3A_589 = arith.addf %mul3A_587, %add3A_588 : vector<16x128xf32>
    %mul3A_590 = vector.broadcast %get3A_5 : f32 to vector<16x128xf32>
    %mul3A_591 = arith.mulf %select_n3A_571, %mul3A_590 : vector<16x128xf32>
    %add3A_592 = arith.addf %add3A_577, %mul3A_591 : vector<16x128xf32>
    %add3A_593 = vector.broadcast %get3A_23 : f32 to vector<16x128xf32>
    %add3A_594 = arith.addf %add3A_592, %add3A_593 : vector<16x128xf32>
    %logistic3A_595 = arith.negf %add3A_594 : vector<16x128xf32>
    %logistic3A_596 = math.exp %logistic3A_595 : vector<16x128xf32>
    %logistic3A_597 = arith.constant 1.000000e+00 : f32
    %logistic3A_598 = vector.broadcast %logistic3A_597 : f32 to vector<16x128xf32>
    %logistic3A_599 = arith.addf %logistic3A_598, %logistic3A_596 : vector<16x128xf32>
    %logistic3A_600 = arith.divf %logistic3A_598, %logistic3A_599 : vector<16x128xf32>
    %mul3A_601 = vector.broadcast %get3A_8 : f32 to vector<16x128xf32>
    %mul3A_602 = arith.mulf %select_n3A_571, %mul3A_601 : vector<16x128xf32>
    %add3A_603 = arith.addf %add3A_583, %mul3A_602 : vector<16x128xf32>
    %add3A_604 = vector.broadcast %get3A_26 : f32 to vector<16x128xf32>
    %add3A_605 = arith.addf %add3A_603, %add3A_604 : vector<16x128xf32>
    %logistic3A_606 = arith.negf %add3A_605 : vector<16x128xf32>
    %logistic3A_607 = math.exp %logistic3A_606 : vector<16x128xf32>
    %logistic3A_608 = arith.constant 1.000000e+00 : f32
    %logistic3A_609 = vector.broadcast %logistic3A_608 : f32 to vector<16x128xf32>
    %logistic3A_610 = arith.addf %logistic3A_609, %logistic3A_607 : vector<16x128xf32>
    %logistic3A_611 = arith.divf %logistic3A_609, %logistic3A_610 : vector<16x128xf32>
    %mul3A_612 = vector.broadcast %get3A_11 : f32 to vector<16x128xf32>
    %mul3A_613 = arith.mulf %select_n3A_571, %mul3A_612 : vector<16x128xf32>
    %add3A_614 = vector.broadcast %get3A_29 : f32 to vector<16x128xf32>
    %add3A_615 = arith.addf %mul3A_613, %add3A_614 : vector<16x128xf32>
    %mul3A_616 = arith.mulf %logistic3A_611, %add3A_615 : vector<16x128xf32>
    %add3A_617 = arith.addf %add3A_589, %mul3A_616 : vector<16x128xf32>
    %tanh3A_618 = math.tanh %add3A_617 : vector<16x128xf32>
    %gt3A_619 = arith.constant 9 : i32
    %gt3A_620 = vector.broadcast %gt3A_619 : i32 to vector<16x128xi32>
    %gt3A_621 = arith.cmpi sgt, %add3A, %gt3A_620 : vector<16x128xi32>
    %mul3A_622 = arith.mulf %logistic3A_600, %select_n3A_571 : vector<16x128xf32>
    %sub3A_623 = arith.constant 1.000000e+00 : f32
    %sub3A_624 = vector.broadcast %sub3A_623 : f32 to vector<16x128xf32>
    %sub3A_625 = arith.subf %sub3A_624, %logistic3A_600 : vector<16x128xf32>
    %mul3A_626 = arith.mulf %sub3A_625, %tanh3A_618 : vector<16x128xf32>
    %add3A_627 = arith.addf %mul3A_622, %mul3A_626 : vector<16x128xf32>
    %select_n3A_628 = arith.select %gt3A_621, %add3A_627, %select_n3A_571 : vector<16x128xi1>, vector<16x128xf32>
    %slice3A_629 = vector.extract_strided_slice %get3A_506 {offsets = [0, 2, 0], sizes = [16, 1, 128], strides = [1, 1, 1]} : vector<16x8x128xf32> to vector<16x1x128xf32>
    %squeeze3A_630 = vector.shape_cast %slice3A_629 : vector<16x1x128xf32> to vector<16x128xf32>
    %mul3A_631 = vector.broadcast %rsqrt3A : f32 to vector<16x128xf32>
    %mul3A_632 = arith.mulf %squeeze3A_630, %mul3A_631 : vector<16x128xf32>
    %add3A_633 = vector.broadcast %get3A_14 : f32 to vector<16x128xf32>
    %add3A_634 = arith.addf %mul3A_632, %add3A_633 : vector<16x128xf32>
    %slice3A_635 = vector.extract_strided_slice %get3A_510 {offsets = [0, 2, 0], sizes = [16, 1, 128], strides = [1, 1, 1]} : vector<16x8x128xf32> to vector<16x1x128xf32>
    %squeeze3A_636 = vector.shape_cast %slice3A_635 : vector<16x1x128xf32> to vector<16x128xf32>
    %mul3A_637 = vector.broadcast %rsqrt3A : f32 to vector<16x128xf32>
    %mul3A_638 = arith.mulf %squeeze3A_636, %mul3A_637 : vector<16x128xf32>
    %add3A_639 = vector.broadcast %get3A_17 : f32 to vector<16x128xf32>
    %add3A_640 = arith.addf %mul3A_638, %add3A_639 : vector<16x128xf32>
    %slice3A_641 = vector.extract_strided_slice %get3A_514 {offsets = [0, 2, 0], sizes = [16, 1, 128], strides = [1, 1, 1]} : vector<16x8x128xf32> to vector<16x1x128xf32>
    %squeeze3A_642 = vector.shape_cast %slice3A_641 : vector<16x1x128xf32> to vector<16x128xf32>
    %mul3A_643 = vector.broadcast %rsqrt3A : f32 to vector<16x128xf32>
    %mul3A_644 = arith.mulf %squeeze3A_642, %mul3A_643 : vector<16x128xf32>
    %add3A_645 = vector.broadcast %get3A_20 : f32 to vector<16x128xf32>
    %add3A_646 = arith.addf %mul3A_644, %add3A_645 : vector<16x128xf32>
    %mul3A_647 = vector.broadcast %get3A_5 : f32 to vector<16x128xf32>
    %mul3A_648 = arith.mulf %select_n3A_628, %mul3A_647 : vector<16x128xf32>
    %add3A_649 = arith.addf %add3A_634, %mul3A_648 : vector<16x128xf32>
    %add3A_650 = vector.broadcast %get3A_23 : f32 to vector<16x128xf32>
    %add3A_651 = arith.addf %add3A_649, %add3A_650 : vector<16x128xf32>
    %logistic3A_652 = arith.negf %add3A_651 : vector<16x128xf32>
    %logistic3A_653 = math.exp %logistic3A_652 : vector<16x128xf32>
    %logistic3A_654 = arith.constant 1.000000e+00 : f32
    %logistic3A_655 = vector.broadcast %logistic3A_654 : f32 to vector<16x128xf32>
    %logistic3A_656 = arith.addf %logistic3A_655, %logistic3A_653 : vector<16x128xf32>
    %logistic3A_657 = arith.divf %logistic3A_655, %logistic3A_656 : vector<16x128xf32>
    %mul3A_658 = vector.broadcast %get3A_8 : f32 to vector<16x128xf32>
    %mul3A_659 = arith.mulf %select_n3A_628, %mul3A_658 : vector<16x128xf32>
    %add3A_660 = arith.addf %add3A_640, %mul3A_659 : vector<16x128xf32>
    %add3A_661 = vector.broadcast %get3A_26 : f32 to vector<16x128xf32>
    %add3A_662 = arith.addf %add3A_660, %add3A_661 : vector<16x128xf32>
    %logistic3A_663 = arith.negf %add3A_662 : vector<16x128xf32>
    %logistic3A_664 = math.exp %logistic3A_663 : vector<16x128xf32>
    %logistic3A_665 = arith.constant 1.000000e+00 : f32
    %logistic3A_666 = vector.broadcast %logistic3A_665 : f32 to vector<16x128xf32>
    %logistic3A_667 = arith.addf %logistic3A_666, %logistic3A_664 : vector<16x128xf32>
    %logistic3A_668 = arith.divf %logistic3A_666, %logistic3A_667 : vector<16x128xf32>
    %mul3A_669 = vector.broadcast %get3A_11 : f32 to vector<16x128xf32>
    %mul3A_670 = arith.mulf %select_n3A_628, %mul3A_669 : vector<16x128xf32>
    %add3A_671 = vector.broadcast %get3A_29 : f32 to vector<16x128xf32>
    %add3A_672 = arith.addf %mul3A_670, %add3A_671 : vector<16x128xf32>
    %mul3A_673 = arith.mulf %logistic3A_668, %add3A_672 : vector<16x128xf32>
    %add3A_674 = arith.addf %add3A_646, %mul3A_673 : vector<16x128xf32>
    %tanh3A_675 = math.tanh %add3A_674 : vector<16x128xf32>
    %gt3A_676 = arith.constant 10 : i32
    %gt3A_677 = vector.broadcast %gt3A_676 : i32 to vector<16x128xi32>
    %gt3A_678 = arith.cmpi sgt, %add3A, %gt3A_677 : vector<16x128xi32>
    %mul3A_679 = arith.mulf %logistic3A_657, %select_n3A_628 : vector<16x128xf32>
    %sub3A_680 = arith.constant 1.000000e+00 : f32
    %sub3A_681 = vector.broadcast %sub3A_680 : f32 to vector<16x128xf32>
    %sub3A_682 = arith.subf %sub3A_681, %logistic3A_657 : vector<16x128xf32>
    %mul3A_683 = arith.mulf %sub3A_682, %tanh3A_675 : vector<16x128xf32>
    %add3A_684 = arith.addf %mul3A_679, %mul3A_683 : vector<16x128xf32>
    %select_n3A_685 = arith.select %gt3A_678, %add3A_684, %select_n3A_628 : vector<16x128xi1>, vector<16x128xf32>
    %slice3A_686 = vector.extract_strided_slice %get3A_506 {offsets = [0, 3, 0], sizes = [16, 1, 128], strides = [1, 1, 1]} : vector<16x8x128xf32> to vector<16x1x128xf32>
    %squeeze3A_687 = vector.shape_cast %slice3A_686 : vector<16x1x128xf32> to vector<16x128xf32>
    %mul3A_688 = vector.broadcast %rsqrt3A : f32 to vector<16x128xf32>
    %mul3A_689 = arith.mulf %squeeze3A_687, %mul3A_688 : vector<16x128xf32>
    %add3A_690 = vector.broadcast %get3A_14 : f32 to vector<16x128xf32>
    %add3A_691 = arith.addf %mul3A_689, %add3A_690 : vector<16x128xf32>
    %slice3A_692 = vector.extract_strided_slice %get3A_510 {offsets = [0, 3, 0], sizes = [16, 1, 128], strides = [1, 1, 1]} : vector<16x8x128xf32> to vector<16x1x128xf32>
    %squeeze3A_693 = vector.shape_cast %slice3A_692 : vector<16x1x128xf32> to vector<16x128xf32>
    %mul3A_694 = vector.broadcast %rsqrt3A : f32 to vector<16x128xf32>
    %mul3A_695 = arith.mulf %squeeze3A_693, %mul3A_694 : vector<16x128xf32>
    %add3A_696 = vector.broadcast %get3A_17 : f32 to vector<16x128xf32>
    %add3A_697 = arith.addf %mul3A_695, %add3A_696 : vector<16x128xf32>
    %slice3A_698 = vector.extract_strided_slice %get3A_514 {offsets = [0, 3, 0], sizes = [16, 1, 128], strides = [1, 1, 1]} : vector<16x8x128xf32> to vector<16x1x128xf32>
    %squeeze3A_699 = vector.shape_cast %slice3A_698 : vector<16x1x128xf32> to vector<16x128xf32>
    %mul3A_700 = vector.broadcast %rsqrt3A : f32 to vector<16x128xf32>
    %mul3A_701 = arith.mulf %squeeze3A_699, %mul3A_700 : vector<16x128xf32>
    %add3A_702 = vector.broadcast %get3A_20 : f32 to vector<16x128xf32>
    %add3A_703 = arith.addf %mul3A_701, %add3A_702 : vector<16x128xf32>
    %mul3A_704 = vector.broadcast %get3A_5 : f32 to vector<16x128xf32>
    %mul3A_705 = arith.mulf %select_n3A_685, %mul3A_704 : vector<16x128xf32>
    %add3A_706 = arith.addf %add3A_691, %mul3A_705 : vector<16x128xf32>
    %add3A_707 = vector.broadcast %get3A_23 : f32 to vector<16x128xf32>
    %add3A_708 = arith.addf %add3A_706, %add3A_707 : vector<16x128xf32>
    %logistic3A_709 = arith.negf %add3A_708 : vector<16x128xf32>
    %logistic3A_710 = math.exp %logistic3A_709 : vector<16x128xf32>
    %logistic3A_711 = arith.constant 1.000000e+00 : f32
    %logistic3A_712 = vector.broadcast %logistic3A_711 : f32 to vector<16x128xf32>
    %logistic3A_713 = arith.addf %logistic3A_712, %logistic3A_710 : vector<16x128xf32>
    %logistic3A_714 = arith.divf %logistic3A_712, %logistic3A_713 : vector<16x128xf32>
    %mul3A_715 = vector.broadcast %get3A_8 : f32 to vector<16x128xf32>
    %mul3A_716 = arith.mulf %select_n3A_685, %mul3A_715 : vector<16x128xf32>
    %add3A_717 = arith.addf %add3A_697, %mul3A_716 : vector<16x128xf32>
    %add3A_718 = vector.broadcast %get3A_26 : f32 to vector<16x128xf32>
    %add3A_719 = arith.addf %add3A_717, %add3A_718 : vector<16x128xf32>
    %logistic3A_720 = arith.negf %add3A_719 : vector<16x128xf32>
    %logistic3A_721 = math.exp %logistic3A_720 : vector<16x128xf32>
    %logistic3A_722 = arith.constant 1.000000e+00 : f32
    %logistic3A_723 = vector.broadcast %logistic3A_722 : f32 to vector<16x128xf32>
    %logistic3A_724 = arith.addf %logistic3A_723, %logistic3A_721 : vector<16x128xf32>
    %logistic3A_725 = arith.divf %logistic3A_723, %logistic3A_724 : vector<16x128xf32>
    %mul3A_726 = vector.broadcast %get3A_11 : f32 to vector<16x128xf32>
    %mul3A_727 = arith.mulf %select_n3A_685, %mul3A_726 : vector<16x128xf32>
    %add3A_728 = vector.broadcast %get3A_29 : f32 to vector<16x128xf32>
    %add3A_729 = arith.addf %mul3A_727, %add3A_728 : vector<16x128xf32>
    %mul3A_730 = arith.mulf %logistic3A_725, %add3A_729 : vector<16x128xf32>
    %add3A_731 = arith.addf %add3A_703, %mul3A_730 : vector<16x128xf32>
    %tanh3A_732 = math.tanh %add3A_731 : vector<16x128xf32>
    %gt3A_733 = arith.constant 11 : i32
    %gt3A_734 = vector.broadcast %gt3A_733 : i32 to vector<16x128xi32>
    %gt3A_735 = arith.cmpi sgt, %add3A, %gt3A_734 : vector<16x128xi32>
    %mul3A_736 = arith.mulf %logistic3A_714, %select_n3A_685 : vector<16x128xf32>
    %sub3A_737 = arith.constant 1.000000e+00 : f32
    %sub3A_738 = vector.broadcast %sub3A_737 : f32 to vector<16x128xf32>
    %sub3A_739 = arith.subf %sub3A_738, %logistic3A_714 : vector<16x128xf32>
    %mul3A_740 = arith.mulf %sub3A_739, %tanh3A_732 : vector<16x128xf32>
    %add3A_741 = arith.addf %mul3A_736, %mul3A_740 : vector<16x128xf32>
    %select_n3A_742 = arith.select %gt3A_735, %add3A_741, %select_n3A_685 : vector<16x128xi1>, vector<16x128xf32>
    %slice3A_743 = vector.extract_strided_slice %get3A_506 {offsets = [0, 4, 0], sizes = [16, 1, 128], strides = [1, 1, 1]} : vector<16x8x128xf32> to vector<16x1x128xf32>
    %squeeze3A_744 = vector.shape_cast %slice3A_743 : vector<16x1x128xf32> to vector<16x128xf32>
    %mul3A_745 = vector.broadcast %rsqrt3A : f32 to vector<16x128xf32>
    %mul3A_746 = arith.mulf %squeeze3A_744, %mul3A_745 : vector<16x128xf32>
    %add3A_747 = vector.broadcast %get3A_14 : f32 to vector<16x128xf32>
    %add3A_748 = arith.addf %mul3A_746, %add3A_747 : vector<16x128xf32>
    %slice3A_749 = vector.extract_strided_slice %get3A_510 {offsets = [0, 4, 0], sizes = [16, 1, 128], strides = [1, 1, 1]} : vector<16x8x128xf32> to vector<16x1x128xf32>
    %squeeze3A_750 = vector.shape_cast %slice3A_749 : vector<16x1x128xf32> to vector<16x128xf32>
    %mul3A_751 = vector.broadcast %rsqrt3A : f32 to vector<16x128xf32>
    %mul3A_752 = arith.mulf %squeeze3A_750, %mul3A_751 : vector<16x128xf32>
    %add3A_753 = vector.broadcast %get3A_17 : f32 to vector<16x128xf32>
    %add3A_754 = arith.addf %mul3A_752, %add3A_753 : vector<16x128xf32>
    %slice3A_755 = vector.extract_strided_slice %get3A_514 {offsets = [0, 4, 0], sizes = [16, 1, 128], strides = [1, 1, 1]} : vector<16x8x128xf32> to vector<16x1x128xf32>
    %squeeze3A_756 = vector.shape_cast %slice3A_755 : vector<16x1x128xf32> to vector<16x128xf32>
    %mul3A_757 = vector.broadcast %rsqrt3A : f32 to vector<16x128xf32>
    %mul3A_758 = arith.mulf %squeeze3A_756, %mul3A_757 : vector<16x128xf32>
    %add3A_759 = vector.broadcast %get3A_20 : f32 to vector<16x128xf32>
    %add3A_760 = arith.addf %mul3A_758, %add3A_759 : vector<16x128xf32>
    %mul3A_761 = vector.broadcast %get3A_5 : f32 to vector<16x128xf32>
    %mul3A_762 = arith.mulf %select_n3A_742, %mul3A_761 : vector<16x128xf32>
    %add3A_763 = arith.addf %add3A_748, %mul3A_762 : vector<16x128xf32>
    %add3A_764 = vector.broadcast %get3A_23 : f32 to vector<16x128xf32>
    %add3A_765 = arith.addf %add3A_763, %add3A_764 : vector<16x128xf32>
    %logistic3A_766 = arith.negf %add3A_765 : vector<16x128xf32>
    %logistic3A_767 = math.exp %logistic3A_766 : vector<16x128xf32>
    %logistic3A_768 = arith.constant 1.000000e+00 : f32
    %logistic3A_769 = vector.broadcast %logistic3A_768 : f32 to vector<16x128xf32>
    %logistic3A_770 = arith.addf %logistic3A_769, %logistic3A_767 : vector<16x128xf32>
    %logistic3A_771 = arith.divf %logistic3A_769, %logistic3A_770 : vector<16x128xf32>
    %mul3A_772 = vector.broadcast %get3A_8 : f32 to vector<16x128xf32>
    %mul3A_773 = arith.mulf %select_n3A_742, %mul3A_772 : vector<16x128xf32>
    %add3A_774 = arith.addf %add3A_754, %mul3A_773 : vector<16x128xf32>
    %add3A_775 = vector.broadcast %get3A_26 : f32 to vector<16x128xf32>
    %add3A_776 = arith.addf %add3A_774, %add3A_775 : vector<16x128xf32>
    %logistic3A_777 = arith.negf %add3A_776 : vector<16x128xf32>
    %logistic3A_778 = math.exp %logistic3A_777 : vector<16x128xf32>
    %logistic3A_779 = arith.constant 1.000000e+00 : f32
    %logistic3A_780 = vector.broadcast %logistic3A_779 : f32 to vector<16x128xf32>
    %logistic3A_781 = arith.addf %logistic3A_780, %logistic3A_778 : vector<16x128xf32>
    %logistic3A_782 = arith.divf %logistic3A_780, %logistic3A_781 : vector<16x128xf32>
    %mul3A_783 = vector.broadcast %get3A_11 : f32 to vector<16x128xf32>
    %mul3A_784 = arith.mulf %select_n3A_742, %mul3A_783 : vector<16x128xf32>
    %add3A_785 = vector.broadcast %get3A_29 : f32 to vector<16x128xf32>
    %add3A_786 = arith.addf %mul3A_784, %add3A_785 : vector<16x128xf32>
    %mul3A_787 = arith.mulf %logistic3A_782, %add3A_786 : vector<16x128xf32>
    %add3A_788 = arith.addf %add3A_760, %mul3A_787 : vector<16x128xf32>
    %tanh3A_789 = math.tanh %add3A_788 : vector<16x128xf32>
    %gt3A_790 = arith.constant 12 : i32
    %gt3A_791 = vector.broadcast %gt3A_790 : i32 to vector<16x128xi32>
    %gt3A_792 = arith.cmpi sgt, %add3A, %gt3A_791 : vector<16x128xi32>
    %mul3A_793 = arith.mulf %logistic3A_771, %select_n3A_742 : vector<16x128xf32>
    %sub3A_794 = arith.constant 1.000000e+00 : f32
    %sub3A_795 = vector.broadcast %sub3A_794 : f32 to vector<16x128xf32>
    %sub3A_796 = arith.subf %sub3A_795, %logistic3A_771 : vector<16x128xf32>
    %mul3A_797 = arith.mulf %sub3A_796, %tanh3A_789 : vector<16x128xf32>
    %add3A_798 = arith.addf %mul3A_793, %mul3A_797 : vector<16x128xf32>
    %select_n3A_799 = arith.select %gt3A_792, %add3A_798, %select_n3A_742 : vector<16x128xi1>, vector<16x128xf32>
    %slice3A_800 = vector.extract_strided_slice %get3A_506 {offsets = [0, 5, 0], sizes = [16, 1, 128], strides = [1, 1, 1]} : vector<16x8x128xf32> to vector<16x1x128xf32>
    %squeeze3A_801 = vector.shape_cast %slice3A_800 : vector<16x1x128xf32> to vector<16x128xf32>
    %mul3A_802 = vector.broadcast %rsqrt3A : f32 to vector<16x128xf32>
    %mul3A_803 = arith.mulf %squeeze3A_801, %mul3A_802 : vector<16x128xf32>
    %add3A_804 = vector.broadcast %get3A_14 : f32 to vector<16x128xf32>
    %add3A_805 = arith.addf %mul3A_803, %add3A_804 : vector<16x128xf32>
    %slice3A_806 = vector.extract_strided_slice %get3A_510 {offsets = [0, 5, 0], sizes = [16, 1, 128], strides = [1, 1, 1]} : vector<16x8x128xf32> to vector<16x1x128xf32>
    %squeeze3A_807 = vector.shape_cast %slice3A_806 : vector<16x1x128xf32> to vector<16x128xf32>
    %mul3A_808 = vector.broadcast %rsqrt3A : f32 to vector<16x128xf32>
    %mul3A_809 = arith.mulf %squeeze3A_807, %mul3A_808 : vector<16x128xf32>
    %add3A_810 = vector.broadcast %get3A_17 : f32 to vector<16x128xf32>
    %add3A_811 = arith.addf %mul3A_809, %add3A_810 : vector<16x128xf32>
    %slice3A_812 = vector.extract_strided_slice %get3A_514 {offsets = [0, 5, 0], sizes = [16, 1, 128], strides = [1, 1, 1]} : vector<16x8x128xf32> to vector<16x1x128xf32>
    %squeeze3A_813 = vector.shape_cast %slice3A_812 : vector<16x1x128xf32> to vector<16x128xf32>
    %mul3A_814 = vector.broadcast %rsqrt3A : f32 to vector<16x128xf32>
    %mul3A_815 = arith.mulf %squeeze3A_813, %mul3A_814 : vector<16x128xf32>
    %add3A_816 = vector.broadcast %get3A_20 : f32 to vector<16x128xf32>
    %add3A_817 = arith.addf %mul3A_815, %add3A_816 : vector<16x128xf32>
    %mul3A_818 = vector.broadcast %get3A_5 : f32 to vector<16x128xf32>
    %mul3A_819 = arith.mulf %select_n3A_799, %mul3A_818 : vector<16x128xf32>
    %add3A_820 = arith.addf %add3A_805, %mul3A_819 : vector<16x128xf32>
    %add3A_821 = vector.broadcast %get3A_23 : f32 to vector<16x128xf32>
    %add3A_822 = arith.addf %add3A_820, %add3A_821 : vector<16x128xf32>
    %logistic3A_823 = arith.negf %add3A_822 : vector<16x128xf32>
    %logistic3A_824 = math.exp %logistic3A_823 : vector<16x128xf32>
    %logistic3A_825 = arith.constant 1.000000e+00 : f32
    %logistic3A_826 = vector.broadcast %logistic3A_825 : f32 to vector<16x128xf32>
    %logistic3A_827 = arith.addf %logistic3A_826, %logistic3A_824 : vector<16x128xf32>
    %logistic3A_828 = arith.divf %logistic3A_826, %logistic3A_827 : vector<16x128xf32>
    %mul3A_829 = vector.broadcast %get3A_8 : f32 to vector<16x128xf32>
    %mul3A_830 = arith.mulf %select_n3A_799, %mul3A_829 : vector<16x128xf32>
    %add3A_831 = arith.addf %add3A_811, %mul3A_830 : vector<16x128xf32>
    %add3A_832 = vector.broadcast %get3A_26 : f32 to vector<16x128xf32>
    %add3A_833 = arith.addf %add3A_831, %add3A_832 : vector<16x128xf32>
    %logistic3A_834 = arith.negf %add3A_833 : vector<16x128xf32>
    %logistic3A_835 = math.exp %logistic3A_834 : vector<16x128xf32>
    %logistic3A_836 = arith.constant 1.000000e+00 : f32
    %logistic3A_837 = vector.broadcast %logistic3A_836 : f32 to vector<16x128xf32>
    %logistic3A_838 = arith.addf %logistic3A_837, %logistic3A_835 : vector<16x128xf32>
    %logistic3A_839 = arith.divf %logistic3A_837, %logistic3A_838 : vector<16x128xf32>
    %mul3A_840 = vector.broadcast %get3A_11 : f32 to vector<16x128xf32>
    %mul3A_841 = arith.mulf %select_n3A_799, %mul3A_840 : vector<16x128xf32>
    %add3A_842 = vector.broadcast %get3A_29 : f32 to vector<16x128xf32>
    %add3A_843 = arith.addf %mul3A_841, %add3A_842 : vector<16x128xf32>
    %mul3A_844 = arith.mulf %logistic3A_839, %add3A_843 : vector<16x128xf32>
    %add3A_845 = arith.addf %add3A_817, %mul3A_844 : vector<16x128xf32>
    %tanh3A_846 = math.tanh %add3A_845 : vector<16x128xf32>
    %gt3A_847 = arith.constant 13 : i32
    %gt3A_848 = vector.broadcast %gt3A_847 : i32 to vector<16x128xi32>
    %gt3A_849 = arith.cmpi sgt, %add3A, %gt3A_848 : vector<16x128xi32>
    %mul3A_850 = arith.mulf %logistic3A_828, %select_n3A_799 : vector<16x128xf32>
    %sub3A_851 = arith.constant 1.000000e+00 : f32
    %sub3A_852 = vector.broadcast %sub3A_851 : f32 to vector<16x128xf32>
    %sub3A_853 = arith.subf %sub3A_852, %logistic3A_828 : vector<16x128xf32>
    %mul3A_854 = arith.mulf %sub3A_853, %tanh3A_846 : vector<16x128xf32>
    %add3A_855 = arith.addf %mul3A_850, %mul3A_854 : vector<16x128xf32>
    %select_n3A_856 = arith.select %gt3A_849, %add3A_855, %select_n3A_799 : vector<16x128xi1>, vector<16x128xf32>
    %slice3A_857 = vector.extract_strided_slice %get3A_506 {offsets = [0, 6, 0], sizes = [16, 1, 128], strides = [1, 1, 1]} : vector<16x8x128xf32> to vector<16x1x128xf32>
    %squeeze3A_858 = vector.shape_cast %slice3A_857 : vector<16x1x128xf32> to vector<16x128xf32>
    %mul3A_859 = vector.broadcast %rsqrt3A : f32 to vector<16x128xf32>
    %mul3A_860 = arith.mulf %squeeze3A_858, %mul3A_859 : vector<16x128xf32>
    %add3A_861 = vector.broadcast %get3A_14 : f32 to vector<16x128xf32>
    %add3A_862 = arith.addf %mul3A_860, %add3A_861 : vector<16x128xf32>
    %slice3A_863 = vector.extract_strided_slice %get3A_510 {offsets = [0, 6, 0], sizes = [16, 1, 128], strides = [1, 1, 1]} : vector<16x8x128xf32> to vector<16x1x128xf32>
    %squeeze3A_864 = vector.shape_cast %slice3A_863 : vector<16x1x128xf32> to vector<16x128xf32>
    %mul3A_865 = vector.broadcast %rsqrt3A : f32 to vector<16x128xf32>
    %mul3A_866 = arith.mulf %squeeze3A_864, %mul3A_865 : vector<16x128xf32>
    %add3A_867 = vector.broadcast %get3A_17 : f32 to vector<16x128xf32>
    %add3A_868 = arith.addf %mul3A_866, %add3A_867 : vector<16x128xf32>
    %slice3A_869 = vector.extract_strided_slice %get3A_514 {offsets = [0, 6, 0], sizes = [16, 1, 128], strides = [1, 1, 1]} : vector<16x8x128xf32> to vector<16x1x128xf32>
    %squeeze3A_870 = vector.shape_cast %slice3A_869 : vector<16x1x128xf32> to vector<16x128xf32>
    %mul3A_871 = vector.broadcast %rsqrt3A : f32 to vector<16x128xf32>
    %mul3A_872 = arith.mulf %squeeze3A_870, %mul3A_871 : vector<16x128xf32>
    %add3A_873 = vector.broadcast %get3A_20 : f32 to vector<16x128xf32>
    %add3A_874 = arith.addf %mul3A_872, %add3A_873 : vector<16x128xf32>
    %mul3A_875 = vector.broadcast %get3A_5 : f32 to vector<16x128xf32>
    %mul3A_876 = arith.mulf %select_n3A_856, %mul3A_875 : vector<16x128xf32>
    %add3A_877 = arith.addf %add3A_862, %mul3A_876 : vector<16x128xf32>
    %add3A_878 = vector.broadcast %get3A_23 : f32 to vector<16x128xf32>
    %add3A_879 = arith.addf %add3A_877, %add3A_878 : vector<16x128xf32>
    %logistic3A_880 = arith.negf %add3A_879 : vector<16x128xf32>
    %logistic3A_881 = math.exp %logistic3A_880 : vector<16x128xf32>
    %logistic3A_882 = arith.constant 1.000000e+00 : f32
    %logistic3A_883 = vector.broadcast %logistic3A_882 : f32 to vector<16x128xf32>
    %logistic3A_884 = arith.addf %logistic3A_883, %logistic3A_881 : vector<16x128xf32>
    %logistic3A_885 = arith.divf %logistic3A_883, %logistic3A_884 : vector<16x128xf32>
    %mul3A_886 = vector.broadcast %get3A_8 : f32 to vector<16x128xf32>
    %mul3A_887 = arith.mulf %select_n3A_856, %mul3A_886 : vector<16x128xf32>
    %add3A_888 = arith.addf %add3A_868, %mul3A_887 : vector<16x128xf32>
    %add3A_889 = vector.broadcast %get3A_26 : f32 to vector<16x128xf32>
    %add3A_890 = arith.addf %add3A_888, %add3A_889 : vector<16x128xf32>
    %logistic3A_891 = arith.negf %add3A_890 : vector<16x128xf32>
    %logistic3A_892 = math.exp %logistic3A_891 : vector<16x128xf32>
    %logistic3A_893 = arith.constant 1.000000e+00 : f32
    %logistic3A_894 = vector.broadcast %logistic3A_893 : f32 to vector<16x128xf32>
    %logistic3A_895 = arith.addf %logistic3A_894, %logistic3A_892 : vector<16x128xf32>
    %logistic3A_896 = arith.divf %logistic3A_894, %logistic3A_895 : vector<16x128xf32>
    %mul3A_897 = vector.broadcast %get3A_11 : f32 to vector<16x128xf32>
    %mul3A_898 = arith.mulf %select_n3A_856, %mul3A_897 : vector<16x128xf32>
    %add3A_899 = vector.broadcast %get3A_29 : f32 to vector<16x128xf32>
    %add3A_900 = arith.addf %mul3A_898, %add3A_899 : vector<16x128xf32>
    %mul3A_901 = arith.mulf %logistic3A_896, %add3A_900 : vector<16x128xf32>
    %add3A_902 = arith.addf %add3A_874, %mul3A_901 : vector<16x128xf32>
    %tanh3A_903 = math.tanh %add3A_902 : vector<16x128xf32>
    %gt3A_904 = arith.constant 14 : i32
    %gt3A_905 = vector.broadcast %gt3A_904 : i32 to vector<16x128xi32>
    %gt3A_906 = arith.cmpi sgt, %add3A, %gt3A_905 : vector<16x128xi32>
    %mul3A_907 = arith.mulf %logistic3A_885, %select_n3A_856 : vector<16x128xf32>
    %sub3A_908 = arith.constant 1.000000e+00 : f32
    %sub3A_909 = vector.broadcast %sub3A_908 : f32 to vector<16x128xf32>
    %sub3A_910 = arith.subf %sub3A_909, %logistic3A_885 : vector<16x128xf32>
    %mul3A_911 = arith.mulf %sub3A_910, %tanh3A_903 : vector<16x128xf32>
    %add3A_912 = arith.addf %mul3A_907, %mul3A_911 : vector<16x128xf32>
    %select_n3A_913 = arith.select %gt3A_906, %add3A_912, %select_n3A_856 : vector<16x128xi1>, vector<16x128xf32>
    %slice3A_914 = vector.extract_strided_slice %get3A_506 {offsets = [0, 7, 0], sizes = [16, 1, 128], strides = [1, 1, 1]} : vector<16x8x128xf32> to vector<16x1x128xf32>
    %squeeze3A_915 = vector.shape_cast %slice3A_914 : vector<16x1x128xf32> to vector<16x128xf32>
    %mul3A_916 = vector.broadcast %rsqrt3A : f32 to vector<16x128xf32>
    %mul3A_917 = arith.mulf %squeeze3A_915, %mul3A_916 : vector<16x128xf32>
    %add3A_918 = vector.broadcast %get3A_14 : f32 to vector<16x128xf32>
    %add3A_919 = arith.addf %mul3A_917, %add3A_918 : vector<16x128xf32>
    %slice3A_920 = vector.extract_strided_slice %get3A_510 {offsets = [0, 7, 0], sizes = [16, 1, 128], strides = [1, 1, 1]} : vector<16x8x128xf32> to vector<16x1x128xf32>
    %squeeze3A_921 = vector.shape_cast %slice3A_920 : vector<16x1x128xf32> to vector<16x128xf32>
    %mul3A_922 = vector.broadcast %rsqrt3A : f32 to vector<16x128xf32>
    %mul3A_923 = arith.mulf %squeeze3A_921, %mul3A_922 : vector<16x128xf32>
    %add3A_924 = vector.broadcast %get3A_17 : f32 to vector<16x128xf32>
    %add3A_925 = arith.addf %mul3A_923, %add3A_924 : vector<16x128xf32>
    %slice3A_926 = vector.extract_strided_slice %get3A_514 {offsets = [0, 7, 0], sizes = [16, 1, 128], strides = [1, 1, 1]} : vector<16x8x128xf32> to vector<16x1x128xf32>
    %squeeze3A_927 = vector.shape_cast %slice3A_926 : vector<16x1x128xf32> to vector<16x128xf32>
    %mul3A_928 = vector.broadcast %rsqrt3A : f32 to vector<16x128xf32>
    %mul3A_929 = arith.mulf %squeeze3A_927, %mul3A_928 : vector<16x128xf32>
    %add3A_930 = vector.broadcast %get3A_20 : f32 to vector<16x128xf32>
    %add3A_931 = arith.addf %mul3A_929, %add3A_930 : vector<16x128xf32>
    %mul3A_932 = vector.broadcast %get3A_5 : f32 to vector<16x128xf32>
    %mul3A_933 = arith.mulf %select_n3A_913, %mul3A_932 : vector<16x128xf32>
    %add3A_934 = arith.addf %add3A_919, %mul3A_933 : vector<16x128xf32>
    %add3A_935 = vector.broadcast %get3A_23 : f32 to vector<16x128xf32>
    %add3A_936 = arith.addf %add3A_934, %add3A_935 : vector<16x128xf32>
    %logistic3A_937 = arith.negf %add3A_936 : vector<16x128xf32>
    %logistic3A_938 = math.exp %logistic3A_937 : vector<16x128xf32>
    %logistic3A_939 = arith.constant 1.000000e+00 : f32
    %logistic3A_940 = vector.broadcast %logistic3A_939 : f32 to vector<16x128xf32>
    %logistic3A_941 = arith.addf %logistic3A_940, %logistic3A_938 : vector<16x128xf32>
    %logistic3A_942 = arith.divf %logistic3A_940, %logistic3A_941 : vector<16x128xf32>
    %mul3A_943 = vector.broadcast %get3A_8 : f32 to vector<16x128xf32>
    %mul3A_944 = arith.mulf %select_n3A_913, %mul3A_943 : vector<16x128xf32>
    %add3A_945 = arith.addf %add3A_925, %mul3A_944 : vector<16x128xf32>
    %add3A_946 = vector.broadcast %get3A_26 : f32 to vector<16x128xf32>
    %add3A_947 = arith.addf %add3A_945, %add3A_946 : vector<16x128xf32>
    %logistic3A_948 = arith.negf %add3A_947 : vector<16x128xf32>
    %logistic3A_949 = math.exp %logistic3A_948 : vector<16x128xf32>
    %logistic3A_950 = arith.constant 1.000000e+00 : f32
    %logistic3A_951 = vector.broadcast %logistic3A_950 : f32 to vector<16x128xf32>
    %logistic3A_952 = arith.addf %logistic3A_951, %logistic3A_949 : vector<16x128xf32>
    %logistic3A_953 = arith.divf %logistic3A_951, %logistic3A_952 : vector<16x128xf32>
    %mul3A_954 = vector.broadcast %get3A_11 : f32 to vector<16x128xf32>
    %mul3A_955 = arith.mulf %select_n3A_913, %mul3A_954 : vector<16x128xf32>
    %add3A_956 = vector.broadcast %get3A_29 : f32 to vector<16x128xf32>
    %add3A_957 = arith.addf %mul3A_955, %add3A_956 : vector<16x128xf32>
    %mul3A_958 = arith.mulf %logistic3A_953, %add3A_957 : vector<16x128xf32>
    %add3A_959 = arith.addf %add3A_931, %mul3A_958 : vector<16x128xf32>
    %tanh3A_960 = math.tanh %add3A_959 : vector<16x128xf32>
    %gt3A_961 = arith.constant 15 : i32
    %gt3A_962 = vector.broadcast %gt3A_961 : i32 to vector<16x128xi32>
    %gt3A_963 = arith.cmpi sgt, %add3A, %gt3A_962 : vector<16x128xi32>
    %mul3A_964 = arith.mulf %logistic3A_942, %select_n3A_913 : vector<16x128xf32>
    %sub3A_965 = arith.constant 1.000000e+00 : f32
    %sub3A_966 = vector.broadcast %sub3A_965 : f32 to vector<16x128xf32>
    %sub3A_967 = arith.subf %sub3A_966, %logistic3A_942 : vector<16x128xf32>
    %mul3A_968 = arith.mulf %sub3A_967, %tanh3A_960 : vector<16x128xf32>
    %add3A_969 = arith.addf %mul3A_964, %mul3A_968 : vector<16x128xf32>
    %select_n3A_970 = arith.select %gt3A_963, %add3A_969, %select_n3A_913 : vector<16x128xi1>, vector<16x128xf32>
    %get3A_971 = arith.constant 0 : index
    %get3A_972 = arith.constant 16 : index
    %get3A_973 = arith.constant 0 : index
    %get3A_974 = vector.load %arg3[%get3A_971, %get3A_972, %get3A_973] : memref<16x32x128xf32, #tpu.memory_space<vmem>>, vector<16x8x128xf32>
    %get3A_975 = arith.constant 0 : index
    %get3A_976 = arith.constant 16 : index
    %get3A_977 = arith.constant 0 : index
    %get3A_978 = vector.load %arg4[%get3A_975, %get3A_976, %get3A_977] : memref<16x32x128xf32, #tpu.memory_space<vmem>>, vector<16x8x128xf32>
    %get3A_979 = arith.constant 0 : index
    %get3A_980 = arith.constant 16 : index
    %get3A_981 = arith.constant 0 : index
    %get3A_982 = vector.load %arg5[%get3A_979, %get3A_980, %get3A_981] : memref<16x32x128xf32, #tpu.memory_space<vmem>>, vector<16x8x128xf32>
    %slice3A_983 = vector.extract_strided_slice %get3A_974 {offsets = [0, 0, 0], sizes = [16, 1, 128], strides = [1, 1, 1]} : vector<16x8x128xf32> to vector<16x1x128xf32>
    %squeeze3A_984 = vector.shape_cast %slice3A_983 : vector<16x1x128xf32> to vector<16x128xf32>
    %mul3A_985 = vector.broadcast %rsqrt3A : f32 to vector<16x128xf32>
    %mul3A_986 = arith.mulf %squeeze3A_984, %mul3A_985 : vector<16x128xf32>
    %add3A_987 = vector.broadcast %get3A_14 : f32 to vector<16x128xf32>
    %add3A_988 = arith.addf %mul3A_986, %add3A_987 : vector<16x128xf32>
    %slice3A_989 = vector.extract_strided_slice %get3A_978 {offsets = [0, 0, 0], sizes = [16, 1, 128], strides = [1, 1, 1]} : vector<16x8x128xf32> to vector<16x1x128xf32>
    %squeeze3A_990 = vector.shape_cast %slice3A_989 : vector<16x1x128xf32> to vector<16x128xf32>
    %mul3A_991 = vector.broadcast %rsqrt3A : f32 to vector<16x128xf32>
    %mul3A_992 = arith.mulf %squeeze3A_990, %mul3A_991 : vector<16x128xf32>
    %add3A_993 = vector.broadcast %get3A_17 : f32 to vector<16x128xf32>
    %add3A_994 = arith.addf %mul3A_992, %add3A_993 : vector<16x128xf32>
    %slice3A_995 = vector.extract_strided_slice %get3A_982 {offsets = [0, 0, 0], sizes = [16, 1, 128], strides = [1, 1, 1]} : vector<16x8x128xf32> to vector<16x1x128xf32>
    %squeeze3A_996 = vector.shape_cast %slice3A_995 : vector<16x1x128xf32> to vector<16x128xf32>
    %mul3A_997 = vector.broadcast %rsqrt3A : f32 to vector<16x128xf32>
    %mul3A_998 = arith.mulf %squeeze3A_996, %mul3A_997 : vector<16x128xf32>
    %add3A_999 = vector.broadcast %get3A_20 : f32 to vector<16x128xf32>
    %add3A_1000 = arith.addf %mul3A_998, %add3A_999 : vector<16x128xf32>
    %mul3A_1001 = vector.broadcast %get3A_5 : f32 to vector<16x128xf32>
    %mul3A_1002 = arith.mulf %select_n3A_970, %mul3A_1001 : vector<16x128xf32>
    %add3A_1003 = arith.addf %add3A_988, %mul3A_1002 : vector<16x128xf32>
    %add3A_1004 = vector.broadcast %get3A_23 : f32 to vector<16x128xf32>
    %add3A_1005 = arith.addf %add3A_1003, %add3A_1004 : vector<16x128xf32>
    %logistic3A_1006 = arith.negf %add3A_1005 : vector<16x128xf32>
    %logistic3A_1007 = math.exp %logistic3A_1006 : vector<16x128xf32>
    %logistic3A_1008 = arith.constant 1.000000e+00 : f32
    %logistic3A_1009 = vector.broadcast %logistic3A_1008 : f32 to vector<16x128xf32>
    %logistic3A_1010 = arith.addf %logistic3A_1009, %logistic3A_1007 : vector<16x128xf32>
    %logistic3A_1011 = arith.divf %logistic3A_1009, %logistic3A_1010 : vector<16x128xf32>
    %mul3A_1012 = vector.broadcast %get3A_8 : f32 to vector<16x128xf32>
    %mul3A_1013 = arith.mulf %select_n3A_970, %mul3A_1012 : vector<16x128xf32>
    %add3A_1014 = arith.addf %add3A_994, %mul3A_1013 : vector<16x128xf32>
    %add3A_1015 = vector.broadcast %get3A_26 : f32 to vector<16x128xf32>
    %add3A_1016 = arith.addf %add3A_1014, %add3A_1015 : vector<16x128xf32>
    %logistic3A_1017 = arith.negf %add3A_1016 : vector<16x128xf32>
    %logistic3A_1018 = math.exp %logistic3A_1017 : vector<16x128xf32>
    %logistic3A_1019 = arith.constant 1.000000e+00 : f32
    %logistic3A_1020 = vector.broadcast %logistic3A_1019 : f32 to vector<16x128xf32>
    %logistic3A_1021 = arith.addf %logistic3A_1020, %logistic3A_1018 : vector<16x128xf32>
    %logistic3A_1022 = arith.divf %logistic3A_1020, %logistic3A_1021 : vector<16x128xf32>
    %mul3A_1023 = vector.broadcast %get3A_11 : f32 to vector<16x128xf32>
    %mul3A_1024 = arith.mulf %select_n3A_970, %mul3A_1023 : vector<16x128xf32>
    %add3A_1025 = vector.broadcast %get3A_29 : f32 to vector<16x128xf32>
    %add3A_1026 = arith.addf %mul3A_1024, %add3A_1025 : vector<16x128xf32>
    %mul3A_1027 = arith.mulf %logistic3A_1022, %add3A_1026 : vector<16x128xf32>
    %add3A_1028 = arith.addf %add3A_1000, %mul3A_1027 : vector<16x128xf32>
    %tanh3A_1029 = math.tanh %add3A_1028 : vector<16x128xf32>
    %gt3A_1030 = arith.constant 16 : i32
    %gt3A_1031 = vector.broadcast %gt3A_1030 : i32 to vector<16x128xi32>
    %gt3A_1032 = arith.cmpi sgt, %add3A, %gt3A_1031 : vector<16x128xi32>
    %mul3A_1033 = arith.mulf %logistic3A_1011, %select_n3A_970 : vector<16x128xf32>
    %sub3A_1034 = arith.constant 1.000000e+00 : f32
    %sub3A_1035 = vector.broadcast %sub3A_1034 : f32 to vector<16x128xf32>
    %sub3A_1036 = arith.subf %sub3A_1035, %logistic3A_1011 : vector<16x128xf32>
    %mul3A_1037 = arith.mulf %sub3A_1036, %tanh3A_1029 : vector<16x128xf32>
    %add3A_1038 = arith.addf %mul3A_1033, %mul3A_1037 : vector<16x128xf32>
    %select_n3A_1039 = arith.select %gt3A_1032, %add3A_1038, %select_n3A_970 : vector<16x128xi1>, vector<16x128xf32>
    %slice3A_1040 = vector.extract_strided_slice %get3A_974 {offsets = [0, 1, 0], sizes = [16, 1, 128], strides = [1, 1, 1]} : vector<16x8x128xf32> to vector<16x1x128xf32>
    %squeeze3A_1041 = vector.shape_cast %slice3A_1040 : vector<16x1x128xf32> to vector<16x128xf32>
    %mul3A_1042 = vector.broadcast %rsqrt3A : f32 to vector<16x128xf32>
    %mul3A_1043 = arith.mulf %squeeze3A_1041, %mul3A_1042 : vector<16x128xf32>
    %add3A_1044 = vector.broadcast %get3A_14 : f32 to vector<16x128xf32>
    %add3A_1045 = arith.addf %mul3A_1043, %add3A_1044 : vector<16x128xf32>
    %slice3A_1046 = vector.extract_strided_slice %get3A_978 {offsets = [0, 1, 0], sizes = [16, 1, 128], strides = [1, 1, 1]} : vector<16x8x128xf32> to vector<16x1x128xf32>
    %squeeze3A_1047 = vector.shape_cast %slice3A_1046 : vector<16x1x128xf32> to vector<16x128xf32>
    %mul3A_1048 = vector.broadcast %rsqrt3A : f32 to vector<16x128xf32>
    %mul3A_1049 = arith.mulf %squeeze3A_1047, %mul3A_1048 : vector<16x128xf32>
    %add3A_1050 = vector.broadcast %get3A_17 : f32 to vector<16x128xf32>
    %add3A_1051 = arith.addf %mul3A_1049, %add3A_1050 : vector<16x128xf32>
    %slice3A_1052 = vector.extract_strided_slice %get3A_982 {offsets = [0, 1, 0], sizes = [16, 1, 128], strides = [1, 1, 1]} : vector<16x8x128xf32> to vector<16x1x128xf32>
    %squeeze3A_1053 = vector.shape_cast %slice3A_1052 : vector<16x1x128xf32> to vector<16x128xf32>
    %mul3A_1054 = vector.broadcast %rsqrt3A : f32 to vector<16x128xf32>
    %mul3A_1055 = arith.mulf %squeeze3A_1053, %mul3A_1054 : vector<16x128xf32>
    %add3A_1056 = vector.broadcast %get3A_20 : f32 to vector<16x128xf32>
    %add3A_1057 = arith.addf %mul3A_1055, %add3A_1056 : vector<16x128xf32>
    %mul3A_1058 = vector.broadcast %get3A_5 : f32 to vector<16x128xf32>
    %mul3A_1059 = arith.mulf %select_n3A_1039, %mul3A_1058 : vector<16x128xf32>
    %add3A_1060 = arith.addf %add3A_1045, %mul3A_1059 : vector<16x128xf32>
    %add3A_1061 = vector.broadcast %get3A_23 : f32 to vector<16x128xf32>
    %add3A_1062 = arith.addf %add3A_1060, %add3A_1061 : vector<16x128xf32>
    %logistic3A_1063 = arith.negf %add3A_1062 : vector<16x128xf32>
    %logistic3A_1064 = math.exp %logistic3A_1063 : vector<16x128xf32>
    %logistic3A_1065 = arith.constant 1.000000e+00 : f32
    %logistic3A_1066 = vector.broadcast %logistic3A_1065 : f32 to vector<16x128xf32>
    %logistic3A_1067 = arith.addf %logistic3A_1066, %logistic3A_1064 : vector<16x128xf32>
    %logistic3A_1068 = arith.divf %logistic3A_1066, %logistic3A_1067 : vector<16x128xf32>
    %mul3A_1069 = vector.broadcast %get3A_8 : f32 to vector<16x128xf32>
    %mul3A_1070 = arith.mulf %select_n3A_1039, %mul3A_1069 : vector<16x128xf32>
    %add3A_1071 = arith.addf %add3A_1051, %mul3A_1070 : vector<16x128xf32>
    %add3A_1072 = vector.broadcast %get3A_26 : f32 to vector<16x128xf32>
    %add3A_1073 = arith.addf %add3A_1071, %add3A_1072 : vector<16x128xf32>
    %logistic3A_1074 = arith.negf %add3A_1073 : vector<16x128xf32>
    %logistic3A_1075 = math.exp %logistic3A_1074 : vector<16x128xf32>
    %logistic3A_1076 = arith.constant 1.000000e+00 : f32
    %logistic3A_1077 = vector.broadcast %logistic3A_1076 : f32 to vector<16x128xf32>
    %logistic3A_1078 = arith.addf %logistic3A_1077, %logistic3A_1075 : vector<16x128xf32>
    %logistic3A_1079 = arith.divf %logistic3A_1077, %logistic3A_1078 : vector<16x128xf32>
    %mul3A_1080 = vector.broadcast %get3A_11 : f32 to vector<16x128xf32>
    %mul3A_1081 = arith.mulf %select_n3A_1039, %mul3A_1080 : vector<16x128xf32>
    %add3A_1082 = vector.broadcast %get3A_29 : f32 to vector<16x128xf32>
    %add3A_1083 = arith.addf %mul3A_1081, %add3A_1082 : vector<16x128xf32>
    %mul3A_1084 = arith.mulf %logistic3A_1079, %add3A_1083 : vector<16x128xf32>
    %add3A_1085 = arith.addf %add3A_1057, %mul3A_1084 : vector<16x128xf32>
    %tanh3A_1086 = math.tanh %add3A_1085 : vector<16x128xf32>
    %gt3A_1087 = arith.constant 17 : i32
    %gt3A_1088 = vector.broadcast %gt3A_1087 : i32 to vector<16x128xi32>
    %gt3A_1089 = arith.cmpi sgt, %add3A, %gt3A_1088 : vector<16x128xi32>
    %mul3A_1090 = arith.mulf %logistic3A_1068, %select_n3A_1039 : vector<16x128xf32>
    %sub3A_1091 = arith.constant 1.000000e+00 : f32
    %sub3A_1092 = vector.broadcast %sub3A_1091 : f32 to vector<16x128xf32>
    %sub3A_1093 = arith.subf %sub3A_1092, %logistic3A_1068 : vector<16x128xf32>
    %mul3A_1094 = arith.mulf %sub3A_1093, %tanh3A_1086 : vector<16x128xf32>
    %add3A_1095 = arith.addf %mul3A_1090, %mul3A_1094 : vector<16x128xf32>
    %select_n3A_1096 = arith.select %gt3A_1089, %add3A_1095, %select_n3A_1039 : vector<16x128xi1>, vector<16x128xf32>
    %slice3A_1097 = vector.extract_strided_slice %get3A_974 {offsets = [0, 2, 0], sizes = [16, 1, 128], strides = [1, 1, 1]} : vector<16x8x128xf32> to vector<16x1x128xf32>
    %squeeze3A_1098 = vector.shape_cast %slice3A_1097 : vector<16x1x128xf32> to vector<16x128xf32>
    %mul3A_1099 = vector.broadcast %rsqrt3A : f32 to vector<16x128xf32>
    %mul3A_1100 = arith.mulf %squeeze3A_1098, %mul3A_1099 : vector<16x128xf32>
    %add3A_1101 = vector.broadcast %get3A_14 : f32 to vector<16x128xf32>
    %add3A_1102 = arith.addf %mul3A_1100, %add3A_1101 : vector<16x128xf32>
    %slice3A_1103 = vector.extract_strided_slice %get3A_978 {offsets = [0, 2, 0], sizes = [16, 1, 128], strides = [1, 1, 1]} : vector<16x8x128xf32> to vector<16x1x128xf32>
    %squeeze3A_1104 = vector.shape_cast %slice3A_1103 : vector<16x1x128xf32> to vector<16x128xf32>
    %mul3A_1105 = vector.broadcast %rsqrt3A : f32 to vector<16x128xf32>
    %mul3A_1106 = arith.mulf %squeeze3A_1104, %mul3A_1105 : vector<16x128xf32>
    %add3A_1107 = vector.broadcast %get3A_17 : f32 to vector<16x128xf32>
    %add3A_1108 = arith.addf %mul3A_1106, %add3A_1107 : vector<16x128xf32>
    %slice3A_1109 = vector.extract_strided_slice %get3A_982 {offsets = [0, 2, 0], sizes = [16, 1, 128], strides = [1, 1, 1]} : vector<16x8x128xf32> to vector<16x1x128xf32>
    %squeeze3A_1110 = vector.shape_cast %slice3A_1109 : vector<16x1x128xf32> to vector<16x128xf32>
    %mul3A_1111 = vector.broadcast %rsqrt3A : f32 to vector<16x128xf32>
    %mul3A_1112 = arith.mulf %squeeze3A_1110, %mul3A_1111 : vector<16x128xf32>
    %add3A_1113 = vector.broadcast %get3A_20 : f32 to vector<16x128xf32>
    %add3A_1114 = arith.addf %mul3A_1112, %add3A_1113 : vector<16x128xf32>
    %mul3A_1115 = vector.broadcast %get3A_5 : f32 to vector<16x128xf32>
    %mul3A_1116 = arith.mulf %select_n3A_1096, %mul3A_1115 : vector<16x128xf32>
    %add3A_1117 = arith.addf %add3A_1102, %mul3A_1116 : vector<16x128xf32>
    %add3A_1118 = vector.broadcast %get3A_23 : f32 to vector<16x128xf32>
    %add3A_1119 = arith.addf %add3A_1117, %add3A_1118 : vector<16x128xf32>
    %logistic3A_1120 = arith.negf %add3A_1119 : vector<16x128xf32>
    %logistic3A_1121 = math.exp %logistic3A_1120 : vector<16x128xf32>
    %logistic3A_1122 = arith.constant 1.000000e+00 : f32
    %logistic3A_1123 = vector.broadcast %logistic3A_1122 : f32 to vector<16x128xf32>
    %logistic3A_1124 = arith.addf %logistic3A_1123, %logistic3A_1121 : vector<16x128xf32>
    %logistic3A_1125 = arith.divf %logistic3A_1123, %logistic3A_1124 : vector<16x128xf32>
    %mul3A_1126 = vector.broadcast %get3A_8 : f32 to vector<16x128xf32>
    %mul3A_1127 = arith.mulf %select_n3A_1096, %mul3A_1126 : vector<16x128xf32>
    %add3A_1128 = arith.addf %add3A_1108, %mul3A_1127 : vector<16x128xf32>
    %add3A_1129 = vector.broadcast %get3A_26 : f32 to vector<16x128xf32>
    %add3A_1130 = arith.addf %add3A_1128, %add3A_1129 : vector<16x128xf32>
    %logistic3A_1131 = arith.negf %add3A_1130 : vector<16x128xf32>
    %logistic3A_1132 = math.exp %logistic3A_1131 : vector<16x128xf32>
    %logistic3A_1133 = arith.constant 1.000000e+00 : f32
    %logistic3A_1134 = vector.broadcast %logistic3A_1133 : f32 to vector<16x128xf32>
    %logistic3A_1135 = arith.addf %logistic3A_1134, %logistic3A_1132 : vector<16x128xf32>
    %logistic3A_1136 = arith.divf %logistic3A_1134, %logistic3A_1135 : vector<16x128xf32>
    %mul3A_1137 = vector.broadcast %get3A_11 : f32 to vector<16x128xf32>
    %mul3A_1138 = arith.mulf %select_n3A_1096, %mul3A_1137 : vector<16x128xf32>
    %add3A_1139 = vector.broadcast %get3A_29 : f32 to vector<16x128xf32>
    %add3A_1140 = arith.addf %mul3A_1138, %add3A_1139 : vector<16x128xf32>
    %mul3A_1141 = arith.mulf %logistic3A_1136, %add3A_1140 : vector<16x128xf32>
    %add3A_1142 = arith.addf %add3A_1114, %mul3A_1141 : vector<16x128xf32>
    %tanh3A_1143 = math.tanh %add3A_1142 : vector<16x128xf32>
    %gt3A_1144 = arith.constant 18 : i32
    %gt3A_1145 = vector.broadcast %gt3A_1144 : i32 to vector<16x128xi32>
    %gt3A_1146 = arith.cmpi sgt, %add3A, %gt3A_1145 : vector<16x128xi32>
    %mul3A_1147 = arith.mulf %logistic3A_1125, %select_n3A_1096 : vector<16x128xf32>
    %sub3A_1148 = arith.constant 1.000000e+00 : f32
    %sub3A_1149 = vector.broadcast %sub3A_1148 : f32 to vector<16x128xf32>
    %sub3A_1150 = arith.subf %sub3A_1149, %logistic3A_1125 : vector<16x128xf32>
    %mul3A_1151 = arith.mulf %sub3A_1150, %tanh3A_1143 : vector<16x128xf32>
    %add3A_1152 = arith.addf %mul3A_1147, %mul3A_1151 : vector<16x128xf32>
    %select_n3A_1153 = arith.select %gt3A_1146, %add3A_1152, %select_n3A_1096 : vector<16x128xi1>, vector<16x128xf32>
    %slice3A_1154 = vector.extract_strided_slice %get3A_974 {offsets = [0, 3, 0], sizes = [16, 1, 128], strides = [1, 1, 1]} : vector<16x8x128xf32> to vector<16x1x128xf32>
    %squeeze3A_1155 = vector.shape_cast %slice3A_1154 : vector<16x1x128xf32> to vector<16x128xf32>
    %mul3A_1156 = vector.broadcast %rsqrt3A : f32 to vector<16x128xf32>
    %mul3A_1157 = arith.mulf %squeeze3A_1155, %mul3A_1156 : vector<16x128xf32>
    %add3A_1158 = vector.broadcast %get3A_14 : f32 to vector<16x128xf32>
    %add3A_1159 = arith.addf %mul3A_1157, %add3A_1158 : vector<16x128xf32>
    %slice3A_1160 = vector.extract_strided_slice %get3A_978 {offsets = [0, 3, 0], sizes = [16, 1, 128], strides = [1, 1, 1]} : vector<16x8x128xf32> to vector<16x1x128xf32>
    %squeeze3A_1161 = vector.shape_cast %slice3A_1160 : vector<16x1x128xf32> to vector<16x128xf32>
    %mul3A_1162 = vector.broadcast %rsqrt3A : f32 to vector<16x128xf32>
    %mul3A_1163 = arith.mulf %squeeze3A_1161, %mul3A_1162 : vector<16x128xf32>
    %add3A_1164 = vector.broadcast %get3A_17 : f32 to vector<16x128xf32>
    %add3A_1165 = arith.addf %mul3A_1163, %add3A_1164 : vector<16x128xf32>
    %slice3A_1166 = vector.extract_strided_slice %get3A_982 {offsets = [0, 3, 0], sizes = [16, 1, 128], strides = [1, 1, 1]} : vector<16x8x128xf32> to vector<16x1x128xf32>
    %squeeze3A_1167 = vector.shape_cast %slice3A_1166 : vector<16x1x128xf32> to vector<16x128xf32>
    %mul3A_1168 = vector.broadcast %rsqrt3A : f32 to vector<16x128xf32>
    %mul3A_1169 = arith.mulf %squeeze3A_1167, %mul3A_1168 : vector<16x128xf32>
    %add3A_1170 = vector.broadcast %get3A_20 : f32 to vector<16x128xf32>
    %add3A_1171 = arith.addf %mul3A_1169, %add3A_1170 : vector<16x128xf32>
    %mul3A_1172 = vector.broadcast %get3A_5 : f32 to vector<16x128xf32>
    %mul3A_1173 = arith.mulf %select_n3A_1153, %mul3A_1172 : vector<16x128xf32>
    %add3A_1174 = arith.addf %add3A_1159, %mul3A_1173 : vector<16x128xf32>
    %add3A_1175 = vector.broadcast %get3A_23 : f32 to vector<16x128xf32>
    %add3A_1176 = arith.addf %add3A_1174, %add3A_1175 : vector<16x128xf32>
    %logistic3A_1177 = arith.negf %add3A_1176 : vector<16x128xf32>
    %logistic3A_1178 = math.exp %logistic3A_1177 : vector<16x128xf32>
    %logistic3A_1179 = arith.constant 1.000000e+00 : f32
    %logistic3A_1180 = vector.broadcast %logistic3A_1179 : f32 to vector<16x128xf32>
    %logistic3A_1181 = arith.addf %logistic3A_1180, %logistic3A_1178 : vector<16x128xf32>
    %logistic3A_1182 = arith.divf %logistic3A_1180, %logistic3A_1181 : vector<16x128xf32>
    %mul3A_1183 = vector.broadcast %get3A_8 : f32 to vector<16x128xf32>
    %mul3A_1184 = arith.mulf %select_n3A_1153, %mul3A_1183 : vector<16x128xf32>
    %add3A_1185 = arith.addf %add3A_1165, %mul3A_1184 : vector<16x128xf32>
    %add3A_1186 = vector.broadcast %get3A_26 : f32 to vector<16x128xf32>
    %add3A_1187 = arith.addf %add3A_1185, %add3A_1186 : vector<16x128xf32>
    %logistic3A_1188 = arith.negf %add3A_1187 : vector<16x128xf32>
    %logistic3A_1189 = math.exp %logistic3A_1188 : vector<16x128xf32>
    %logistic3A_1190 = arith.constant 1.000000e+00 : f32
    %logistic3A_1191 = vector.broadcast %logistic3A_1190 : f32 to vector<16x128xf32>
    %logistic3A_1192 = arith.addf %logistic3A_1191, %logistic3A_1189 : vector<16x128xf32>
    %logistic3A_1193 = arith.divf %logistic3A_1191, %logistic3A_1192 : vector<16x128xf32>
    %mul3A_1194 = vector.broadcast %get3A_11 : f32 to vector<16x128xf32>
    %mul3A_1195 = arith.mulf %select_n3A_1153, %mul3A_1194 : vector<16x128xf32>
    %add3A_1196 = vector.broadcast %get3A_29 : f32 to vector<16x128xf32>
    %add3A_1197 = arith.addf %mul3A_1195, %add3A_1196 : vector<16x128xf32>
    %mul3A_1198 = arith.mulf %logistic3A_1193, %add3A_1197 : vector<16x128xf32>
    %add3A_1199 = arith.addf %add3A_1171, %mul3A_1198 : vector<16x128xf32>
    %tanh3A_1200 = math.tanh %add3A_1199 : vector<16x128xf32>
    %gt3A_1201 = arith.constant 19 : i32
    %gt3A_1202 = vector.broadcast %gt3A_1201 : i32 to vector<16x128xi32>
    %gt3A_1203 = arith.cmpi sgt, %add3A, %gt3A_1202 : vector<16x128xi32>
    %mul3A_1204 = arith.mulf %logistic3A_1182, %select_n3A_1153 : vector<16x128xf32>
    %sub3A_1205 = arith.constant 1.000000e+00 : f32
    %sub3A_1206 = vector.broadcast %sub3A_1205 : f32 to vector<16x128xf32>
    %sub3A_1207 = arith.subf %sub3A_1206, %logistic3A_1182 : vector<16x128xf32>
    %mul3A_1208 = arith.mulf %sub3A_1207, %tanh3A_1200 : vector<16x128xf32>
    %add3A_1209 = arith.addf %mul3A_1204, %mul3A_1208 : vector<16x128xf32>
    %select_n3A_1210 = arith.select %gt3A_1203, %add3A_1209, %select_n3A_1153 : vector<16x128xi1>, vector<16x128xf32>
    %slice3A_1211 = vector.extract_strided_slice %get3A_974 {offsets = [0, 4, 0], sizes = [16, 1, 128], strides = [1, 1, 1]} : vector<16x8x128xf32> to vector<16x1x128xf32>
    %squeeze3A_1212 = vector.shape_cast %slice3A_1211 : vector<16x1x128xf32> to vector<16x128xf32>
    %mul3A_1213 = vector.broadcast %rsqrt3A : f32 to vector<16x128xf32>
    %mul3A_1214 = arith.mulf %squeeze3A_1212, %mul3A_1213 : vector<16x128xf32>
    %add3A_1215 = vector.broadcast %get3A_14 : f32 to vector<16x128xf32>
    %add3A_1216 = arith.addf %mul3A_1214, %add3A_1215 : vector<16x128xf32>
    %slice3A_1217 = vector.extract_strided_slice %get3A_978 {offsets = [0, 4, 0], sizes = [16, 1, 128], strides = [1, 1, 1]} : vector<16x8x128xf32> to vector<16x1x128xf32>
    %squeeze3A_1218 = vector.shape_cast %slice3A_1217 : vector<16x1x128xf32> to vector<16x128xf32>
    %mul3A_1219 = vector.broadcast %rsqrt3A : f32 to vector<16x128xf32>
    %mul3A_1220 = arith.mulf %squeeze3A_1218, %mul3A_1219 : vector<16x128xf32>
    %add3A_1221 = vector.broadcast %get3A_17 : f32 to vector<16x128xf32>
    %add3A_1222 = arith.addf %mul3A_1220, %add3A_1221 : vector<16x128xf32>
    %slice3A_1223 = vector.extract_strided_slice %get3A_982 {offsets = [0, 4, 0], sizes = [16, 1, 128], strides = [1, 1, 1]} : vector<16x8x128xf32> to vector<16x1x128xf32>
    %squeeze3A_1224 = vector.shape_cast %slice3A_1223 : vector<16x1x128xf32> to vector<16x128xf32>
    %mul3A_1225 = vector.broadcast %rsqrt3A : f32 to vector<16x128xf32>
    %mul3A_1226 = arith.mulf %squeeze3A_1224, %mul3A_1225 : vector<16x128xf32>
    %add3A_1227 = vector.broadcast %get3A_20 : f32 to vector<16x128xf32>
    %add3A_1228 = arith.addf %mul3A_1226, %add3A_1227 : vector<16x128xf32>
    %mul3A_1229 = vector.broadcast %get3A_5 : f32 to vector<16x128xf32>
    %mul3A_1230 = arith.mulf %select_n3A_1210, %mul3A_1229 : vector<16x128xf32>
    %add3A_1231 = arith.addf %add3A_1216, %mul3A_1230 : vector<16x128xf32>
    %add3A_1232 = vector.broadcast %get3A_23 : f32 to vector<16x128xf32>
    %add3A_1233 = arith.addf %add3A_1231, %add3A_1232 : vector<16x128xf32>
    %logistic3A_1234 = arith.negf %add3A_1233 : vector<16x128xf32>
    %logistic3A_1235 = math.exp %logistic3A_1234 : vector<16x128xf32>
    %logistic3A_1236 = arith.constant 1.000000e+00 : f32
    %logistic3A_1237 = vector.broadcast %logistic3A_1236 : f32 to vector<16x128xf32>
    %logistic3A_1238 = arith.addf %logistic3A_1237, %logistic3A_1235 : vector<16x128xf32>
    %logistic3A_1239 = arith.divf %logistic3A_1237, %logistic3A_1238 : vector<16x128xf32>
    %mul3A_1240 = vector.broadcast %get3A_8 : f32 to vector<16x128xf32>
    %mul3A_1241 = arith.mulf %select_n3A_1210, %mul3A_1240 : vector<16x128xf32>
    %add3A_1242 = arith.addf %add3A_1222, %mul3A_1241 : vector<16x128xf32>
    %add3A_1243 = vector.broadcast %get3A_26 : f32 to vector<16x128xf32>
    %add3A_1244 = arith.addf %add3A_1242, %add3A_1243 : vector<16x128xf32>
    %logistic3A_1245 = arith.negf %add3A_1244 : vector<16x128xf32>
    %logistic3A_1246 = math.exp %logistic3A_1245 : vector<16x128xf32>
    %logistic3A_1247 = arith.constant 1.000000e+00 : f32
    %logistic3A_1248 = vector.broadcast %logistic3A_1247 : f32 to vector<16x128xf32>
    %logistic3A_1249 = arith.addf %logistic3A_1248, %logistic3A_1246 : vector<16x128xf32>
    %logistic3A_1250 = arith.divf %logistic3A_1248, %logistic3A_1249 : vector<16x128xf32>
    %mul3A_1251 = vector.broadcast %get3A_11 : f32 to vector<16x128xf32>
    %mul3A_1252 = arith.mulf %select_n3A_1210, %mul3A_1251 : vector<16x128xf32>
    %add3A_1253 = vector.broadcast %get3A_29 : f32 to vector<16x128xf32>
    %add3A_1254 = arith.addf %mul3A_1252, %add3A_1253 : vector<16x128xf32>
    %mul3A_1255 = arith.mulf %logistic3A_1250, %add3A_1254 : vector<16x128xf32>
    %add3A_1256 = arith.addf %add3A_1228, %mul3A_1255 : vector<16x128xf32>
    %tanh3A_1257 = math.tanh %add3A_1256 : vector<16x128xf32>
    %gt3A_1258 = arith.constant 20 : i32
    %gt3A_1259 = vector.broadcast %gt3A_1258 : i32 to vector<16x128xi32>
    %gt3A_1260 = arith.cmpi sgt, %add3A, %gt3A_1259 : vector<16x128xi32>
    %mul3A_1261 = arith.mulf %logistic3A_1239, %select_n3A_1210 : vector<16x128xf32>
    %sub3A_1262 = arith.constant 1.000000e+00 : f32
    %sub3A_1263 = vector.broadcast %sub3A_1262 : f32 to vector<16x128xf32>
    %sub3A_1264 = arith.subf %sub3A_1263, %logistic3A_1239 : vector<16x128xf32>
    %mul3A_1265 = arith.mulf %sub3A_1264, %tanh3A_1257 : vector<16x128xf32>
    %add3A_1266 = arith.addf %mul3A_1261, %mul3A_1265 : vector<16x128xf32>
    %select_n3A_1267 = arith.select %gt3A_1260, %add3A_1266, %select_n3A_1210 : vector<16x128xi1>, vector<16x128xf32>
    %slice3A_1268 = vector.extract_strided_slice %get3A_974 {offsets = [0, 5, 0], sizes = [16, 1, 128], strides = [1, 1, 1]} : vector<16x8x128xf32> to vector<16x1x128xf32>
    %squeeze3A_1269 = vector.shape_cast %slice3A_1268 : vector<16x1x128xf32> to vector<16x128xf32>
    %mul3A_1270 = vector.broadcast %rsqrt3A : f32 to vector<16x128xf32>
    %mul3A_1271 = arith.mulf %squeeze3A_1269, %mul3A_1270 : vector<16x128xf32>
    %add3A_1272 = vector.broadcast %get3A_14 : f32 to vector<16x128xf32>
    %add3A_1273 = arith.addf %mul3A_1271, %add3A_1272 : vector<16x128xf32>
    %slice3A_1274 = vector.extract_strided_slice %get3A_978 {offsets = [0, 5, 0], sizes = [16, 1, 128], strides = [1, 1, 1]} : vector<16x8x128xf32> to vector<16x1x128xf32>
    %squeeze3A_1275 = vector.shape_cast %slice3A_1274 : vector<16x1x128xf32> to vector<16x128xf32>
    %mul3A_1276 = vector.broadcast %rsqrt3A : f32 to vector<16x128xf32>
    %mul3A_1277 = arith.mulf %squeeze3A_1275, %mul3A_1276 : vector<16x128xf32>
    %add3A_1278 = vector.broadcast %get3A_17 : f32 to vector<16x128xf32>
    %add3A_1279 = arith.addf %mul3A_1277, %add3A_1278 : vector<16x128xf32>
    %slice3A_1280 = vector.extract_strided_slice %get3A_982 {offsets = [0, 5, 0], sizes = [16, 1, 128], strides = [1, 1, 1]} : vector<16x8x128xf32> to vector<16x1x128xf32>
    %squeeze3A_1281 = vector.shape_cast %slice3A_1280 : vector<16x1x128xf32> to vector<16x128xf32>
    %mul3A_1282 = vector.broadcast %rsqrt3A : f32 to vector<16x128xf32>
    %mul3A_1283 = arith.mulf %squeeze3A_1281, %mul3A_1282 : vector<16x128xf32>
    %add3A_1284 = vector.broadcast %get3A_20 : f32 to vector<16x128xf32>
    %add3A_1285 = arith.addf %mul3A_1283, %add3A_1284 : vector<16x128xf32>
    %mul3A_1286 = vector.broadcast %get3A_5 : f32 to vector<16x128xf32>
    %mul3A_1287 = arith.mulf %select_n3A_1267, %mul3A_1286 : vector<16x128xf32>
    %add3A_1288 = arith.addf %add3A_1273, %mul3A_1287 : vector<16x128xf32>
    %add3A_1289 = vector.broadcast %get3A_23 : f32 to vector<16x128xf32>
    %add3A_1290 = arith.addf %add3A_1288, %add3A_1289 : vector<16x128xf32>
    %logistic3A_1291 = arith.negf %add3A_1290 : vector<16x128xf32>
    %logistic3A_1292 = math.exp %logistic3A_1291 : vector<16x128xf32>
    %logistic3A_1293 = arith.constant 1.000000e+00 : f32
    %logistic3A_1294 = vector.broadcast %logistic3A_1293 : f32 to vector<16x128xf32>
    %logistic3A_1295 = arith.addf %logistic3A_1294, %logistic3A_1292 : vector<16x128xf32>
    %logistic3A_1296 = arith.divf %logistic3A_1294, %logistic3A_1295 : vector<16x128xf32>
    %mul3A_1297 = vector.broadcast %get3A_8 : f32 to vector<16x128xf32>
    %mul3A_1298 = arith.mulf %select_n3A_1267, %mul3A_1297 : vector<16x128xf32>
    %add3A_1299 = arith.addf %add3A_1279, %mul3A_1298 : vector<16x128xf32>
    %add3A_1300 = vector.broadcast %get3A_26 : f32 to vector<16x128xf32>
    %add3A_1301 = arith.addf %add3A_1299, %add3A_1300 : vector<16x128xf32>
    %logistic3A_1302 = arith.negf %add3A_1301 : vector<16x128xf32>
    %logistic3A_1303 = math.exp %logistic3A_1302 : vector<16x128xf32>
    %logistic3A_1304 = arith.constant 1.000000e+00 : f32
    %logistic3A_1305 = vector.broadcast %logistic3A_1304 : f32 to vector<16x128xf32>
    %logistic3A_1306 = arith.addf %logistic3A_1305, %logistic3A_1303 : vector<16x128xf32>
    %logistic3A_1307 = arith.divf %logistic3A_1305, %logistic3A_1306 : vector<16x128xf32>
    %mul3A_1308 = vector.broadcast %get3A_11 : f32 to vector<16x128xf32>
    %mul3A_1309 = arith.mulf %select_n3A_1267, %mul3A_1308 : vector<16x128xf32>
    %add3A_1310 = vector.broadcast %get3A_29 : f32 to vector<16x128xf32>
    %add3A_1311 = arith.addf %mul3A_1309, %add3A_1310 : vector<16x128xf32>
    %mul3A_1312 = arith.mulf %logistic3A_1307, %add3A_1311 : vector<16x128xf32>
    %add3A_1313 = arith.addf %add3A_1285, %mul3A_1312 : vector<16x128xf32>
    %tanh3A_1314 = math.tanh %add3A_1313 : vector<16x128xf32>
    %gt3A_1315 = arith.constant 21 : i32
    %gt3A_1316 = vector.broadcast %gt3A_1315 : i32 to vector<16x128xi32>
    %gt3A_1317 = arith.cmpi sgt, %add3A, %gt3A_1316 : vector<16x128xi32>
    %mul3A_1318 = arith.mulf %logistic3A_1296, %select_n3A_1267 : vector<16x128xf32>
    %sub3A_1319 = arith.constant 1.000000e+00 : f32
    %sub3A_1320 = vector.broadcast %sub3A_1319 : f32 to vector<16x128xf32>
    %sub3A_1321 = arith.subf %sub3A_1320, %logistic3A_1296 : vector<16x128xf32>
    %mul3A_1322 = arith.mulf %sub3A_1321, %tanh3A_1314 : vector<16x128xf32>
    %add3A_1323 = arith.addf %mul3A_1318, %mul3A_1322 : vector<16x128xf32>
    %select_n3A_1324 = arith.select %gt3A_1317, %add3A_1323, %select_n3A_1267 : vector<16x128xi1>, vector<16x128xf32>
    %slice3A_1325 = vector.extract_strided_slice %get3A_974 {offsets = [0, 6, 0], sizes = [16, 1, 128], strides = [1, 1, 1]} : vector<16x8x128xf32> to vector<16x1x128xf32>
    %squeeze3A_1326 = vector.shape_cast %slice3A_1325 : vector<16x1x128xf32> to vector<16x128xf32>
    %mul3A_1327 = vector.broadcast %rsqrt3A : f32 to vector<16x128xf32>
    %mul3A_1328 = arith.mulf %squeeze3A_1326, %mul3A_1327 : vector<16x128xf32>
    %add3A_1329 = vector.broadcast %get3A_14 : f32 to vector<16x128xf32>
    %add3A_1330 = arith.addf %mul3A_1328, %add3A_1329 : vector<16x128xf32>
    %slice3A_1331 = vector.extract_strided_slice %get3A_978 {offsets = [0, 6, 0], sizes = [16, 1, 128], strides = [1, 1, 1]} : vector<16x8x128xf32> to vector<16x1x128xf32>
    %squeeze3A_1332 = vector.shape_cast %slice3A_1331 : vector<16x1x128xf32> to vector<16x128xf32>
    %mul3A_1333 = vector.broadcast %rsqrt3A : f32 to vector<16x128xf32>
    %mul3A_1334 = arith.mulf %squeeze3A_1332, %mul3A_1333 : vector<16x128xf32>
    %add3A_1335 = vector.broadcast %get3A_17 : f32 to vector<16x128xf32>
    %add3A_1336 = arith.addf %mul3A_1334, %add3A_1335 : vector<16x128xf32>
    %slice3A_1337 = vector.extract_strided_slice %get3A_982 {offsets = [0, 6, 0], sizes = [16, 1, 128], strides = [1, 1, 1]} : vector<16x8x128xf32> to vector<16x1x128xf32>
    %squeeze3A_1338 = vector.shape_cast %slice3A_1337 : vector<16x1x128xf32> to vector<16x128xf32>
    %mul3A_1339 = vector.broadcast %rsqrt3A : f32 to vector<16x128xf32>
    %mul3A_1340 = arith.mulf %squeeze3A_1338, %mul3A_1339 : vector<16x128xf32>
    %add3A_1341 = vector.broadcast %get3A_20 : f32 to vector<16x128xf32>
    %add3A_1342 = arith.addf %mul3A_1340, %add3A_1341 : vector<16x128xf32>
    %mul3A_1343 = vector.broadcast %get3A_5 : f32 to vector<16x128xf32>
    %mul3A_1344 = arith.mulf %select_n3A_1324, %mul3A_1343 : vector<16x128xf32>
    %add3A_1345 = arith.addf %add3A_1330, %mul3A_1344 : vector<16x128xf32>
    %add3A_1346 = vector.broadcast %get3A_23 : f32 to vector<16x128xf32>
    %add3A_1347 = arith.addf %add3A_1345, %add3A_1346 : vector<16x128xf32>
    %logistic3A_1348 = arith.negf %add3A_1347 : vector<16x128xf32>
    %logistic3A_1349 = math.exp %logistic3A_1348 : vector<16x128xf32>
    %logistic3A_1350 = arith.constant 1.000000e+00 : f32
    %logistic3A_1351 = vector.broadcast %logistic3A_1350 : f32 to vector<16x128xf32>
    %logistic3A_1352 = arith.addf %logistic3A_1351, %logistic3A_1349 : vector<16x128xf32>
    %logistic3A_1353 = arith.divf %logistic3A_1351, %logistic3A_1352 : vector<16x128xf32>
    %mul3A_1354 = vector.broadcast %get3A_8 : f32 to vector<16x128xf32>
    %mul3A_1355 = arith.mulf %select_n3A_1324, %mul3A_1354 : vector<16x128xf32>
    %add3A_1356 = arith.addf %add3A_1336, %mul3A_1355 : vector<16x128xf32>
    %add3A_1357 = vector.broadcast %get3A_26 : f32 to vector<16x128xf32>
    %add3A_1358 = arith.addf %add3A_1356, %add3A_1357 : vector<16x128xf32>
    %logistic3A_1359 = arith.negf %add3A_1358 : vector<16x128xf32>
    %logistic3A_1360 = math.exp %logistic3A_1359 : vector<16x128xf32>
    %logistic3A_1361 = arith.constant 1.000000e+00 : f32
    %logistic3A_1362 = vector.broadcast %logistic3A_1361 : f32 to vector<16x128xf32>
    %logistic3A_1363 = arith.addf %logistic3A_1362, %logistic3A_1360 : vector<16x128xf32>
    %logistic3A_1364 = arith.divf %logistic3A_1362, %logistic3A_1363 : vector<16x128xf32>
    %mul3A_1365 = vector.broadcast %get3A_11 : f32 to vector<16x128xf32>
    %mul3A_1366 = arith.mulf %select_n3A_1324, %mul3A_1365 : vector<16x128xf32>
    %add3A_1367 = vector.broadcast %get3A_29 : f32 to vector<16x128xf32>
    %add3A_1368 = arith.addf %mul3A_1366, %add3A_1367 : vector<16x128xf32>
    %mul3A_1369 = arith.mulf %logistic3A_1364, %add3A_1368 : vector<16x128xf32>
    %add3A_1370 = arith.addf %add3A_1342, %mul3A_1369 : vector<16x128xf32>
    %tanh3A_1371 = math.tanh %add3A_1370 : vector<16x128xf32>
    %gt3A_1372 = arith.constant 22 : i32
    %gt3A_1373 = vector.broadcast %gt3A_1372 : i32 to vector<16x128xi32>
    %gt3A_1374 = arith.cmpi sgt, %add3A, %gt3A_1373 : vector<16x128xi32>
    %mul3A_1375 = arith.mulf %logistic3A_1353, %select_n3A_1324 : vector<16x128xf32>
    %sub3A_1376 = arith.constant 1.000000e+00 : f32
    %sub3A_1377 = vector.broadcast %sub3A_1376 : f32 to vector<16x128xf32>
    %sub3A_1378 = arith.subf %sub3A_1377, %logistic3A_1353 : vector<16x128xf32>
    %mul3A_1379 = arith.mulf %sub3A_1378, %tanh3A_1371 : vector<16x128xf32>
    %add3A_1380 = arith.addf %mul3A_1375, %mul3A_1379 : vector<16x128xf32>
    %select_n3A_1381 = arith.select %gt3A_1374, %add3A_1380, %select_n3A_1324 : vector<16x128xi1>, vector<16x128xf32>
    %slice3A_1382 = vector.extract_strided_slice %get3A_974 {offsets = [0, 7, 0], sizes = [16, 1, 128], strides = [1, 1, 1]} : vector<16x8x128xf32> to vector<16x1x128xf32>
    %squeeze3A_1383 = vector.shape_cast %slice3A_1382 : vector<16x1x128xf32> to vector<16x128xf32>
    %mul3A_1384 = vector.broadcast %rsqrt3A : f32 to vector<16x128xf32>
    %mul3A_1385 = arith.mulf %squeeze3A_1383, %mul3A_1384 : vector<16x128xf32>
    %add3A_1386 = vector.broadcast %get3A_14 : f32 to vector<16x128xf32>
    %add3A_1387 = arith.addf %mul3A_1385, %add3A_1386 : vector<16x128xf32>
    %slice3A_1388 = vector.extract_strided_slice %get3A_978 {offsets = [0, 7, 0], sizes = [16, 1, 128], strides = [1, 1, 1]} : vector<16x8x128xf32> to vector<16x1x128xf32>
    %squeeze3A_1389 = vector.shape_cast %slice3A_1388 : vector<16x1x128xf32> to vector<16x128xf32>
    %mul3A_1390 = vector.broadcast %rsqrt3A : f32 to vector<16x128xf32>
    %mul3A_1391 = arith.mulf %squeeze3A_1389, %mul3A_1390 : vector<16x128xf32>
    %add3A_1392 = vector.broadcast %get3A_17 : f32 to vector<16x128xf32>
    %add3A_1393 = arith.addf %mul3A_1391, %add3A_1392 : vector<16x128xf32>
    %slice3A_1394 = vector.extract_strided_slice %get3A_982 {offsets = [0, 7, 0], sizes = [16, 1, 128], strides = [1, 1, 1]} : vector<16x8x128xf32> to vector<16x1x128xf32>
    %squeeze3A_1395 = vector.shape_cast %slice3A_1394 : vector<16x1x128xf32> to vector<16x128xf32>
    %mul3A_1396 = vector.broadcast %rsqrt3A : f32 to vector<16x128xf32>
    %mul3A_1397 = arith.mulf %squeeze3A_1395, %mul3A_1396 : vector<16x128xf32>
    %add3A_1398 = vector.broadcast %get3A_20 : f32 to vector<16x128xf32>
    %add3A_1399 = arith.addf %mul3A_1397, %add3A_1398 : vector<16x128xf32>
    %mul3A_1400 = vector.broadcast %get3A_5 : f32 to vector<16x128xf32>
    %mul3A_1401 = arith.mulf %select_n3A_1381, %mul3A_1400 : vector<16x128xf32>
    %add3A_1402 = arith.addf %add3A_1387, %mul3A_1401 : vector<16x128xf32>
    %add3A_1403 = vector.broadcast %get3A_23 : f32 to vector<16x128xf32>
    %add3A_1404 = arith.addf %add3A_1402, %add3A_1403 : vector<16x128xf32>
    %logistic3A_1405 = arith.negf %add3A_1404 : vector<16x128xf32>
    %logistic3A_1406 = math.exp %logistic3A_1405 : vector<16x128xf32>
    %logistic3A_1407 = arith.constant 1.000000e+00 : f32
    %logistic3A_1408 = vector.broadcast %logistic3A_1407 : f32 to vector<16x128xf32>
    %logistic3A_1409 = arith.addf %logistic3A_1408, %logistic3A_1406 : vector<16x128xf32>
    %logistic3A_1410 = arith.divf %logistic3A_1408, %logistic3A_1409 : vector<16x128xf32>
    %mul3A_1411 = vector.broadcast %get3A_8 : f32 to vector<16x128xf32>
    %mul3A_1412 = arith.mulf %select_n3A_1381, %mul3A_1411 : vector<16x128xf32>
    %add3A_1413 = arith.addf %add3A_1393, %mul3A_1412 : vector<16x128xf32>
    %add3A_1414 = vector.broadcast %get3A_26 : f32 to vector<16x128xf32>
    %add3A_1415 = arith.addf %add3A_1413, %add3A_1414 : vector<16x128xf32>
    %logistic3A_1416 = arith.negf %add3A_1415 : vector<16x128xf32>
    %logistic3A_1417 = math.exp %logistic3A_1416 : vector<16x128xf32>
    %logistic3A_1418 = arith.constant 1.000000e+00 : f32
    %logistic3A_1419 = vector.broadcast %logistic3A_1418 : f32 to vector<16x128xf32>
    %logistic3A_1420 = arith.addf %logistic3A_1419, %logistic3A_1417 : vector<16x128xf32>
    %logistic3A_1421 = arith.divf %logistic3A_1419, %logistic3A_1420 : vector<16x128xf32>
    %mul3A_1422 = vector.broadcast %get3A_11 : f32 to vector<16x128xf32>
    %mul3A_1423 = arith.mulf %select_n3A_1381, %mul3A_1422 : vector<16x128xf32>
    %add3A_1424 = vector.broadcast %get3A_29 : f32 to vector<16x128xf32>
    %add3A_1425 = arith.addf %mul3A_1423, %add3A_1424 : vector<16x128xf32>
    %mul3A_1426 = arith.mulf %logistic3A_1421, %add3A_1425 : vector<16x128xf32>
    %add3A_1427 = arith.addf %add3A_1399, %mul3A_1426 : vector<16x128xf32>
    %tanh3A_1428 = math.tanh %add3A_1427 : vector<16x128xf32>
    %gt3A_1429 = arith.constant 23 : i32
    %gt3A_1430 = vector.broadcast %gt3A_1429 : i32 to vector<16x128xi32>
    %gt3A_1431 = arith.cmpi sgt, %add3A, %gt3A_1430 : vector<16x128xi32>
    %mul3A_1432 = arith.mulf %logistic3A_1410, %select_n3A_1381 : vector<16x128xf32>
    %sub3A_1433 = arith.constant 1.000000e+00 : f32
    %sub3A_1434 = vector.broadcast %sub3A_1433 : f32 to vector<16x128xf32>
    %sub3A_1435 = arith.subf %sub3A_1434, %logistic3A_1410 : vector<16x128xf32>
    %mul3A_1436 = arith.mulf %sub3A_1435, %tanh3A_1428 : vector<16x128xf32>
    %add3A_1437 = arith.addf %mul3A_1432, %mul3A_1436 : vector<16x128xf32>
    %select_n3A_1438 = arith.select %gt3A_1431, %add3A_1437, %select_n3A_1381 : vector<16x128xi1>, vector<16x128xf32>
    %get3A_1439 = arith.constant 0 : index
    %get3A_1440 = arith.constant 24 : index
    %get3A_1441 = arith.constant 0 : index
    %get3A_1442 = vector.load %arg3[%get3A_1439, %get3A_1440, %get3A_1441] : memref<16x32x128xf32, #tpu.memory_space<vmem>>, vector<16x8x128xf32>
    %get3A_1443 = arith.constant 0 : index
    %get3A_1444 = arith.constant 24 : index
    %get3A_1445 = arith.constant 0 : index
    %get3A_1446 = vector.load %arg4[%get3A_1443, %get3A_1444, %get3A_1445] : memref<16x32x128xf32, #tpu.memory_space<vmem>>, vector<16x8x128xf32>
    %get3A_1447 = arith.constant 0 : index
    %get3A_1448 = arith.constant 24 : index
    %get3A_1449 = arith.constant 0 : index
    %get3A_1450 = vector.load %arg5[%get3A_1447, %get3A_1448, %get3A_1449] : memref<16x32x128xf32, #tpu.memory_space<vmem>>, vector<16x8x128xf32>
    %slice3A_1451 = vector.extract_strided_slice %get3A_1442 {offsets = [0, 0, 0], sizes = [16, 1, 128], strides = [1, 1, 1]} : vector<16x8x128xf32> to vector<16x1x128xf32>
    %squeeze3A_1452 = vector.shape_cast %slice3A_1451 : vector<16x1x128xf32> to vector<16x128xf32>
    %mul3A_1453 = vector.broadcast %rsqrt3A : f32 to vector<16x128xf32>
    %mul3A_1454 = arith.mulf %squeeze3A_1452, %mul3A_1453 : vector<16x128xf32>
    %add3A_1455 = vector.broadcast %get3A_14 : f32 to vector<16x128xf32>
    %add3A_1456 = arith.addf %mul3A_1454, %add3A_1455 : vector<16x128xf32>
    %slice3A_1457 = vector.extract_strided_slice %get3A_1446 {offsets = [0, 0, 0], sizes = [16, 1, 128], strides = [1, 1, 1]} : vector<16x8x128xf32> to vector<16x1x128xf32>
    %squeeze3A_1458 = vector.shape_cast %slice3A_1457 : vector<16x1x128xf32> to vector<16x128xf32>
    %mul3A_1459 = vector.broadcast %rsqrt3A : f32 to vector<16x128xf32>
    %mul3A_1460 = arith.mulf %squeeze3A_1458, %mul3A_1459 : vector<16x128xf32>
    %add3A_1461 = vector.broadcast %get3A_17 : f32 to vector<16x128xf32>
    %add3A_1462 = arith.addf %mul3A_1460, %add3A_1461 : vector<16x128xf32>
    %slice3A_1463 = vector.extract_strided_slice %get3A_1450 {offsets = [0, 0, 0], sizes = [16, 1, 128], strides = [1, 1, 1]} : vector<16x8x128xf32> to vector<16x1x128xf32>
    %squeeze3A_1464 = vector.shape_cast %slice3A_1463 : vector<16x1x128xf32> to vector<16x128xf32>
    %mul3A_1465 = vector.broadcast %rsqrt3A : f32 to vector<16x128xf32>
    %mul3A_1466 = arith.mulf %squeeze3A_1464, %mul3A_1465 : vector<16x128xf32>
    %add3A_1467 = vector.broadcast %get3A_20 : f32 to vector<16x128xf32>
    %add3A_1468 = arith.addf %mul3A_1466, %add3A_1467 : vector<16x128xf32>
    %mul3A_1469 = vector.broadcast %get3A_5 : f32 to vector<16x128xf32>
    %mul3A_1470 = arith.mulf %select_n3A_1438, %mul3A_1469 : vector<16x128xf32>
    %add3A_1471 = arith.addf %add3A_1456, %mul3A_1470 : vector<16x128xf32>
    %add3A_1472 = vector.broadcast %get3A_23 : f32 to vector<16x128xf32>
    %add3A_1473 = arith.addf %add3A_1471, %add3A_1472 : vector<16x128xf32>
    %logistic3A_1474 = arith.negf %add3A_1473 : vector<16x128xf32>
    %logistic3A_1475 = math.exp %logistic3A_1474 : vector<16x128xf32>
    %logistic3A_1476 = arith.constant 1.000000e+00 : f32
    %logistic3A_1477 = vector.broadcast %logistic3A_1476 : f32 to vector<16x128xf32>
    %logistic3A_1478 = arith.addf %logistic3A_1477, %logistic3A_1475 : vector<16x128xf32>
    %logistic3A_1479 = arith.divf %logistic3A_1477, %logistic3A_1478 : vector<16x128xf32>
    %mul3A_1480 = vector.broadcast %get3A_8 : f32 to vector<16x128xf32>
    %mul3A_1481 = arith.mulf %select_n3A_1438, %mul3A_1480 : vector<16x128xf32>
    %add3A_1482 = arith.addf %add3A_1462, %mul3A_1481 : vector<16x128xf32>
    %add3A_1483 = vector.broadcast %get3A_26 : f32 to vector<16x128xf32>
    %add3A_1484 = arith.addf %add3A_1482, %add3A_1483 : vector<16x128xf32>
    %logistic3A_1485 = arith.negf %add3A_1484 : vector<16x128xf32>
    %logistic3A_1486 = math.exp %logistic3A_1485 : vector<16x128xf32>
    %logistic3A_1487 = arith.constant 1.000000e+00 : f32
    %logistic3A_1488 = vector.broadcast %logistic3A_1487 : f32 to vector<16x128xf32>
    %logistic3A_1489 = arith.addf %logistic3A_1488, %logistic3A_1486 : vector<16x128xf32>
    %logistic3A_1490 = arith.divf %logistic3A_1488, %logistic3A_1489 : vector<16x128xf32>
    %mul3A_1491 = vector.broadcast %get3A_11 : f32 to vector<16x128xf32>
    %mul3A_1492 = arith.mulf %select_n3A_1438, %mul3A_1491 : vector<16x128xf32>
    %add3A_1493 = vector.broadcast %get3A_29 : f32 to vector<16x128xf32>
    %add3A_1494 = arith.addf %mul3A_1492, %add3A_1493 : vector<16x128xf32>
    %mul3A_1495 = arith.mulf %logistic3A_1490, %add3A_1494 : vector<16x128xf32>
    %add3A_1496 = arith.addf %add3A_1468, %mul3A_1495 : vector<16x128xf32>
    %tanh3A_1497 = math.tanh %add3A_1496 : vector<16x128xf32>
    %gt3A_1498 = arith.constant 24 : i32
    %gt3A_1499 = vector.broadcast %gt3A_1498 : i32 to vector<16x128xi32>
    %gt3A_1500 = arith.cmpi sgt, %add3A, %gt3A_1499 : vector<16x128xi32>
    %mul3A_1501 = arith.mulf %logistic3A_1479, %select_n3A_1438 : vector<16x128xf32>
    %sub3A_1502 = arith.constant 1.000000e+00 : f32
    %sub3A_1503 = vector.broadcast %sub3A_1502 : f32 to vector<16x128xf32>
    %sub3A_1504 = arith.subf %sub3A_1503, %logistic3A_1479 : vector<16x128xf32>
    %mul3A_1505 = arith.mulf %sub3A_1504, %tanh3A_1497 : vector<16x128xf32>
    %add3A_1506 = arith.addf %mul3A_1501, %mul3A_1505 : vector<16x128xf32>
    %select_n3A_1507 = arith.select %gt3A_1500, %add3A_1506, %select_n3A_1438 : vector<16x128xi1>, vector<16x128xf32>
    %slice3A_1508 = vector.extract_strided_slice %get3A_1442 {offsets = [0, 1, 0], sizes = [16, 1, 128], strides = [1, 1, 1]} : vector<16x8x128xf32> to vector<16x1x128xf32>
    %squeeze3A_1509 = vector.shape_cast %slice3A_1508 : vector<16x1x128xf32> to vector<16x128xf32>
    %mul3A_1510 = vector.broadcast %rsqrt3A : f32 to vector<16x128xf32>
    %mul3A_1511 = arith.mulf %squeeze3A_1509, %mul3A_1510 : vector<16x128xf32>
    %add3A_1512 = vector.broadcast %get3A_14 : f32 to vector<16x128xf32>
    %add3A_1513 = arith.addf %mul3A_1511, %add3A_1512 : vector<16x128xf32>
    %slice3A_1514 = vector.extract_strided_slice %get3A_1446 {offsets = [0, 1, 0], sizes = [16, 1, 128], strides = [1, 1, 1]} : vector<16x8x128xf32> to vector<16x1x128xf32>
    %squeeze3A_1515 = vector.shape_cast %slice3A_1514 : vector<16x1x128xf32> to vector<16x128xf32>
    %mul3A_1516 = vector.broadcast %rsqrt3A : f32 to vector<16x128xf32>
    %mul3A_1517 = arith.mulf %squeeze3A_1515, %mul3A_1516 : vector<16x128xf32>
    %add3A_1518 = vector.broadcast %get3A_17 : f32 to vector<16x128xf32>
    %add3A_1519 = arith.addf %mul3A_1517, %add3A_1518 : vector<16x128xf32>
    %slice3A_1520 = vector.extract_strided_slice %get3A_1450 {offsets = [0, 1, 0], sizes = [16, 1, 128], strides = [1, 1, 1]} : vector<16x8x128xf32> to vector<16x1x128xf32>
    %squeeze3A_1521 = vector.shape_cast %slice3A_1520 : vector<16x1x128xf32> to vector<16x128xf32>
    %mul3A_1522 = vector.broadcast %rsqrt3A : f32 to vector<16x128xf32>
    %mul3A_1523 = arith.mulf %squeeze3A_1521, %mul3A_1522 : vector<16x128xf32>
    %add3A_1524 = vector.broadcast %get3A_20 : f32 to vector<16x128xf32>
    %add3A_1525 = arith.addf %mul3A_1523, %add3A_1524 : vector<16x128xf32>
    %mul3A_1526 = vector.broadcast %get3A_5 : f32 to vector<16x128xf32>
    %mul3A_1527 = arith.mulf %select_n3A_1507, %mul3A_1526 : vector<16x128xf32>
    %add3A_1528 = arith.addf %add3A_1513, %mul3A_1527 : vector<16x128xf32>
    %add3A_1529 = vector.broadcast %get3A_23 : f32 to vector<16x128xf32>
    %add3A_1530 = arith.addf %add3A_1528, %add3A_1529 : vector<16x128xf32>
    %logistic3A_1531 = arith.negf %add3A_1530 : vector<16x128xf32>
    %logistic3A_1532 = math.exp %logistic3A_1531 : vector<16x128xf32>
    %logistic3A_1533 = arith.constant 1.000000e+00 : f32
    %logistic3A_1534 = vector.broadcast %logistic3A_1533 : f32 to vector<16x128xf32>
    %logistic3A_1535 = arith.addf %logistic3A_1534, %logistic3A_1532 : vector<16x128xf32>
    %logistic3A_1536 = arith.divf %logistic3A_1534, %logistic3A_1535 : vector<16x128xf32>
    %mul3A_1537 = vector.broadcast %get3A_8 : f32 to vector<16x128xf32>
    %mul3A_1538 = arith.mulf %select_n3A_1507, %mul3A_1537 : vector<16x128xf32>
    %add3A_1539 = arith.addf %add3A_1519, %mul3A_1538 : vector<16x128xf32>
    %add3A_1540 = vector.broadcast %get3A_26 : f32 to vector<16x128xf32>
    %add3A_1541 = arith.addf %add3A_1539, %add3A_1540 : vector<16x128xf32>
    %logistic3A_1542 = arith.negf %add3A_1541 : vector<16x128xf32>
    %logistic3A_1543 = math.exp %logistic3A_1542 : vector<16x128xf32>
    %logistic3A_1544 = arith.constant 1.000000e+00 : f32
    %logistic3A_1545 = vector.broadcast %logistic3A_1544 : f32 to vector<16x128xf32>
    %logistic3A_1546 = arith.addf %logistic3A_1545, %logistic3A_1543 : vector<16x128xf32>
    %logistic3A_1547 = arith.divf %logistic3A_1545, %logistic3A_1546 : vector<16x128xf32>
    %mul3A_1548 = vector.broadcast %get3A_11 : f32 to vector<16x128xf32>
    %mul3A_1549 = arith.mulf %select_n3A_1507, %mul3A_1548 : vector<16x128xf32>
    %add3A_1550 = vector.broadcast %get3A_29 : f32 to vector<16x128xf32>
    %add3A_1551 = arith.addf %mul3A_1549, %add3A_1550 : vector<16x128xf32>
    %mul3A_1552 = arith.mulf %logistic3A_1547, %add3A_1551 : vector<16x128xf32>
    %add3A_1553 = arith.addf %add3A_1525, %mul3A_1552 : vector<16x128xf32>
    %tanh3A_1554 = math.tanh %add3A_1553 : vector<16x128xf32>
    %gt3A_1555 = arith.constant 25 : i32
    %gt3A_1556 = vector.broadcast %gt3A_1555 : i32 to vector<16x128xi32>
    %gt3A_1557 = arith.cmpi sgt, %add3A, %gt3A_1556 : vector<16x128xi32>
    %mul3A_1558 = arith.mulf %logistic3A_1536, %select_n3A_1507 : vector<16x128xf32>
    %sub3A_1559 = arith.constant 1.000000e+00 : f32
    %sub3A_1560 = vector.broadcast %sub3A_1559 : f32 to vector<16x128xf32>
    %sub3A_1561 = arith.subf %sub3A_1560, %logistic3A_1536 : vector<16x128xf32>
    %mul3A_1562 = arith.mulf %sub3A_1561, %tanh3A_1554 : vector<16x128xf32>
    %add3A_1563 = arith.addf %mul3A_1558, %mul3A_1562 : vector<16x128xf32>
    %select_n3A_1564 = arith.select %gt3A_1557, %add3A_1563, %select_n3A_1507 : vector<16x128xi1>, vector<16x128xf32>
    %slice3A_1565 = vector.extract_strided_slice %get3A_1442 {offsets = [0, 2, 0], sizes = [16, 1, 128], strides = [1, 1, 1]} : vector<16x8x128xf32> to vector<16x1x128xf32>
    %squeeze3A_1566 = vector.shape_cast %slice3A_1565 : vector<16x1x128xf32> to vector<16x128xf32>
    %mul3A_1567 = vector.broadcast %rsqrt3A : f32 to vector<16x128xf32>
    %mul3A_1568 = arith.mulf %squeeze3A_1566, %mul3A_1567 : vector<16x128xf32>
    %add3A_1569 = vector.broadcast %get3A_14 : f32 to vector<16x128xf32>
    %add3A_1570 = arith.addf %mul3A_1568, %add3A_1569 : vector<16x128xf32>
    %slice3A_1571 = vector.extract_strided_slice %get3A_1446 {offsets = [0, 2, 0], sizes = [16, 1, 128], strides = [1, 1, 1]} : vector<16x8x128xf32> to vector<16x1x128xf32>
    %squeeze3A_1572 = vector.shape_cast %slice3A_1571 : vector<16x1x128xf32> to vector<16x128xf32>
    %mul3A_1573 = vector.broadcast %rsqrt3A : f32 to vector<16x128xf32>
    %mul3A_1574 = arith.mulf %squeeze3A_1572, %mul3A_1573 : vector<16x128xf32>
    %add3A_1575 = vector.broadcast %get3A_17 : f32 to vector<16x128xf32>
    %add3A_1576 = arith.addf %mul3A_1574, %add3A_1575 : vector<16x128xf32>
    %slice3A_1577 = vector.extract_strided_slice %get3A_1450 {offsets = [0, 2, 0], sizes = [16, 1, 128], strides = [1, 1, 1]} : vector<16x8x128xf32> to vector<16x1x128xf32>
    %squeeze3A_1578 = vector.shape_cast %slice3A_1577 : vector<16x1x128xf32> to vector<16x128xf32>
    %mul3A_1579 = vector.broadcast %rsqrt3A : f32 to vector<16x128xf32>
    %mul3A_1580 = arith.mulf %squeeze3A_1578, %mul3A_1579 : vector<16x128xf32>
    %add3A_1581 = vector.broadcast %get3A_20 : f32 to vector<16x128xf32>
    %add3A_1582 = arith.addf %mul3A_1580, %add3A_1581 : vector<16x128xf32>
    %mul3A_1583 = vector.broadcast %get3A_5 : f32 to vector<16x128xf32>
    %mul3A_1584 = arith.mulf %select_n3A_1564, %mul3A_1583 : vector<16x128xf32>
    %add3A_1585 = arith.addf %add3A_1570, %mul3A_1584 : vector<16x128xf32>
    %add3A_1586 = vector.broadcast %get3A_23 : f32 to vector<16x128xf32>
    %add3A_1587 = arith.addf %add3A_1585, %add3A_1586 : vector<16x128xf32>
    %logistic3A_1588 = arith.negf %add3A_1587 : vector<16x128xf32>
    %logistic3A_1589 = math.exp %logistic3A_1588 : vector<16x128xf32>
    %logistic3A_1590 = arith.constant 1.000000e+00 : f32
    %logistic3A_1591 = vector.broadcast %logistic3A_1590 : f32 to vector<16x128xf32>
    %logistic3A_1592 = arith.addf %logistic3A_1591, %logistic3A_1589 : vector<16x128xf32>
    %logistic3A_1593 = arith.divf %logistic3A_1591, %logistic3A_1592 : vector<16x128xf32>
    %mul3A_1594 = vector.broadcast %get3A_8 : f32 to vector<16x128xf32>
    %mul3A_1595 = arith.mulf %select_n3A_1564, %mul3A_1594 : vector<16x128xf32>
    %add3A_1596 = arith.addf %add3A_1576, %mul3A_1595 : vector<16x128xf32>
    %add3A_1597 = vector.broadcast %get3A_26 : f32 to vector<16x128xf32>
    %add3A_1598 = arith.addf %add3A_1596, %add3A_1597 : vector<16x128xf32>
    %logistic3A_1599 = arith.negf %add3A_1598 : vector<16x128xf32>
    %logistic3A_1600 = math.exp %logistic3A_1599 : vector<16x128xf32>
    %logistic3A_1601 = arith.constant 1.000000e+00 : f32
    %logistic3A_1602 = vector.broadcast %logistic3A_1601 : f32 to vector<16x128xf32>
    %logistic3A_1603 = arith.addf %logistic3A_1602, %logistic3A_1600 : vector<16x128xf32>
    %logistic3A_1604 = arith.divf %logistic3A_1602, %logistic3A_1603 : vector<16x128xf32>
    %mul3A_1605 = vector.broadcast %get3A_11 : f32 to vector<16x128xf32>
    %mul3A_1606 = arith.mulf %select_n3A_1564, %mul3A_1605 : vector<16x128xf32>
    %add3A_1607 = vector.broadcast %get3A_29 : f32 to vector<16x128xf32>
    %add3A_1608 = arith.addf %mul3A_1606, %add3A_1607 : vector<16x128xf32>
    %mul3A_1609 = arith.mulf %logistic3A_1604, %add3A_1608 : vector<16x128xf32>
    %add3A_1610 = arith.addf %add3A_1582, %mul3A_1609 : vector<16x128xf32>
    %tanh3A_1611 = math.tanh %add3A_1610 : vector<16x128xf32>
    %gt3A_1612 = arith.constant 26 : i32
    %gt3A_1613 = vector.broadcast %gt3A_1612 : i32 to vector<16x128xi32>
    %gt3A_1614 = arith.cmpi sgt, %add3A, %gt3A_1613 : vector<16x128xi32>
    %mul3A_1615 = arith.mulf %logistic3A_1593, %select_n3A_1564 : vector<16x128xf32>
    %sub3A_1616 = arith.constant 1.000000e+00 : f32
    %sub3A_1617 = vector.broadcast %sub3A_1616 : f32 to vector<16x128xf32>
    %sub3A_1618 = arith.subf %sub3A_1617, %logistic3A_1593 : vector<16x128xf32>
    %mul3A_1619 = arith.mulf %sub3A_1618, %tanh3A_1611 : vector<16x128xf32>
    %add3A_1620 = arith.addf %mul3A_1615, %mul3A_1619 : vector<16x128xf32>
    %select_n3A_1621 = arith.select %gt3A_1614, %add3A_1620, %select_n3A_1564 : vector<16x128xi1>, vector<16x128xf32>
    %slice3A_1622 = vector.extract_strided_slice %get3A_1442 {offsets = [0, 3, 0], sizes = [16, 1, 128], strides = [1, 1, 1]} : vector<16x8x128xf32> to vector<16x1x128xf32>
    %squeeze3A_1623 = vector.shape_cast %slice3A_1622 : vector<16x1x128xf32> to vector<16x128xf32>
    %mul3A_1624 = vector.broadcast %rsqrt3A : f32 to vector<16x128xf32>
    %mul3A_1625 = arith.mulf %squeeze3A_1623, %mul3A_1624 : vector<16x128xf32>
    %add3A_1626 = vector.broadcast %get3A_14 : f32 to vector<16x128xf32>
    %add3A_1627 = arith.addf %mul3A_1625, %add3A_1626 : vector<16x128xf32>
    %slice3A_1628 = vector.extract_strided_slice %get3A_1446 {offsets = [0, 3, 0], sizes = [16, 1, 128], strides = [1, 1, 1]} : vector<16x8x128xf32> to vector<16x1x128xf32>
    %squeeze3A_1629 = vector.shape_cast %slice3A_1628 : vector<16x1x128xf32> to vector<16x128xf32>
    %mul3A_1630 = vector.broadcast %rsqrt3A : f32 to vector<16x128xf32>
    %mul3A_1631 = arith.mulf %squeeze3A_1629, %mul3A_1630 : vector<16x128xf32>
    %add3A_1632 = vector.broadcast %get3A_17 : f32 to vector<16x128xf32>
    %add3A_1633 = arith.addf %mul3A_1631, %add3A_1632 : vector<16x128xf32>
    %slice3A_1634 = vector.extract_strided_slice %get3A_1450 {offsets = [0, 3, 0], sizes = [16, 1, 128], strides = [1, 1, 1]} : vector<16x8x128xf32> to vector<16x1x128xf32>
    %squeeze3A_1635 = vector.shape_cast %slice3A_1634 : vector<16x1x128xf32> to vector<16x128xf32>
    %mul3A_1636 = vector.broadcast %rsqrt3A : f32 to vector<16x128xf32>
    %mul3A_1637 = arith.mulf %squeeze3A_1635, %mul3A_1636 : vector<16x128xf32>
    %add3A_1638 = vector.broadcast %get3A_20 : f32 to vector<16x128xf32>
    %add3A_1639 = arith.addf %mul3A_1637, %add3A_1638 : vector<16x128xf32>
    %mul3A_1640 = vector.broadcast %get3A_5 : f32 to vector<16x128xf32>
    %mul3A_1641 = arith.mulf %select_n3A_1621, %mul3A_1640 : vector<16x128xf32>
    %add3A_1642 = arith.addf %add3A_1627, %mul3A_1641 : vector<16x128xf32>
    %add3A_1643 = vector.broadcast %get3A_23 : f32 to vector<16x128xf32>
    %add3A_1644 = arith.addf %add3A_1642, %add3A_1643 : vector<16x128xf32>
    %logistic3A_1645 = arith.negf %add3A_1644 : vector<16x128xf32>
    %logistic3A_1646 = math.exp %logistic3A_1645 : vector<16x128xf32>
    %logistic3A_1647 = arith.constant 1.000000e+00 : f32
    %logistic3A_1648 = vector.broadcast %logistic3A_1647 : f32 to vector<16x128xf32>
    %logistic3A_1649 = arith.addf %logistic3A_1648, %logistic3A_1646 : vector<16x128xf32>
    %logistic3A_1650 = arith.divf %logistic3A_1648, %logistic3A_1649 : vector<16x128xf32>
    %mul3A_1651 = vector.broadcast %get3A_8 : f32 to vector<16x128xf32>
    %mul3A_1652 = arith.mulf %select_n3A_1621, %mul3A_1651 : vector<16x128xf32>
    %add3A_1653 = arith.addf %add3A_1633, %mul3A_1652 : vector<16x128xf32>
    %add3A_1654 = vector.broadcast %get3A_26 : f32 to vector<16x128xf32>
    %add3A_1655 = arith.addf %add3A_1653, %add3A_1654 : vector<16x128xf32>
    %logistic3A_1656 = arith.negf %add3A_1655 : vector<16x128xf32>
    %logistic3A_1657 = math.exp %logistic3A_1656 : vector<16x128xf32>
    %logistic3A_1658 = arith.constant 1.000000e+00 : f32
    %logistic3A_1659 = vector.broadcast %logistic3A_1658 : f32 to vector<16x128xf32>
    %logistic3A_1660 = arith.addf %logistic3A_1659, %logistic3A_1657 : vector<16x128xf32>
    %logistic3A_1661 = arith.divf %logistic3A_1659, %logistic3A_1660 : vector<16x128xf32>
    %mul3A_1662 = vector.broadcast %get3A_11 : f32 to vector<16x128xf32>
    %mul3A_1663 = arith.mulf %select_n3A_1621, %mul3A_1662 : vector<16x128xf32>
    %add3A_1664 = vector.broadcast %get3A_29 : f32 to vector<16x128xf32>
    %add3A_1665 = arith.addf %mul3A_1663, %add3A_1664 : vector<16x128xf32>
    %mul3A_1666 = arith.mulf %logistic3A_1661, %add3A_1665 : vector<16x128xf32>
    %add3A_1667 = arith.addf %add3A_1639, %mul3A_1666 : vector<16x128xf32>
    %tanh3A_1668 = math.tanh %add3A_1667 : vector<16x128xf32>
    %gt3A_1669 = arith.constant 27 : i32
    %gt3A_1670 = vector.broadcast %gt3A_1669 : i32 to vector<16x128xi32>
    %gt3A_1671 = arith.cmpi sgt, %add3A, %gt3A_1670 : vector<16x128xi32>
    %mul3A_1672 = arith.mulf %logistic3A_1650, %select_n3A_1621 : vector<16x128xf32>
    %sub3A_1673 = arith.constant 1.000000e+00 : f32
    %sub3A_1674 = vector.broadcast %sub3A_1673 : f32 to vector<16x128xf32>
    %sub3A_1675 = arith.subf %sub3A_1674, %logistic3A_1650 : vector<16x128xf32>
    %mul3A_1676 = arith.mulf %sub3A_1675, %tanh3A_1668 : vector<16x128xf32>
    %add3A_1677 = arith.addf %mul3A_1672, %mul3A_1676 : vector<16x128xf32>
    %select_n3A_1678 = arith.select %gt3A_1671, %add3A_1677, %select_n3A_1621 : vector<16x128xi1>, vector<16x128xf32>
    %slice3A_1679 = vector.extract_strided_slice %get3A_1442 {offsets = [0, 4, 0], sizes = [16, 1, 128], strides = [1, 1, 1]} : vector<16x8x128xf32> to vector<16x1x128xf32>
    %squeeze3A_1680 = vector.shape_cast %slice3A_1679 : vector<16x1x128xf32> to vector<16x128xf32>
    %mul3A_1681 = vector.broadcast %rsqrt3A : f32 to vector<16x128xf32>
    %mul3A_1682 = arith.mulf %squeeze3A_1680, %mul3A_1681 : vector<16x128xf32>
    %add3A_1683 = vector.broadcast %get3A_14 : f32 to vector<16x128xf32>
    %add3A_1684 = arith.addf %mul3A_1682, %add3A_1683 : vector<16x128xf32>
    %slice3A_1685 = vector.extract_strided_slice %get3A_1446 {offsets = [0, 4, 0], sizes = [16, 1, 128], strides = [1, 1, 1]} : vector<16x8x128xf32> to vector<16x1x128xf32>
    %squeeze3A_1686 = vector.shape_cast %slice3A_1685 : vector<16x1x128xf32> to vector<16x128xf32>
    %mul3A_1687 = vector.broadcast %rsqrt3A : f32 to vector<16x128xf32>
    %mul3A_1688 = arith.mulf %squeeze3A_1686, %mul3A_1687 : vector<16x128xf32>
    %add3A_1689 = vector.broadcast %get3A_17 : f32 to vector<16x128xf32>
    %add3A_1690 = arith.addf %mul3A_1688, %add3A_1689 : vector<16x128xf32>
    %slice3A_1691 = vector.extract_strided_slice %get3A_1450 {offsets = [0, 4, 0], sizes = [16, 1, 128], strides = [1, 1, 1]} : vector<16x8x128xf32> to vector<16x1x128xf32>
    %squeeze3A_1692 = vector.shape_cast %slice3A_1691 : vector<16x1x128xf32> to vector<16x128xf32>
    %mul3A_1693 = vector.broadcast %rsqrt3A : f32 to vector<16x128xf32>
    %mul3A_1694 = arith.mulf %squeeze3A_1692, %mul3A_1693 : vector<16x128xf32>
    %add3A_1695 = vector.broadcast %get3A_20 : f32 to vector<16x128xf32>
    %add3A_1696 = arith.addf %mul3A_1694, %add3A_1695 : vector<16x128xf32>
    %mul3A_1697 = vector.broadcast %get3A_5 : f32 to vector<16x128xf32>
    %mul3A_1698 = arith.mulf %select_n3A_1678, %mul3A_1697 : vector<16x128xf32>
    %add3A_1699 = arith.addf %add3A_1684, %mul3A_1698 : vector<16x128xf32>
    %add3A_1700 = vector.broadcast %get3A_23 : f32 to vector<16x128xf32>
    %add3A_1701 = arith.addf %add3A_1699, %add3A_1700 : vector<16x128xf32>
    %logistic3A_1702 = arith.negf %add3A_1701 : vector<16x128xf32>
    %logistic3A_1703 = math.exp %logistic3A_1702 : vector<16x128xf32>
    %logistic3A_1704 = arith.constant 1.000000e+00 : f32
    %logistic3A_1705 = vector.broadcast %logistic3A_1704 : f32 to vector<16x128xf32>
    %logistic3A_1706 = arith.addf %logistic3A_1705, %logistic3A_1703 : vector<16x128xf32>
    %logistic3A_1707 = arith.divf %logistic3A_1705, %logistic3A_1706 : vector<16x128xf32>
    %mul3A_1708 = vector.broadcast %get3A_8 : f32 to vector<16x128xf32>
    %mul3A_1709 = arith.mulf %select_n3A_1678, %mul3A_1708 : vector<16x128xf32>
    %add3A_1710 = arith.addf %add3A_1690, %mul3A_1709 : vector<16x128xf32>
    %add3A_1711 = vector.broadcast %get3A_26 : f32 to vector<16x128xf32>
    %add3A_1712 = arith.addf %add3A_1710, %add3A_1711 : vector<16x128xf32>
    %logistic3A_1713 = arith.negf %add3A_1712 : vector<16x128xf32>
    %logistic3A_1714 = math.exp %logistic3A_1713 : vector<16x128xf32>
    %logistic3A_1715 = arith.constant 1.000000e+00 : f32
    %logistic3A_1716 = vector.broadcast %logistic3A_1715 : f32 to vector<16x128xf32>
    %logistic3A_1717 = arith.addf %logistic3A_1716, %logistic3A_1714 : vector<16x128xf32>
    %logistic3A_1718 = arith.divf %logistic3A_1716, %logistic3A_1717 : vector<16x128xf32>
    %mul3A_1719 = vector.broadcast %get3A_11 : f32 to vector<16x128xf32>
    %mul3A_1720 = arith.mulf %select_n3A_1678, %mul3A_1719 : vector<16x128xf32>
    %add3A_1721 = vector.broadcast %get3A_29 : f32 to vector<16x128xf32>
    %add3A_1722 = arith.addf %mul3A_1720, %add3A_1721 : vector<16x128xf32>
    %mul3A_1723 = arith.mulf %logistic3A_1718, %add3A_1722 : vector<16x128xf32>
    %add3A_1724 = arith.addf %add3A_1696, %mul3A_1723 : vector<16x128xf32>
    %tanh3A_1725 = math.tanh %add3A_1724 : vector<16x128xf32>
    %gt3A_1726 = arith.constant 28 : i32
    %gt3A_1727 = vector.broadcast %gt3A_1726 : i32 to vector<16x128xi32>
    %gt3A_1728 = arith.cmpi sgt, %add3A, %gt3A_1727 : vector<16x128xi32>
    %mul3A_1729 = arith.mulf %logistic3A_1707, %select_n3A_1678 : vector<16x128xf32>
    %sub3A_1730 = arith.constant 1.000000e+00 : f32
    %sub3A_1731 = vector.broadcast %sub3A_1730 : f32 to vector<16x128xf32>
    %sub3A_1732 = arith.subf %sub3A_1731, %logistic3A_1707 : vector<16x128xf32>
    %mul3A_1733 = arith.mulf %sub3A_1732, %tanh3A_1725 : vector<16x128xf32>
    %add3A_1734 = arith.addf %mul3A_1729, %mul3A_1733 : vector<16x128xf32>
    %select_n3A_1735 = arith.select %gt3A_1728, %add3A_1734, %select_n3A_1678 : vector<16x128xi1>, vector<16x128xf32>
    %slice3A_1736 = vector.extract_strided_slice %get3A_1442 {offsets = [0, 5, 0], sizes = [16, 1, 128], strides = [1, 1, 1]} : vector<16x8x128xf32> to vector<16x1x128xf32>
    %squeeze3A_1737 = vector.shape_cast %slice3A_1736 : vector<16x1x128xf32> to vector<16x128xf32>
    %mul3A_1738 = vector.broadcast %rsqrt3A : f32 to vector<16x128xf32>
    %mul3A_1739 = arith.mulf %squeeze3A_1737, %mul3A_1738 : vector<16x128xf32>
    %add3A_1740 = vector.broadcast %get3A_14 : f32 to vector<16x128xf32>
    %add3A_1741 = arith.addf %mul3A_1739, %add3A_1740 : vector<16x128xf32>
    %slice3A_1742 = vector.extract_strided_slice %get3A_1446 {offsets = [0, 5, 0], sizes = [16, 1, 128], strides = [1, 1, 1]} : vector<16x8x128xf32> to vector<16x1x128xf32>
    %squeeze3A_1743 = vector.shape_cast %slice3A_1742 : vector<16x1x128xf32> to vector<16x128xf32>
    %mul3A_1744 = vector.broadcast %rsqrt3A : f32 to vector<16x128xf32>
    %mul3A_1745 = arith.mulf %squeeze3A_1743, %mul3A_1744 : vector<16x128xf32>
    %add3A_1746 = vector.broadcast %get3A_17 : f32 to vector<16x128xf32>
    %add3A_1747 = arith.addf %mul3A_1745, %add3A_1746 : vector<16x128xf32>
    %slice3A_1748 = vector.extract_strided_slice %get3A_1450 {offsets = [0, 5, 0], sizes = [16, 1, 128], strides = [1, 1, 1]} : vector<16x8x128xf32> to vector<16x1x128xf32>
    %squeeze3A_1749 = vector.shape_cast %slice3A_1748 : vector<16x1x128xf32> to vector<16x128xf32>
    %mul3A_1750 = vector.broadcast %rsqrt3A : f32 to vector<16x128xf32>
    %mul3A_1751 = arith.mulf %squeeze3A_1749, %mul3A_1750 : vector<16x128xf32>
    %add3A_1752 = vector.broadcast %get3A_20 : f32 to vector<16x128xf32>
    %add3A_1753 = arith.addf %mul3A_1751, %add3A_1752 : vector<16x128xf32>
    %mul3A_1754 = vector.broadcast %get3A_5 : f32 to vector<16x128xf32>
    %mul3A_1755 = arith.mulf %select_n3A_1735, %mul3A_1754 : vector<16x128xf32>
    %add3A_1756 = arith.addf %add3A_1741, %mul3A_1755 : vector<16x128xf32>
    %add3A_1757 = vector.broadcast %get3A_23 : f32 to vector<16x128xf32>
    %add3A_1758 = arith.addf %add3A_1756, %add3A_1757 : vector<16x128xf32>
    %logistic3A_1759 = arith.negf %add3A_1758 : vector<16x128xf32>
    %logistic3A_1760 = math.exp %logistic3A_1759 : vector<16x128xf32>
    %logistic3A_1761 = arith.constant 1.000000e+00 : f32
    %logistic3A_1762 = vector.broadcast %logistic3A_1761 : f32 to vector<16x128xf32>
    %logistic3A_1763 = arith.addf %logistic3A_1762, %logistic3A_1760 : vector<16x128xf32>
    %logistic3A_1764 = arith.divf %logistic3A_1762, %logistic3A_1763 : vector<16x128xf32>
    %mul3A_1765 = vector.broadcast %get3A_8 : f32 to vector<16x128xf32>
    %mul3A_1766 = arith.mulf %select_n3A_1735, %mul3A_1765 : vector<16x128xf32>
    %add3A_1767 = arith.addf %add3A_1747, %mul3A_1766 : vector<16x128xf32>
    %add3A_1768 = vector.broadcast %get3A_26 : f32 to vector<16x128xf32>
    %add3A_1769 = arith.addf %add3A_1767, %add3A_1768 : vector<16x128xf32>
    %logistic3A_1770 = arith.negf %add3A_1769 : vector<16x128xf32>
    %logistic3A_1771 = math.exp %logistic3A_1770 : vector<16x128xf32>
    %logistic3A_1772 = arith.constant 1.000000e+00 : f32
    %logistic3A_1773 = vector.broadcast %logistic3A_1772 : f32 to vector<16x128xf32>
    %logistic3A_1774 = arith.addf %logistic3A_1773, %logistic3A_1771 : vector<16x128xf32>
    %logistic3A_1775 = arith.divf %logistic3A_1773, %logistic3A_1774 : vector<16x128xf32>
    %mul3A_1776 = vector.broadcast %get3A_11 : f32 to vector<16x128xf32>
    %mul3A_1777 = arith.mulf %select_n3A_1735, %mul3A_1776 : vector<16x128xf32>
    %add3A_1778 = vector.broadcast %get3A_29 : f32 to vector<16x128xf32>
    %add3A_1779 = arith.addf %mul3A_1777, %add3A_1778 : vector<16x128xf32>
    %mul3A_1780 = arith.mulf %logistic3A_1775, %add3A_1779 : vector<16x128xf32>
    %add3A_1781 = arith.addf %add3A_1753, %mul3A_1780 : vector<16x128xf32>
    %tanh3A_1782 = math.tanh %add3A_1781 : vector<16x128xf32>
    %gt3A_1783 = arith.constant 29 : i32
    %gt3A_1784 = vector.broadcast %gt3A_1783 : i32 to vector<16x128xi32>
    %gt3A_1785 = arith.cmpi sgt, %add3A, %gt3A_1784 : vector<16x128xi32>
    %mul3A_1786 = arith.mulf %logistic3A_1764, %select_n3A_1735 : vector<16x128xf32>
    %sub3A_1787 = arith.constant 1.000000e+00 : f32
    %sub3A_1788 = vector.broadcast %sub3A_1787 : f32 to vector<16x128xf32>
    %sub3A_1789 = arith.subf %sub3A_1788, %logistic3A_1764 : vector<16x128xf32>
    %mul3A_1790 = arith.mulf %sub3A_1789, %tanh3A_1782 : vector<16x128xf32>
    %add3A_1791 = arith.addf %mul3A_1786, %mul3A_1790 : vector<16x128xf32>
    %select_n3A_1792 = arith.select %gt3A_1785, %add3A_1791, %select_n3A_1735 : vector<16x128xi1>, vector<16x128xf32>
    %slice3A_1793 = vector.extract_strided_slice %get3A_1442 {offsets = [0, 6, 0], sizes = [16, 1, 128], strides = [1, 1, 1]} : vector<16x8x128xf32> to vector<16x1x128xf32>
    %squeeze3A_1794 = vector.shape_cast %slice3A_1793 : vector<16x1x128xf32> to vector<16x128xf32>
    %mul3A_1795 = vector.broadcast %rsqrt3A : f32 to vector<16x128xf32>
    %mul3A_1796 = arith.mulf %squeeze3A_1794, %mul3A_1795 : vector<16x128xf32>
    %add3A_1797 = vector.broadcast %get3A_14 : f32 to vector<16x128xf32>
    %add3A_1798 = arith.addf %mul3A_1796, %add3A_1797 : vector<16x128xf32>
    %slice3A_1799 = vector.extract_strided_slice %get3A_1446 {offsets = [0, 6, 0], sizes = [16, 1, 128], strides = [1, 1, 1]} : vector<16x8x128xf32> to vector<16x1x128xf32>
    %squeeze3A_1800 = vector.shape_cast %slice3A_1799 : vector<16x1x128xf32> to vector<16x128xf32>
    %mul3A_1801 = vector.broadcast %rsqrt3A : f32 to vector<16x128xf32>
    %mul3A_1802 = arith.mulf %squeeze3A_1800, %mul3A_1801 : vector<16x128xf32>
    %add3A_1803 = vector.broadcast %get3A_17 : f32 to vector<16x128xf32>
    %add3A_1804 = arith.addf %mul3A_1802, %add3A_1803 : vector<16x128xf32>
    %slice3A_1805 = vector.extract_strided_slice %get3A_1450 {offsets = [0, 6, 0], sizes = [16, 1, 128], strides = [1, 1, 1]} : vector<16x8x128xf32> to vector<16x1x128xf32>
    %squeeze3A_1806 = vector.shape_cast %slice3A_1805 : vector<16x1x128xf32> to vector<16x128xf32>
    %mul3A_1807 = vector.broadcast %rsqrt3A : f32 to vector<16x128xf32>
    %mul3A_1808 = arith.mulf %squeeze3A_1806, %mul3A_1807 : vector<16x128xf32>
    %add3A_1809 = vector.broadcast %get3A_20 : f32 to vector<16x128xf32>
    %add3A_1810 = arith.addf %mul3A_1808, %add3A_1809 : vector<16x128xf32>
    %mul3A_1811 = vector.broadcast %get3A_5 : f32 to vector<16x128xf32>
    %mul3A_1812 = arith.mulf %select_n3A_1792, %mul3A_1811 : vector<16x128xf32>
    %add3A_1813 = arith.addf %add3A_1798, %mul3A_1812 : vector<16x128xf32>
    %add3A_1814 = vector.broadcast %get3A_23 : f32 to vector<16x128xf32>
    %add3A_1815 = arith.addf %add3A_1813, %add3A_1814 : vector<16x128xf32>
    %logistic3A_1816 = arith.negf %add3A_1815 : vector<16x128xf32>
    %logistic3A_1817 = math.exp %logistic3A_1816 : vector<16x128xf32>
    %logistic3A_1818 = arith.constant 1.000000e+00 : f32
    %logistic3A_1819 = vector.broadcast %logistic3A_1818 : f32 to vector<16x128xf32>
    %logistic3A_1820 = arith.addf %logistic3A_1819, %logistic3A_1817 : vector<16x128xf32>
    %logistic3A_1821 = arith.divf %logistic3A_1819, %logistic3A_1820 : vector<16x128xf32>
    %mul3A_1822 = vector.broadcast %get3A_8 : f32 to vector<16x128xf32>
    %mul3A_1823 = arith.mulf %select_n3A_1792, %mul3A_1822 : vector<16x128xf32>
    %add3A_1824 = arith.addf %add3A_1804, %mul3A_1823 : vector<16x128xf32>
    %add3A_1825 = vector.broadcast %get3A_26 : f32 to vector<16x128xf32>
    %add3A_1826 = arith.addf %add3A_1824, %add3A_1825 : vector<16x128xf32>
    %logistic3A_1827 = arith.negf %add3A_1826 : vector<16x128xf32>
    %logistic3A_1828 = math.exp %logistic3A_1827 : vector<16x128xf32>
    %logistic3A_1829 = arith.constant 1.000000e+00 : f32
    %logistic3A_1830 = vector.broadcast %logistic3A_1829 : f32 to vector<16x128xf32>
    %logistic3A_1831 = arith.addf %logistic3A_1830, %logistic3A_1828 : vector<16x128xf32>
    %logistic3A_1832 = arith.divf %logistic3A_1830, %logistic3A_1831 : vector<16x128xf32>
    %mul3A_1833 = vector.broadcast %get3A_11 : f32 to vector<16x128xf32>
    %mul3A_1834 = arith.mulf %select_n3A_1792, %mul3A_1833 : vector<16x128xf32>
    %add3A_1835 = vector.broadcast %get3A_29 : f32 to vector<16x128xf32>
    %add3A_1836 = arith.addf %mul3A_1834, %add3A_1835 : vector<16x128xf32>
    %mul3A_1837 = arith.mulf %logistic3A_1832, %add3A_1836 : vector<16x128xf32>
    %add3A_1838 = arith.addf %add3A_1810, %mul3A_1837 : vector<16x128xf32>
    %tanh3A_1839 = math.tanh %add3A_1838 : vector<16x128xf32>
    %gt3A_1840 = arith.constant 30 : i32
    %gt3A_1841 = vector.broadcast %gt3A_1840 : i32 to vector<16x128xi32>
    %gt3A_1842 = arith.cmpi sgt, %add3A, %gt3A_1841 : vector<16x128xi32>
    %mul3A_1843 = arith.mulf %logistic3A_1821, %select_n3A_1792 : vector<16x128xf32>
    %sub3A_1844 = arith.constant 1.000000e+00 : f32
    %sub3A_1845 = vector.broadcast %sub3A_1844 : f32 to vector<16x128xf32>
    %sub3A_1846 = arith.subf %sub3A_1845, %logistic3A_1821 : vector<16x128xf32>
    %mul3A_1847 = arith.mulf %sub3A_1846, %tanh3A_1839 : vector<16x128xf32>
    %add3A_1848 = arith.addf %mul3A_1843, %mul3A_1847 : vector<16x128xf32>
    %select_n3A_1849 = arith.select %gt3A_1842, %add3A_1848, %select_n3A_1792 : vector<16x128xi1>, vector<16x128xf32>
    %slice3A_1850 = vector.extract_strided_slice %get3A_1442 {offsets = [0, 7, 0], sizes = [16, 1, 128], strides = [1, 1, 1]} : vector<16x8x128xf32> to vector<16x1x128xf32>
    %squeeze3A_1851 = vector.shape_cast %slice3A_1850 : vector<16x1x128xf32> to vector<16x128xf32>
    %mul3A_1852 = vector.broadcast %rsqrt3A : f32 to vector<16x128xf32>
    %mul3A_1853 = arith.mulf %squeeze3A_1851, %mul3A_1852 : vector<16x128xf32>
    %add3A_1854 = vector.broadcast %get3A_14 : f32 to vector<16x128xf32>
    %add3A_1855 = arith.addf %mul3A_1853, %add3A_1854 : vector<16x128xf32>
    %slice3A_1856 = vector.extract_strided_slice %get3A_1446 {offsets = [0, 7, 0], sizes = [16, 1, 128], strides = [1, 1, 1]} : vector<16x8x128xf32> to vector<16x1x128xf32>
    %squeeze3A_1857 = vector.shape_cast %slice3A_1856 : vector<16x1x128xf32> to vector<16x128xf32>
    %mul3A_1858 = vector.broadcast %rsqrt3A : f32 to vector<16x128xf32>
    %mul3A_1859 = arith.mulf %squeeze3A_1857, %mul3A_1858 : vector<16x128xf32>
    %add3A_1860 = vector.broadcast %get3A_17 : f32 to vector<16x128xf32>
    %add3A_1861 = arith.addf %mul3A_1859, %add3A_1860 : vector<16x128xf32>
    %slice3A_1862 = vector.extract_strided_slice %get3A_1450 {offsets = [0, 7, 0], sizes = [16, 1, 128], strides = [1, 1, 1]} : vector<16x8x128xf32> to vector<16x1x128xf32>
    %squeeze3A_1863 = vector.shape_cast %slice3A_1862 : vector<16x1x128xf32> to vector<16x128xf32>
    %mul3A_1864 = vector.broadcast %rsqrt3A : f32 to vector<16x128xf32>
    %mul3A_1865 = arith.mulf %squeeze3A_1863, %mul3A_1864 : vector<16x128xf32>
    %add3A_1866 = vector.broadcast %get3A_20 : f32 to vector<16x128xf32>
    %add3A_1867 = arith.addf %mul3A_1865, %add3A_1866 : vector<16x128xf32>
    %mul3A_1868 = vector.broadcast %get3A_5 : f32 to vector<16x128xf32>
    %mul3A_1869 = arith.mulf %select_n3A_1849, %mul3A_1868 : vector<16x128xf32>
    %add3A_1870 = arith.addf %add3A_1855, %mul3A_1869 : vector<16x128xf32>
    %add3A_1871 = vector.broadcast %get3A_23 : f32 to vector<16x128xf32>
    %add3A_1872 = arith.addf %add3A_1870, %add3A_1871 : vector<16x128xf32>
    %logistic3A_1873 = arith.negf %add3A_1872 : vector<16x128xf32>
    %logistic3A_1874 = math.exp %logistic3A_1873 : vector<16x128xf32>
    %logistic3A_1875 = arith.constant 1.000000e+00 : f32
    %logistic3A_1876 = vector.broadcast %logistic3A_1875 : f32 to vector<16x128xf32>
    %logistic3A_1877 = arith.addf %logistic3A_1876, %logistic3A_1874 : vector<16x128xf32>
    %logistic3A_1878 = arith.divf %logistic3A_1876, %logistic3A_1877 : vector<16x128xf32>
    %mul3A_1879 = vector.broadcast %get3A_8 : f32 to vector<16x128xf32>
    %mul3A_1880 = arith.mulf %select_n3A_1849, %mul3A_1879 : vector<16x128xf32>
    %add3A_1881 = arith.addf %add3A_1861, %mul3A_1880 : vector<16x128xf32>
    %add3A_1882 = vector.broadcast %get3A_26 : f32 to vector<16x128xf32>
    %add3A_1883 = arith.addf %add3A_1881, %add3A_1882 : vector<16x128xf32>
    %logistic3A_1884 = arith.negf %add3A_1883 : vector<16x128xf32>
    %logistic3A_1885 = math.exp %logistic3A_1884 : vector<16x128xf32>
    %logistic3A_1886 = arith.constant 1.000000e+00 : f32
    %logistic3A_1887 = vector.broadcast %logistic3A_1886 : f32 to vector<16x128xf32>
    %logistic3A_1888 = arith.addf %logistic3A_1887, %logistic3A_1885 : vector<16x128xf32>
    %logistic3A_1889 = arith.divf %logistic3A_1887, %logistic3A_1888 : vector<16x128xf32>
    %mul3A_1890 = vector.broadcast %get3A_11 : f32 to vector<16x128xf32>
    %mul3A_1891 = arith.mulf %select_n3A_1849, %mul3A_1890 : vector<16x128xf32>
    %add3A_1892 = vector.broadcast %get3A_29 : f32 to vector<16x128xf32>
    %add3A_1893 = arith.addf %mul3A_1891, %add3A_1892 : vector<16x128xf32>
    %mul3A_1894 = arith.mulf %logistic3A_1889, %add3A_1893 : vector<16x128xf32>
    %add3A_1895 = arith.addf %add3A_1867, %mul3A_1894 : vector<16x128xf32>
    %tanh3A_1896 = math.tanh %add3A_1895 : vector<16x128xf32>
    %gt3A_1897 = arith.constant 31 : i32
    %gt3A_1898 = vector.broadcast %gt3A_1897 : i32 to vector<16x128xi32>
    %gt3A_1899 = arith.cmpi sgt, %add3A, %gt3A_1898 : vector<16x128xi32>
    %mul3A_1900 = arith.mulf %logistic3A_1878, %select_n3A_1849 : vector<16x128xf32>
    %sub3A_1901 = arith.constant 1.000000e+00 : f32
    %sub3A_1902 = vector.broadcast %sub3A_1901 : f32 to vector<16x128xf32>
    %sub3A_1903 = arith.subf %sub3A_1902, %logistic3A_1878 : vector<16x128xf32>
    %mul3A_1904 = arith.mulf %sub3A_1903, %tanh3A_1896 : vector<16x128xf32>
    %add3A_1905 = arith.addf %mul3A_1900, %mul3A_1904 : vector<16x128xf32>
    %select_n3A_1906 = arith.select %gt3A_1899, %add3A_1905, %select_n3A_1849 : vector<16x128xi1>, vector<16x128xf32>
    %swap3A = arith.constant 0 : index
    %swap3A_1907 = arith.constant 0 : index
    %swap3A_1908 = vector.load %arg8[%swap3A, %swap3A_1907] : memref<16x128xf32, #tpu.memory_space<vmem>>, vector<16x128xf32>
    tpu.vector_store %arg8[%swap3A, %swap3A_1907], %select_n3A_1906 {strides = array<i32>} : memref<16x128xf32, #tpu.memory_space<vmem>>, vector<16x128xf32>,
    return
  }
}

</mosaic_0001>

<sc_bundles>
// kernel: kernel.6.cloned.1.call-start
scs
__scs_entry_jumppad:
0x0: {  	(pc) =	sbr.rel $0x88, $3  }
0x1: {  	(tag) =	ssettag $0x0;
	lr =	simm.s32 $0x1  }
0x2: {  	[smem:$0x3F99] =	sst lr;
	_ =	strace $0xD0000000  }
0x3: {  	_ = 	snop  }
0x4: {  	_ = 	snop  }
0x5: {  	_ = 	snop  }
0x6: {  	_ = 	snop  }
0x7: {  	_ = 	snop  }
__scs_overlays_trampoline_lowered:
0x8: {  	[smem:$0x3FA8] =	sst s0  }
0x9: {  	[smem:$0x3FA9] =	sst s1  }
0xa: {  	[smem:$0x3FAA] =	sst s2  }
0xb: {  	[smem:$0x3FAB] =	sst s3  }
0xc: {  	[smem:$0x3FAC] =	sst s4  }
0xd: {  	[smem:$0x3FAD] =	sst s5  }
0xe: {  	[smem:$0x3FAE] =	sst s6  }
0xf: {  	[smem:$0x3FAF] =	sst s7  }
0x10: {  	[smem:$0x3FB0] =	sst s8  }
0x11: {  	[smem:$0x3FB1] =	sst s9;
	s0 =	simm.s32 @!p0 $0x0  }
0x12: {  	s1 =	sld [smem:$0x3F97];
	s0 =	simm.s32 @p0 $0x1  }
0x13: {  	[smem:$0x3FB2] =	sst s0;
	s0 =	simm.s32 @!p1 $0x0  }
0x14: {  	s2 =	sld [smem:$0x3F96];
	s0 =	simm.s32 @p1 $0x1  }
0x15: {  	[smem:$0x3FB3] =	sst s0;
	s0 =	simm.s32 @!p2 $0x0  }
0x16: {  	s3 =	sld [smem:$0x3FDB];
	s0 =	simm.s32 @p2 $0x1  }
0x17: {  	s4 =	simm.s32 $0x1BF5;
	[smem:$0x3FB5] =	sst s0  }
0x18: {  	s0 =	sld [smem:$0x3F98];
	_ =	swait.ge [sflag:s4], $0x0  }
0x19: {  	s7 =	sld [smem:$0x3F99]  }
0x1a: {  	s8 =	sadd.s32 $0xFFFFE003, lr  }
0x1b: {  	s9 =	sadd.s32 $0xFFFFFEF7, lr;
	s5 =	simm.s32 $0xFFFFFFFF;
	p2 =	slt.u32 s8, $0xFFFFF086  }
0x1c: {  	p1 =	slt.u32 s9, $0xF7A;
	s5 =	simm.s32 @!p2 $0x0  }
0x1d: {  	s5 =	simm.s32 @p1 $0x1;
	p0 =	seq.s32 s7, s2  }
0x1e: {  	s7 =	smul.u32 @!p0 $0xF7A, s2;
	p2 =	seq.s32 @!p0 s5, $0x0  }
0x1f: {  	s9 =	smul.u32 $0xF7A, s1;
	s8 =	simm.s32 @!p0 $0x1BF5;
	p2 =	por !p2, p0  }
0x20: {  	[sflag:s8] =	ssyncset.s32 @!p0 $0xFFFFF086;
	s6 =	sadd.s32 @!p0 s3, s7;
	s7 =	simm.s32 @!p0 $0x108  }
0x21: {  	s3 =	sadd.s32 s3, s9;
	s6 =	sadd.s32 @!p0 $0x88, s6;
	s7 =	simm.s32 @p2 $0x1082  }
0x22: {  	[simem:s7], [sflag:s8] =	dma.local @!p0 [hbm:s6], $0xF7A  }
0x23: {  	s9 =	sor.u32 $0xD0000000, s2;
	s6 =	simm.s32 $0x108;
	_ =	swait.ge @!p0 [sflag:s8], $0x0  }
0x24: {  	s3 =	sadd.s32 $0x88, s3;
	s6 =	simm.s32 @!p1 $0x1082;
	[sflag:s4] =	ssyncset.s32 $0xFFFFF086  }
0x25: {  	[simem:s6], [sflag:s4] =	dma.local [hbm:s3], $0xF7A  }
0x26: {  	[smem:$0x3F99] =	sst s1;
	(tag) =	ssettag s2;
	_ =	strace s9  }
0x27: {  	s1 =	sld [smem:$0x3FA9]  }
0x28: {  	s2 =	sld [smem:$0x3FAA]  }
0x29: {  	s4 =	sld [smem:$0x3FAC]  }
0x2a: {  	p0 =	seq.s32 s5, $0x0;
	s5 =	sld [smem:$0x3FAD]  }
0x2b: {  	s6 =	sld [smem:$0x3FAE]  }
0x2c: {  	s7 =	sld [smem:$0x3FAF]  }
0x2d: {  	s3 =	simm.s32 $0x108;
	s8 =	sld [smem:$0x3FB0]  }
0x2e: {  	s3 =	simm.s32 @!p0 $0x1082;
	s9 =	sld [smem:$0x3FB1]  }
0x2f: {  	lr =	sadd.s32 s0, s3;
	s0 =	sld [smem:$0x3FA8]  }
0x30: {  	s3 =	sld [smem:$0x3FAB]  }
0x31: {  	[smem:$0x3FB4] =	sst s10  }
0x32: {  	s10 =	sld [smem:$0x3FB2];
	_ =	sdelay $0x3  }
0x33: {  	p0 =	seq.s32 s10, $0x1;
	s10 =	sld [smem:$0x3FB4];
	_ =	sdelay $0x3  }
0x34: {  	[smem:$0x3FB4] =	sst s10  }
0x35: {  	s10 =	sld [smem:$0x3FB3];
	_ =	sdelay $0x3  }
0x36: {  	p1 =	seq.s32 s10, $0x1;
	s10 =	sld [smem:$0x3FB4];
	_ =	sdelay $0x3  }
0x37: {  	[smem:$0x3FB4] =	sst s10  }
0x38: {  	s10 =	sld [smem:$0x3FB5]  }
0x39: {  	_ = 	snop;
	(pc) =	sbr.ind lr, $3  }
0x3a: {  	_ = 	snop  }
0x3b: {  	_ = 	snop  }
0x3c: {  	p2 =	seq.s32 s10, $0x1;
	s10 =	sld [smem:$0x3FB4]  }
0x3d: {  	_ =	shalt  }
0x3e: {  	_ =	shalt  }
0x3f: {  	_ =	shalt  }
0x40: {  	_ =	shalt  }
0x41: {  	_ =	shalt  }
0x42: {  	_ =	shalt  }
0x43: {  	_ =	shalt  }
0x44: {  	_ =	shalt  }
0x45: {  	_ =	shalt  }
0x46: {  	_ =	shalt  }
0x47: {  	_ =	shalt  }
0x48: {  	_ =	shalt  }
0x49: {  	_ =	shalt  }
0x4a: {  	_ =	shalt  }
0x4b: {  	_ =	shalt  }
0x4c: {  	_ =	shalt  }
0x4d: {  	_ =	shalt  }
0x4e: {  	_ =	shalt  }
0x4f: {  	_ =	shalt  }
0x50: {  	_ =	shalt  }
0x51: {  	_ =	shalt  }
0x52: {  	_ =	shalt  }
0x53: {  	_ =	shalt  }
0x54: {  	_ =	shalt  }
0x55: {  	_ =	shalt  }
0x56: {  	_ =	shalt  }
0x57: {  	_ =	shalt  }
0x58: {  	_ =	shalt  }
0x59: {  	_ =	shalt  }
0x5a: {  	_ =	shalt  }
0x5b: {  	_ =	shalt  }
0x5c: {  	_ =	shalt  }
0x5d: {  	_ =	shalt  }
0x5e: {  	_ =	shalt  }
0x5f: {  	_ =	shalt  }
0x60: {  	_ =	shalt  }
0x61: {  	_ =	shalt  }
0x62: {  	_ =	shalt  }
0x63: {  	_ =	shalt  }
0x64: {  	_ =	shalt  }
0x65: {  	_ =	shalt  }
0x66: {  	_ =	shalt  }
0x67: {  	_ =	shalt  }
0x68: {  	_ =	shalt  }
0x69: {  	_ =	shalt  }
0x6a: {  	_ =	shalt  }
0x6b: {  	_ =	shalt  }
0x6c: {  	_ =	shalt  }
0x6d: {  	_ =	shalt  }
0x6e: {  	_ =	shalt  }
0x6f: {  	_ =	shalt  }
0x70: {  	_ =	shalt  }
0x71: {  	_ =	shalt  }
0x72: {  	_ =	shalt  }
0x73: {  	_ =	shalt  }
0x74: {  	_ =	shalt  }
0x75: {  	_ =	shalt  }
0x76: {  	_ =	shalt  }
0x77: {  	_ =	shalt  }
0x78: {  	_ =	shalt  }
0x79: {  	_ =	shalt  }
0x7a: {  	_ =	shalt  }
0x7b: {  	_ =	shalt  }
0x7c: {  	_ =	shalt  }
0x7d: {  	_ =	shalt  }
0x7e: {  	_ =	shalt  }
0x7f: {  	_ =	shalt  }
0x80: {  	_ =	shalt  }
0x81: {  	_ =	shalt  }
0x82: {  	_ =	shalt  }
0x83: {  	_ =	shalt  }
0x84: {  	_ =	shalt  }
0x85: {  	_ =	shalt  }
0x86: {  	_ =	shalt  }
0x87: {  	_ =	shalt  }
.Lfunc_end0:
.L_simem_size_0:
called_computation_lowered:
.L_overlay_start_0:
0x88: {  	s2 =	sld [smem:$0x3FD9]  }
0x89: {  	s3 =	sld [smem:$0x3FFE];
	_ =	sdelay $0x1  }
0x8a: {  	s1 =	srdreg.scid  }
0x8b: {  	s0 =	sand.u32 $0x1, s1  }
0x8c: {  	s17 =	sshll.u32 s0, $0xA;
	s2 =	sadd.s32 s3, s2  }
0x8d: {  	s2 =	sadd.s32 s2, s17  }
0x8e: {  	[smem:$0x3FC0] =	sst s2  }
0x8f: {  	_ = 	snop  }
0x90: {  	s2 =	sld [smem:$0x3FC8]  }
0x91: {  	s18 =	sld [smem:$0x3FC7]  }
0x92: {  	s4 =	sld [smem:$0x3FC6];
	(tm) =	ssettm $0x1  }
0x93: {  	s5 =	sld [smem:$0x3FFB];
	_ =	sdelay $0x3  }
0x94: {  	_ =	strace s5  }
0x95: {  	s5 =	sld [smem:$0x3FFC];
	_ =	sdelay $0x3  }
0x96: {  	_ =	strace s5  }
0x97: {  	s5 =	sld [smem:$0x3FFD];
	_ =	sdelay $0x3  }
0x98: {  	_ =	strace s5  }
0x99: {  	_ =	strace $0x8FFFFFFF  }
0x9a: {  	s19 =	sld [smem:$0x3FDB];
	_ =	sdelay $0x1  }
0x9b: {  	s6 =	simm.s32 $_scs_section_size  }
0x9c: {  	s7 =	simm.s32 $_size__tile_overlayer_lowered;
	s8 =	simm.s32 $_tile_overlayer_lowered  }
0x9d: {  	s22 =	simm.s32 $0x1BFF;
	s21 =	sshll.u32 s8, $0x1;
	s5 =	sadd.s32 s6, s19  }
0x9e: {  	s9 =	simm.s32 $0x0;
	s20 =	sshll.u32 s7, $0x1;
	s7 =	sadd.s32 s21, s5  }
0x9f: {  	[timem:s9], [sflag:s22] =	dma.local [hbm:s7], s20  }
0xa0: {  	_ =	swait.ge [sflag:s22], s20  }
0xa1: {  	s6 =	ssub.s32 $0x0, s20;
	[sflag:s22] =	ssyncset.done $0x0  }
0xa2: {  	[sflag:s22] =	ssyncadd.s32 s6;
	_ =	sdelay $0x1  }
0xa3: {  	s23 =	simm.s32 $0x1B8B  }
0xa4: {  	_ =	swait.ge [sflag:s23], $0x1  }
0xa5: {  	[sflag:s23] =	ssyncset.done $0x0  }
0xa6: {  	s25 =	simm.s32 $0x1B8E;
	s24 =	sld [smem:$0x3FFE];
	[sflag:s23] =	ssyncadd.s32 $0xFFFFFFFF  }
0xa7: {  	s26 =	simm.s32 $execute0_lowered;
	[smem:$0x3FD2] =	sst s25  }
0xa8: {  	s7 =	sshll.u32 s26, $0x1;
	_ =	strace $0x80000046;
	[dreg:$0x1] =	wrdreg $0xFFFFFFFF  }
0xa9: {  	s28 =	simm.s32 $_size_execute0_lowered;
	s5 =	sadd.s32 s5, s7;
	[dreg:$0x0] =	wrdreg $0x0  }
0xaa: {  	s7 =	sshll.u32 s28, $0x1;
	[dreg:$0x2] =	wrdreg s5  }
0xab: {  	[dreg:$0x3] =	wrdreg s7  }
0xac: {  	[dreg:$0x4] =	wrdreg $0xC0  }
0xad: {  	_ =	task [dreg:s9], $0x5FFFF  }
0xae: {  	[dreg:$0x1] =	wrdreg $0xFFFFFFFF  }
0xaf: {  	[dreg:$0x0] =	wrdreg $0x60  }
0xb0: {  	[dreg:$0x2] =	wrdreg s24  }
0xb1: {  	[dreg:$0x3] =	wrdreg s18  }
0xb2: {  	[dreg:$0x4] =	wrdreg s4  }
0xb3: {  	[dreg:$0x5] =	wrdreg s2  }
0xb4: {  	[dreg:$0x6] =	wrdreg $0x163800  }
0xb5: {  	[dreg:$0x7] =	wrdreg $0x9  }
0xb6: {  	_ =	task.clear_ibuf [dreg:s9], $0x8FFFF;
	_ =	strace $0x90000046  }
0xb7: {  	s29 =	simm.s32 $0x9;
	_ =	strace $0x80000048  }
0xb8: {  	_ =	swait.ge [sflag:s29], $0x1  }
0xb9: {  	[sflag:s29] =	ssyncadd.s32 $0xFFFFFFFF  }
0xba: {  	_ =	strace $0x90000048  }
0xbb: {  	_ =	sfence  }
0xbc: {  	s30 =	sld [smem:$0x0];
	_ =	sdelay $0x2  }
0xbd: {  	s31 =	sshll.u32 s1, $0xD;
	s1 =	sshrl.u32 s1, $0x2  }
0xbe: {  	s3 =	sand.u32 $0x4000, s31;
	s1 =	sadd.s32 s1, s30  }
0xbf: {  	s0 =	sor.u32 s3, s0;
	s1 =	sshll.u32 s1, $0x11  }
0xc0: {  	s0 =	sor.u32 s1, s0  }
0xc1: {  	s0 =	sadd.s32 $0x8F2B, s0  }
0xc2: {  	[sflag:s0] =	ssyncadd.remote.s32 $0x1  }
0xc3: {  	_ =	sfence.sel $0xFFFF  }
0xc4: {  	[dreg:$0x0] =	wrdreg $0xFFFFFFFF;
	(pc) =	sbr.abs _section_cstart, $3  }
0xc5: {  	[dreg:$0x1] =	wrdreg $0xFFFFFFFF  }
0xc6: {  	_ =	task.clear_ibuf [dreg:s9], $0x2FFFF;
	_ =	strace $0x9FFFFFFF  }
0xc7: {  	(tm) =	ssettm $0x7FFFFFFF  }
tec
execute0_lowered:
.L_overlay_start_1:
0x0: {  	(tag) =	ssettag $0x1  }
0x1: {  	s0 =	rddreg [dreg:$0x0]  }
0x2: {  	s18 =	rddreg [dreg:$0x1]  }
0x3: {  	s9 =	rddreg [dreg:$0x2]  }
0x4: {  	s10 =	rddreg [dreg:$0x3]  }
0x5: {  	s11 =	rddreg [dreg:$0x4];
	s5 =	simm.s32 $0x0;
	s15 =	srdreg.scid  }
0x6: {  	s16 =	stileid.u32;
	s28 =	simm.s32 $0x15A80;
	s29 =	simm.s32 $0x16280  }
0x7: {  	v0 =	vimm.s32 $0xA25A;
	vm0 =	vcmask $0x300;
	s30 =	simm.s32 $0x0;
	[smem:$0x7FF] =	sst s5;
	s1 =	sadd.s32 $0x2200, s0  }
0x8: {  	vm5 =	vcmask $0x704;
	vm6 =	vcmask $0xB08;
	v0 =	vsel vm0, $0xA255, v0;
	s2 =	sadd.s32 $0x2800, s0;
	_ =	strace $0x80000047;
	[dreg:$0x6] =	wrdreg s1  }
0x9: {  	vm7 =	vcmask $0xF0C;
	vm8 =	vcmask $0x1310;
	s4 =	sshll.u32 s16, $0xC;
	s7 =	sadd.s32 $0x2E00, s0;
	[dreg:$0x7] =	wrdreg s2;
	v0 =	vsel vm5, $0xA254, v0  }
0xa: {  	vm9 =	vcmask $0x1714;
	vm10 =	vcmask $0x1B18;
	s6 =	sadd.s32 $0xFFFFFFFF, s16;
	s21 =	sadd.s32 $0x1448, s18;
	[dreg:$0x8] =	wrdreg s7;
	v0 =	vsel vm6, $0xA257, v0  }
0xb: {  	vm11 =	vcmask $0x1F1C;
	vm4 =	vcmask $0x2320;
	s17 =	sshll.u32 s16, $0x7;
	s22 =	sadd.s32 $0x1448, s9;
	[dreg:$0x9] =	wrdreg s21;
	v0 =	vsel vm7, $0xA256, v0  }
0xc: {  	vm13 =	vmxor vm13, vm13;
	v60 =	vlaneseq.u32;
	s23 =	sadd.s32 $0x1448, s10;
	s9 =	simm.s32 $0x16300;
	[dreg:$0xa] =	wrdreg s22;
	v1 =	vsel vm8, $0xA251, v0  }
0xd: {  	v4 =	vmov s16;
	v7 =	vmul.u32 $0x80, v60;
	s1 =	sand.u32 $0x1, s15;
	[dreg:$0xb] =	wrdreg s23;
	s21 =	simm.s32 $0xF180;
	v2 =	vsel vm9, $0xA250, v1  }
0xe: {  	v6 =	vmov s6;
	vm5 =	vcmask $0x2724;
	s3 =	sshll.u32 s1, $0xB;
	s19 =	sshll.u32 s1, $0x4;
	s8 =	ssub.s32 $0x2, s1;
	v3 =	vsel vm10, $0xA253, v2  }
0xf: {  	vm1 =	veq.s32 v4, v60;
	p0 =	seq.s32 s1, $0x0;
	vm6 =	vcmask $0x2B28;
	s4 =	sor.u32 s3, s4;
	s3 =	sor.u32 s17, s3;
	v3 =	vsel vm11, $0xA252, v3  }
0x10: {  	v44 =	vadd.s32 $0x80, v7;
	s6 =	sadd.s32 $0x10, s19;
	vm13 =	vmneg @p0 vm13;
	s4 =	sshrl.u32 s4, $0x3;
	s3 =	sshrl.u32 s3, $0x3;
	v3 =	vsel vm4, $0xA25D, v3  }
0x11: {  	s20 =	sshrl.u32 s8, $0x1;
	vm7 =	vcmask $0x2F2C;
	s4 =	sadd.s32 s4, s0;
	s0 =	sadd.s32 s3, s0;
	v5 =	vsel vm5, $0xA25C, v3;
	v3 =	vimm.s32 $0x0  }
0x12: {  	p0 =	sne.s32 s16, $0x0;
	v0 =	vmov s19;
	s19 =	simm.s32 $0xA280;
	vm8 =	vcmask $0x3330;
	s0 =	sadd.s32 $0x9400, s0;
	v3 =	vsel vm1, $0xFFFFFFFF, v3  }
.Ltmp0:
0x13: {  	s24 =	sadd.s32 $0x3400, s4;
	[dreg:$0xc] =	wrdreg s0;
	vm11 =	veq.s32 v6, v60;
	v5 =	vsel vm6, $0xA25F, v5;
	[tilespmem:$0x1FFC0] =	vst v3;
	v3 =	vimm.s32 $0x0;
	(pc) =	sbr.rel .LBB2_1-.Ltmp0, $4  }
0x14: {  	s3 =	ssub.s32 s8, s20;
	vm9 =	vcmask $0x3734;
	s25 =	sadd.s32 $0x5400, s4;
	[dreg:$0xd] =	wrdreg s24;
	v5 =	vsel vm7, $0xA25E, v5;
	v3 =	vsel vm11, $0xFFFFFFFF, v3  }
0x15: {  	s20 =	simm.s32 $0xCA00;
	v2 =	vmov s17;
	s26 =	sadd.s32 $0x7400, s4;
	[dreg:$0xe] =	wrdreg s25;
	v5 =	vsel vm8, $0xA259, v5;
	[tilespmem:$0x1FFD0] =	vst v3;
	v3 =	vimm.s32 $0x0  }
0x16: {  	[tilespmem:$0x1FFE0] =	vst v44;
	s31 =	smax.u32 s3, $0x1;
	s17 =	simm.s32 $0x1;
	vm10 =	vcmask $0x3B38;
	[dreg:$0xf] =	wrdreg s26;
	v8 =	vsel vm9, $0xA258, v5;
	v3 =	vsel vm13, $0xFFFFFFFF, v3  }
0x17: {  	v43 =	vimm.s32 $0x0;
	v1 =	vmov s6;
	[dreg:$0x10] =	wrdreg s31;
	s25 =	simm.s32 $0x14A80;
	s26 =	simm.s32 $0x15280;
	v6 =	vsel vm10, $0xA25B, v8;
	[tilespmem:$0x1FFF0] =	vst v3  }
.LBB2_11:
0x18: {  	s0 =	rddreg [dreg:$0xc]  }
0x19: {  	[hbm4b:s0+s5] =	stream.linear.scatter [tilespmem:s29], [sflag:$0x1], $0x80, $0x38;
	[tilespmem:$0x16388] =	vst v63  }
0x1a: {  	_ =	swait.ge [sflag:s17], $0x80  }
0x1b: {  	[sflag:s17] =	ssyncset.done $0x0  }
0x1c: {  	s22 =	rddreg [dreg:$0xd];
	[sflag:s17] =	ssyncadd.s32 $0xFFFFFF80  }
0x1d: {  	[hbm4b:s22+s5] =	stream.linear.scatter [tilespmem:s25], [sflag:$0x1], $0x800, $0x38;
	[tilespmem:$0x16388] =	vst v63  }
0x1e: {  	_ =	swait.ge [sflag:s17], $0x800  }
0x1f: {  	[sflag:s17] =	ssyncset.done $0x0  }
0x20: {  	s23 =	rddreg [dreg:$0xe];
	[sflag:s17] =	ssyncadd.s32 $0xFFFFF800  }
0x21: {  	[hbm4b:s23+s5] =	stream.linear.scatter [tilespmem:s26], [sflag:$0x1], $0x800, $0x38;
	[tilespmem:$0x16388] =	vst v63  }
0x22: {  	_ =	swait.ge [sflag:s17], $0x800  }
0x23: {  	[sflag:s17] =	ssyncset.done $0x0  }
0x24: {  	s24 =	rddreg [dreg:$0xf];
	[sflag:s17] =	ssyncadd.s32 $0xFFFFF800  }
0x25: {  	[hbm4b:s24+s5] =	stream.linear.scatter [tilespmem:s28], [sflag:$0x1], $0x800, $0x38;
	[tilespmem:$0x16388] =	vst v63  }
0x26: {  	_ =	swait.ge [sflag:s17], $0x800  }
0x27: {  	s30 =	sadd.s32 $0x1, s30;
	s31 =	rddreg [dreg:$0x10]  }
0x28: {  	p1 =	sne.s32 s30, s31  }
.Ltmp1:
0x29: {  	_ = 	snop;
	(pc) =	sbr.rel @!p1 .LBB2_12-.Ltmp1, $3  }
0x2a: {  	_ =	sdelay $0x1  }
0x2b: {  	[sflag:s17] =	ssyncset.done $0x0  }
0x2c: {  	[sflag:s17] =	ssyncadd.s32 $0xFFFFF800  }
.LBB2_1:
.Ltmp2:
0x2d: {  	(pc) =	sbr.rel @p0 .LBB2_5-.Ltmp2, $1  }
0x2e: {  	_ =	sdelay $0x3  }
0x2f: {  	[tilespmem:s5], [sflag:$0x1] =	stream.linear.gather [hbm4b:s18+s5], $0xA256, $0x38;
	[tilespmem:$0x16388] =	vst v63  }
0x30: {  	_ =	swait.ge [sflag:s17], $0xA256  }
0x31: {  	v7 =	vimm.s32 $0x0;
	v8 =	vimm.s32 $0xA256;
	[sflag:s17] =	ssyncset.done $0x0  }
0x32: {  	s0 =	simm.s32 $0xF;
	v9 =	vadd.s32 v7, v8;
	[sflag:s17] =	ssyncadd.s32 $0xFFFF5DAA  }
.LBB2_3:
0x33: {  	p1 =	sne.s32 s0, $0x1;
	v10 =	vand.u32 $0x1, v9  }
0x34: {  	v11 =	vshrl.u32 v9, $0x1F;
	vm0 =	vlt.s32 v9, $0x1;
	vm1 =	veq.s32 v10, $0x1  }
0x35: {  	v9 =	vadd.s32 v11, v9;
	vm0 =	vmand vm0, vm1  }
0x36: {  	v9 =	vshra.s32 v9, $0x1;
	v10 =	vsel vm0, $0xFFFFFFFF, v43  }
0x37: {  	v9 =	vadd.s32 v10, v9  }
0x38: {  	v10 =	vadd.s32 $0x1, v9;
	_ =	sdelay $0x3  }
0x39: {  	v11 =	vld.idx.msk [tilespmem:v9+s5+$0x0], $0xffff;
	_ =	sdelay $0x4  }
.Ltmp3:
0x3a: {  	(pc) =	sbr.rel @p1 .LBB2_3-.Ltmp3, $4  }
0x3b: {  	vm0 =	vlt.s32 v7, v8;
	vm1 =	vge.s32 v11, v44;
	vm2 =	vlt.s32 v11, v44  }
0x3c: {  	vm2 =	vmand vm0, vm2;
	vm0 =	vmand vm0, vm1  }
0x3d: {  	v7 =	vsel vm2, v10, v7;
	v8 =	vsel vm0, v9, v8  }
0x3e: {  	s0 =	sadd.s32 $0xFFFFFFFF, s0;
	v9 =	vadd.s32 v7, v8  }
0x3f: {  	v10 =	vand.u32 $0x1, v9  }
0x40: {  	v11 =	vshrl.u32 v9, $0x1F;
	vm0 =	vlt.s32 v9, $0x1;
	vm1 =	veq.s32 v10, $0x1  }
0x41: {  	v62 =	vadd.s32 v11, v9;
	vm0 =	vmand vm0, vm1  }
0x42: {  	v9 =	vshra.s32 v62, $0x1;
	v63 =	vsel vm0, $0xFFFFFFFF, v43  }
0x43: {  	v9 =	vadd.s32 v63, v9;
	_ =	sdelay $0x4  }
0x44: {  	v10 =	vld.idx.msk [tilespmem:v9+s5+$0x0], $0xffff;
	_ =	sdelay $0x4  }
0x45: {  	vm10 =	vlt.s32 v7, v8;
	vm11 =	vlt.s32 v10, v44  }
0x46: {  	v8 =	vadd.s32 $0x1, v9;
	vm0 =	vmand vm10, vm11  }
0x47: {  	v7 =	vsel vm0, v8, v7  }
0x48: {  	[tilespmem:$0x16300] =	vst v7  }
0x49: {  	[spmem:s11] =	stream.linear.scatter [tilespmem:s9], [sflag:$0x1], $0x80, $0x38;
	[tilespmem:$0x16388] =	vst v63  }
0x4a: {  	_ =	swait.ge [sflag:s17], $0x80  }
0x4b: {  	[sflag:s17] =	ssyncset.done $0x0  }
0x4c: {  	[sflag:s17] =	ssyncadd.s32 $0xFFFFFF80  }
.LBB2_5:
0x4d: {  	s0 =	rddreg [dreg:$0x6]  }
0x4e: {  	[tilespmem:s19], [sflag:$0x1] =	stream.linear.gather [hbm4b:s0+s5], $0x2780, $0x38;
	[tilespmem:$0x16388] =	vst v63  }
0x4f: {  	_ =	swait.ge [sflag:s17], $0x2780  }
0x50: {  	[sflag:s17] =	ssyncset.done $0x0  }
0x51: {  	s4 =	rddreg [dreg:$0x7];
	[sflag:s17] =	ssyncadd.s32 $0xFFFFD880  }
0x52: {  	[tilespmem:s20], [sflag:$0x1] =	stream.linear.gather [hbm4b:s4+s5], $0x2780, $0x38;
	[tilespmem:$0x16388] =	vst v63  }
0x53: {  	_ =	swait.ge [sflag:s17], $0x2780  }
0x54: {  	[sflag:s17] =	ssyncset.done $0x0  }
0x55: {  	s6 =	rddreg [dreg:$0x8];
	[sflag:s17] =	ssyncadd.s32 $0xFFFFD880  }
0x56: {  	[tilespmem:s21], [sflag:$0x1] =	stream.linear.gather [hbm4b:s6+s5], $0x2780, $0x38;
	[tilespmem:$0x16388] =	vst v63  }
0x57: {  	_ =	swait.ge [sflag:s17], $0x2780  }
0x58: {  	[sflag:s17] =	ssyncset.done $0x0  }
0x59: {  	[sflag:s17] =	ssyncadd.s32 $0xFFFFD880  }
0x5a: {  	[bflag:$0x0] =	sbarrier.arrive $0xFFFF  }
0x5b: {  	[tilespmem:s9], [sflag:$0x1] =	stream.linear.gather [spmem:s11], $0x80, $0x38;
	[tilespmem:$0x16388] =	vst v63  }
0x5c: {  	_ =	swait.ge [sflag:s17], $0x80  }
0x5d: {  	[sflag:s17] =	ssyncset.done $0x0  }
0x5e: {  	v3 =	vld [tilespmem:$0x1FFD0];
	[sflag:s17] =	ssyncadd.s32 $0xFFFFFF80  }
0x5f: {  	v7 =	vld [tilespmem:$0x16300];
	_ =	sdelay $0x4  }
0x60: {  	vm0 =	vnez.u8 v3;
	v7 =	vxor.u32 $0x80000000, v7  }
0x61: {  	v8 =	vnsel vm0, $0x80000000, v7  }
0x62: {  	(xrf0) =	vmax.scan.msk.u32 $0xffff, v8;
	_ =	sdelay $0x4  }
0x63: {  	v3 =	vld [tilespmem:$0x1FFC0]  }
0x64: {  	v8, _, _ =	vpop (xrf0)  }
0x65: {  	(v2sf) =	vpush v8, $0xF;
	_ =	sdelay $0x2  }
0x66: {  	vm11 =	vnez.u8 v3  }
0x67: {  	v7 =	vnsel vm11, $0x80000000, v7  }
0x68: {  	(xrf0) =	vmax.scan.msk.u32 $0xffff, v7;
	_ =	sdelay $0x5  }
0x69: {  	v7, _, _ =	vpop (xrf0)  }
0x6a: {  	(v2sf) =	vpush v7, $0xF;
	_ =	sdelay $0x2  }
0x6b: {  	s7 =	spop (v2sf)  }
0x6c: {  	s1 =	sxor.u32 $0x80000000, s7  }
0x6d: {  	p2 =	sgt.s32 s7, $0xFFFFFFFF;
	s0 =	sand.u32 $0xF, s7;
	p1 =	slt.s32 s1, $0x1  }
0x6e: {  	s2 =	sshra.s32 s1, $0x1F;
	p4 =	sne.s32 s0, $0x0;
	p1 =	por p2, p1  }
0x6f: {  	s8 =	sshrl.u32 s2, $0x1C;
	p1 =	por !p4, !p1  }
0x70: {  	s2 =	simm.s32 $0x1;
	s0 =	sadd.s32 s8, s1;
	p1 =	por !p1, !p1  }
0x71: {  	s0 =	sshra.s32 s0, $0x4;
	s2 =	simm.s32 @!p1 $0x0  }
0x72: {  	s4 =	ssub.s32 s0, s2  }
0x73: {  	s0 =	sshll.u32 s4, $0x4  }
0x74: {  	p1 =	slt.s32 s0, $0x9230;
	s31 =	smov.u32 s0  }
0x75: {  	s31 =	simm.s32 @!p1 $0x9230  }
0x76: {  	s10 =	sshrl.u32 s31, $0x3  }
0x77: {  	s7 =	simm.s32 $0x11900;
	s3 =	spop (v2sf);
	s6 =	sadd.s32 s18, s10  }
0x78: {  	[tilespmem:s7], [sflag:$0x1] =	stream.linear.gather [hbm4b:s6+s5], $0x1020, $0x38;
	[tilespmem:$0x16388] =	vst v63  }
0x79: {  	_ =	swait.ge [sflag:s17], $0x1020  }
0x7a: {  	[sflag:s17] =	ssyncset.done $0x0  }
0x7b: {  	[sflag:s17] =	ssyncadd.s32 $0xFFFFEFE0  }
0x7c: {  	s12 =	rddreg [dreg:$0x2]  }
0x7d: {  	s13 =	simm.s32 $0x13A00;
	s6 =	sadd.s32 s12, s10  }
0x7e: {  	[tilespmem:s13], [sflag:$0x1] =	stream.linear.gather [hbm4b:s6+s5], $0x1020, $0x38;
	[tilespmem:$0x16388] =	vst v63  }
0x7f: {  	_ =	swait.ge [sflag:s17], $0x1020  }
0x80: {  	[sflag:s17] =	ssyncset.done $0x0  }
0x81: {  	[sflag:s17] =	ssyncadd.s32 $0xFFFFEFE0  }
0x82: {  	s14 =	rddreg [dreg:$0x3]  }
0x83: {  	s15 =	simm.s32 $0x12980;
	s2 =	sadd.s32 s14, s10  }
0x84: {  	[tilespmem:s15], [sflag:$0x1] =	stream.linear.gather [hbm4b:s2+s5], $0x1020, $0x38;
	[tilespmem:$0x16388] =	vst v63  }
0x85: {  	_ =	swait.ge [sflag:s17], $0x1020  }
0x86: {  	s6 =	simm.s32 @!p1 $0x12910;
	[sflag:s17] =	ssyncset.done $0x0  }
0x87: {  	s2 =	simm.s32 @!p1 $0x0;
	s7 =	rddreg [dreg:$0x9];
	[sflag:s17] =	ssyncadd.s32 $0xFFFFEFE0  }
0x88: {  	[tilespmem:s6], [sflag:$0x1] =	stream.linear.gather @!p1 [hbm4b:s7+s2], $0x16, $0x38;
	[tilespmem:$0x16388] =	vst v63  }
0x89: {  	s6 =	simm.s32 @!p1 $0x1  }
0x8a: {  	_ =	swait.ge @!p1 [sflag:s6], $0x16  }
0x8b: {  	[sflag:s6] =	ssyncset.done @!p1 $0x0  }
0x8c: {  	s7 =	simm.s32 @!p1 $0x14A10;
	s8 =	rddreg [dreg:$0xa];
	[sflag:s6] =	ssyncadd.s32 @!p1 $0xFFFFFFEA  }
0x8d: {  	[tilespmem:s7], [sflag:$0x1] =	stream.linear.gather @!p1 [hbm4b:s8+s2], $0x16, $0x38;
	[tilespmem:$0x16388] =	vst v63  }
0x8e: {  	s16 =	sxor.u32 $0x80000000, s3;
	_ =	swait.ge @!p1 [sflag:s6], $0x16  }
0x8f: {  	s22 =	ssub.s32 s16, s0;
	[sflag:s6] =	ssyncset.done @!p1 $0x0  }
0x90: {  	s3 =	simm.s32 @!p1 $0x13990;
	s8 =	rddreg [dreg:$0xb];
	[sflag:s6] =	ssyncadd.s32 @!p1 $0xFFFFFFEA  }
0x91: {  	[tilespmem:s3], [sflag:$0x1] =	stream.linear.gather @!p1 [hbm4b:s8+s2], $0x16, $0x38;
	[tilespmem:$0x16388] =	vst v63  }
0x92: {  	s2 =	sadd.s32 $0xF, s22  }
0x93: {  	_ =	swait.ge @!p1 [sflag:s6], $0x16;
	s23 =	sand.u32 $0xF, s2;
	s24 =	sshra.s32 s2, $0x1F  }
0x94: {  	p3 =	slt.s32 s2, $0x1;
	[sflag:s6] =	ssyncset.done @!p1 $0x0;
	p5 =	sne.s32 s23, $0x0  }
0x95: {  	s3 =	sshrl.u32 s24, $0x1C;
	[sflag:s6] =	ssyncadd.s32 @!p1 $0xFFFFFFEA;
	p6 =	por !p3, !p5  }
0x96: {  	s2 =	sadd.s32 s3, s2;
	s3 =	simm.s32 $0x1;
	p1 =	por !p6, !p6  }
0x97: {  	s2 =	sshra.s32 s2, $0x4;
	s3 =	simm.s32 @!p1 $0x0  }
0x98: {  	s2 =	ssub.s32 s2, s3  }
0x99: {  	s3 =	sshrl.u32 s2, $0x1D  }
0x9a: {  	[tilespmem:$0x16280] =	vst v43;
	s3 =	sadd.s32 s3, s2  }
0x9b: {  	[tilespmem:$0x16290] =	vst v43;
	s3 =	sand.u32 $0xFFFFFFF8, s3  }
0x9c: {  	[tilespmem:$0x162A0] =	vst v43;
	p1 =	slt.s32 s3, $0x1  }
.Ltmp4:
0x9d: {  	[tilespmem:$0x162B0] =	vst v43;
	(pc) =	sbr.rel @p1 .LBB2_8-.Ltmp4, $4  }
0x9e: {  	[tilespmem:$0x162C0] =	vst v43  }
0x9f: {  	[tilespmem:$0x162D0] =	vst v43  }
0xa0: {  	[tilespmem:$0x162E0] =	vst v43  }
0xa1: {  	v7 =	vmov s1;
	v8 =	vmov s16;
	[tilespmem:$0x162F0] =	vst v43  }
0xa2: {  	s1 =	ssub.s32 s0, s31;
	s22 =	sshll.u32 s4, $0x6;
	s24 =	sshll.u32 s31, $0x2  }
0xa3: {  	s23 =	sand.u32 $0x70, s1;
	s1 =	ssub.s32 s22, s24  }
0xa4: {  	s7 =	sshra.s32 s1, $0x2  }
0xa5: {  	s4 =	sadd.s32 $0x13A40, s7;
	s1 =	sadd.s32 $0x129C0, s7;
	s7 =	sadd.s32 $0x11940, s7  }
0xa6: {  	v9 =	vld [tilespmem:s7+$0xFFFFFFD0]  }
0xa7: {  	v10 =	vld [tilespmem:s7+$0xFFFFFFD1]  }
0xa8: {  	v11 =	vld [tilespmem:s7+$0xFFFFFFE0]  }
0xa9: {  	v12 =	vld [tilespmem:s7+$0xFFFFFFE1]  }
0xaa: {  	v13 =	vld [tilespmem:s7+$0xFFFFFFF0]  }
0xab: {  	v17 =	vld [tilespmem:s7+$0xFFFFFFF1]  }
0xac: {  	v18 =	vld [tilespmem:s7+$0x0]  }
0xad: {  	v21 =	vld [tilespmem:s7+$0x10]  }
0xae: {  	v23 =	vld [tilespmem:s7+$0x11]  }
0xaf: {  	v24 =	vld [tilespmem:s7+$0x20]  }
0xb0: {  	s6 =	sadd.s32 $0x70, s0;
	v27 =	vld [tilespmem:s4+$0xFFFFFFD0]  }
0xb1: {  	s24 =	ssub.s32 $0x0, s31;
	s14 =	sadd.s32 $0xFFFFFF90, s6;
	s12 =	sadd.s32 $0xFFFFFFC0, s6;
	v25 =	vld [tilespmem:s4+$0xFFFFFFE0]  }
0xb2: {  	v3 =	vimm.s32 $0x0;
	s11 =	sadd.s32 $0xFFFFFFD0, s6;
	s10 =	sadd.s32 $0xFFFFFFF0, s6;
	s9 =	sadd.s32 s24, s14;
	v36 =	vld [tilespmem:s4+$0xFFFFFFF0]  }
0xb3: {  	v38 =	vor.u32 s6, v60;
	s8 =	sor.u32 $0x11900, s23;
	v41 =	vor.u32 s12, v60;
	v40 =	vor.u32 s11, v60;
	s15 =	sand.u32 $0xFFFFFF80, s9;
	s9 =	sadd.s32 $0xFFFFFFE0, s6;
	v29 =	vld [tilespmem:s7+$0x30]  }
0xb4: {  	v39 =	vor.u32 s10, v60;
	v5 =	vmov s8;
	v20 =	vld [tilespmem:s4+$0x20];
	v42 =	vor.u32 s9, v60  }
0xb5: {  	v31 =	vld [tilespmem:s7+$0x31];
	v16 =	vsub.s32 v9, v2;
	v30 =	vsub.s32 v27, v0;
	vm12 =	vne.s32 v9, v10  }
0xb6: {  	v19 =	vld [tilespmem:s7+$0x1];
	v15 =	vsub.s32 v11, v2;
	v32 =	vsub.s32 v25, v0;
	vm0 =	vne.s32 v11, v12  }
0xb7: {  	v26 =	vld [tilespmem:s7+$0x21];
	v12 =	vsub.s32 v13, v2;
	v33 =	vsub.s32 v36, v0;
	v62 =	vsub.s32 v18, v2  }
0xb8: {  	v34 =	vld [tilespmem:s4+$0x0];
	vm14 =	vne.s32 v21, v23;
	v11 =	vsub.s32 v24, v2;
	v3 =	vsel vm0, $0xFFFFFFFF, v3  }
0xb9: {  	v28 =	vld [tilespmem:s4+$0x10];
	v35 =	vsub.s32 v20, v0;
	vm0 =	vne.s32 v13, v17;
	[tilespmem:$0x1FF00] =	vst v3;
	v3 =	vimm.s32 $0x0  }
0xba: {  	v61 =	vsub.s32 v29, v2;
	vm11 =	vne.s32 v29, v31;
	v3 =	vsel vm0, $0xFFFFFFFF, v3  }
0xbb: {  	vm1 =	vlt.s32 v27, v1;
	v22 =	vld [tilespmem:s4+$0x30];
	vm0 =	vne.s32 v18, v19;
	[tilespmem:$0x1FF10] =	vst v3;
	v3 =	vimm.s32 $0x0  }
0xbc: {  	vm2 =	vge.s32 v25, v0;
	vm3 =	vlt.s32 v25, v1;
	v3 =	vsel vm0, $0xFFFFFFFF, v3  }
0xbd: {  	vm4 =	vge.s32 v36, v0;
	vm0 =	vne.s32 v24, v26;
	[tilespmem:$0x1FF20] =	vst v3;
	v3 =	vimm.s32 $0x0  }
0xbe: {  	vm5 =	vlt.s32 v36, v1;
	v3 =	vsel vm0, $0xFFFFFFFF, v3;
	vm0 =	vge.s32 v27, v0  }
0xbf: {  	vm6 =	vge.s32 v34, v0;
	[tilespmem:$0x1FF30] =	vst v3;
	vm0 =	vmand vm0, vm1;
	v3 =	vimm.s32 $0x0  }
0xc0: {  	vm7 =	vlt.s32 v34, v1;
	vm8 =	vge.s32 v28, v0;
	v3 =	vsel vm0, $0xFFFFFFFF, v3  }
0xc1: {  	v17 =	vsub.s32 v34, v0;
	vm1 =	vmand vm2, vm3;
	[tilespmem:$0x1FF40] =	vst v3;
	v3 =	vimm.s32 $0x0  }
0xc2: {  	v13 =	vsub.s32 v21, v2;
	v30 =	vshll.u32 v30, $0x7;
	v3 =	vsel vm1, $0xFFFFFFFF, v3  }
0xc3: {  	vm15 =	vmand vm6, vm7;
	vm1 =	vmand vm4, vm5;
	[tilespmem:$0x1FF50] =	vst v3;
	v3 =	vimm.s32 $0x0  }
0xc4: {  	vm2 =	vge.s32 v20, v0;
	vm0 =	vlt.s32 v28, v1;
	v3 =	vsel vm1, $0xFFFFFFFF, v3  }
0xc5: {  	vm3 =	vlt.s32 v20, v1;
	vm8 =	vmand vm8, vm0;
	[tilespmem:$0x1FF60] =	vst v3;
	v3 =	vimm.s32 $0x0  }
0xc6: {  	s16 =	sor.u32 s23, s15;
	vm0 =	vlt.s32 v22, v1;
	vm4 =	vge.s32 v22, v0;
	v3 =	vsel vm14, $0xFFFFFFFF, v3  }
0xc7: {  	vm9 =	vmand vm2, vm3;
	vm3 =	vmand vm4, vm0;
	v37 =	vld [tilespmem:s16+$0x13A00];
	[tilespmem:$0x1FF70] =	vst v3;
	v3 =	vimm.s32 $0x0  }
0xc8: {  	v29 =	vshll.u32 v32, $0x7;
	v23 =	vshll.u32 v33, $0x7;
	v3 =	vsel vm3, $0xFFFFFFFF, v3  }
0xc9: {  	v21 =	vshll.u32 v17, $0x7;
	v18 =	vsub.s32 v28, v0;
	[tilespmem:$0x1FF80] =	vst v3;
	v3 =	vimm.s32 $0x0  }
0xca: {  	p2 =	sgt.s32 s3, $0x8;
	s8 =	sadd.s32 $0xFFFFFFB0, s6;
	v19 =	vshll.u32 v18, $0x7;
	v18 =	vshll.u32 v35, $0x7;
	v3 =	vsel vm9, $0xFFFFFFFF, v3  }
.Ltmp5:
0xcb: {  	v35 =	vmov s6;
	v26 =	vor.u32 s8, v60;
	[tilespmem:$0x1FF90] =	vst v3;
	v3 =	vimm.s32 $0x0;
	(pc) =	sbr.rel @!p2 .LBB2_7-.Ltmp5, $4  }
0xcc: {  	vm6 =	vge.s32 v26, v7;
	v24 =	vsub.s32 v22, v0;
	v3 =	vsel vm8, $0xFFFFFFFF, v3  }
0xcd: {  	s13 =	sadd.s32 $0xFFFFFFA0, s6;
	vm7 =	vlt.s32 v26, v8;
	v17 =	vshll.u32 v24, $0x7;
	[tilespmem:$0x1FFA0] =	vst v3;
	v3 =	vimm.s32 $0x0  }
0xce: {  	v24 =	vor.u32 s13, v60;
	vm2 =	vge.s32 v38, v7;
	v3 =	vsel vm15, $0xFFFFFFFF, v3  }
0xcf: {  	p1 =	por $0x0, $0x0;
	s7 =	sadd.s32 $0x80, s7;
	vm10 =	vge.s32 v24, v7;
	vm5 =	vlt.s32 v24, v8;
	vm1 =	vge.s32 v41, v7;
	[tilespmem:$0x1FFB0] =	vst v3  }
0xd0: {  	v24 =	vor.u32 s14, v60;
	vm5 =	vmand vm10, vm5;
	vm14 =	vmand vm6, vm7  }
0xd1: {  	vm7 =	vge.s32 v37, v0;
	vm3 =	vlt.s32 v37, v1;
	vm15 =	vmmov vm11  }
0xd2: {  	vm4 =	vge.s32 v40, v7;
	vm0 =	vge.s32 v24, v7;
	vm6 =	vlt.s32 v24, v8  }
0xd3: {  	vm10 =	vmand vm0, vm6;
	vm0 =	vmand vm7, vm3;
	vm7 =	vlt.s32 v40, v8  }
0xd4: {  	v31 =	vld [tilespmem:s16+$0x11900];
	vm11 =	vmand vm4, vm7;
	vm4 =	vge.s32 v42, v7;
	vm7 =	vlt.s32 v42, v8  }
0xd5: {  	v3 =	vimm.s32 $0x0;
	v24 =	vld.idx.msk [tilespmem:v5+s15+$0x1 ss:$0x1], $0xffff;
	vm3 =	vmand vm4, vm7  }
0xd6: {  	v3 =	vsel vm3, $0xFFFFFFFF, v3  }
0xd7: {  	[tilespmem:$0x1FE60] =	vst v3;
	v3 =	vld [tilespmem:$0x1FF00]  }
0xd8: {  	vm6 =	vlt.s32 v41, v8;
	vm4 =	vge.s32 v39, v7;
	vm7 =	vlt.s32 v39, v8  }
0xd9: {  	v33 =	vmov s14;
	vm1 =	vmand vm1, vm6;
	vm6 =	vmand vm4, vm7  }
0xda: {  	vm4 =	vlt.s32 v38, v8;
	vm7 =	veq.s32 v33, v6;
	vm8 =	vne.s32 v31, v24  }
0xdb: {  	vm9 =	vmand vm2, vm4;
	vm2 =	vmor vm7, vm8  }
0xdc: {  	vm0 =	vmand vm10, vm0;
	vm4 =	vmand vm10, vm2;
	vm10 =	vnez.u8 v3;
	v3 =	vld [tilespmem:$0x1FF10];
	_ =	sdelay $0x1  }
0xdd: {  	v32 =	vld [tilespmem:s16+$0x12980]  }
0xde: {  	v26 =	vld [tilespmem:s7+$0xFFFFFFD0]  }
0xdf: {  	v53 =	vmov s12;
	v24 =	vld [tilespmem:s7+$0xFFFFFFD1]  }
0xe0: {  	v51 =	vld [tilespmem:s1+$0xFFFFFFD0];
	vm8 =	veq.s32 v53, v6;
	vm3 =	vnez.u8 v3  }
0xe1: {  	v63 =	vld [tilespmem:s1+$0xFFFFFFE0];
	v3 =	vimm.s32 $0x0;
	vm3 =	vmor vm8, vm3  }
0xe2: {  	v54 =	vld [tilespmem:s1+$0xFFFFFFF0];
	v3 =	vsel vm3, $0xFFFFFFFF, v3  }
0xe3: {  	[tilespmem:$0x1FE70] =	vst v3;
	v3 =	vld [tilespmem:$0x1FF20];
	_ =	sdelay $0x3  }
0xe4: {  	v55 =	vmov s11  }
0xe5: {  	vm8 =	veq.s32 v55, v6;
	vm3 =	vnez.u8 v3  }
0xe6: {  	v3 =	vimm.s32 $0x0;
	vm3 =	vmor vm8, vm3  }
0xe7: {  	v56 =	vld [tilespmem:s1+$0x0];
	v3 =	vsel vm3, $0xFFFFFFFF, v3  }
0xe8: {  	[tilespmem:$0x1FE90] =	vst v3;
	v3 =	vld [tilespmem:$0x1FF70];
	_ =	sdelay $0x3  }
0xe9: {  	v58 =	vmov s9  }
0xea: {  	vm8 =	veq.s32 v58, v6;
	vm3 =	vnez.u8 v3  }
0xeb: {  	v57 =	vld [tilespmem:s1+$0x10];
	v3 =	vimm.s32 $0x0;
	vm3 =	vmor vm8, vm3  }
0xec: {  	v44 =	vld [tilespmem:s1+$0x20];
	v3 =	vsel vm3, $0xFFFFFFFF, v3  }
0xed: {  	[tilespmem:$0x1FEB0] =	vst v3;
	v3 =	vld [tilespmem:$0x1FF30];
	_ =	sdelay $0x1  }
0xee: {  	v50 =	vmov s13  }
0xef: {  	v52 =	vmov s8;
	vm7 =	veq.s32 v50, v6  }
0xf0: {  	v43 =	vmov s10;
	vm2 =	vmor vm7, vm12;
	vm7 =	veq.s32 v52, v6  }
0xf1: {  	vm7 =	vmor vm7, vm10;
	vm10 =	veq.s32 v43, v6;
	vm3 =	vnez.u8 v3  }
0xf2: {  	v3 =	vimm.s32 $0x0;
	vm3 =	vmor vm10, vm3  }
0xf3: {  	vm12 =	veq.s32 v35, v6;
	v3 =	vsel vm3, $0xFFFFFFFF, v3  }
0xf4: {  	vm3 =	vmor vm12, vm15;
	[tilespmem:$0x1FEC0] =	vst v3;
	v3 =	vimm.s32 $0x0  }
0xf5: {  	v3 =	vsel vm3, $0xFFFFFFFF, v3  }
0xf6: {  	[tilespmem:$0x1FED0] =	vst v3;
	v3 =	vld [tilespmem:$0x1FF40];
	_ =	sdelay $0x4  }
0xf7: {  	vm3 =	vnez.u8 v3;
	v3 =	vld [tilespmem:$0x1FF50]  }
0xf8: {  	v32 =	vnsel vm0, $0x0, v32;
	_ =	sdelay $0x3  }
0xf9: {  	v35 =	vld [tilespmem:s1+$0x30];
	vm8 =	vmand vm5, vm3;
	vm5 =	vmand vm5, vm2;
	vm2 =	vnez.u8 v3  }
0xfa: {  	v42 =	vld.idx.msk [tilespmem:v32+s19+$0x0], $0xffff;
	v3 =	vimm.s32 $0x0;
	vm15 =	vmand vm14, vm2;
	vm2 =	vmand vm14, vm7  }
0xfb: {  	v45 =	vld.idx.msk [tilespmem:v32+s20+$0x0], $0xffff;
	v3 =	vsel vm2, $0xFFFFFFFF, v3  }
0xfc: {  	[tilespmem:$0x1FE80] =	vst v3;
	v3 =	vld [tilespmem:$0x1FF60];
	_ =	sdelay $0x4  }
0xfd: {  	vm2 =	vnez.u8 v3;
	v3 =	vld [tilespmem:$0x1FFB0];
	_ =	sdelay $0x4  }
0xfe: {  	vm7 =	vmmov vm1;
	vm14 =	vmand vm1, vm2;
	vm1 =	vnez.u8 v3;
	v3 =	vld [tilespmem:$0x1FE60];
	_ =	sdelay $0x4  }
0xff: {  	vm10 =	vnez.u8 v3;
	v3 =	vld [tilespmem:$0x1FFA0]  }
0x100: {  	v59 =	vsub.s32 v37, v0;
	v31 =	vsub.s32 v31, v2  }
0x101: {  	v46 =	vnsel vm0, $0x0, v31;
	v43 =	vshll.u32 v59, $0x7  }
0x102: {  	v47 =	vand.u32 $0xFFFFFF80, v46;
	v43 =	vnsel vm0, $0x0, v43  }
0x103: {  	v46 =	vand.u32 $0x7F, v46;
	v43 =	vadd.s32 v43, v47;
	v33 =	vnsel vm8, $0x0, v51  }
0x104: {  	v43 =	vor.u32 v46, v43;
	vm2 =	vnez.u8 v3;
	v3 =	vld [tilespmem:$0x1FF90]  }
0x105: {  	vm4 =	vmand vm13, vm4;
	v51 =	vnsel vm8, $0x0, v16;
	vm12 =	vmand vm10, vm2  }
0x106: {  	v30 =	vnsel vm8, $0x0, v30;
	v32 =	vld.idx.msk [tilespmem:v32+s21+$0x0], $0xffff;
	v40 =	vnsel vm12, $0x0, v57;
	v57 =	vand.u32 $0xFFFFFF80, v51  }
0x107: {  	v31 =	vnsel vm4, $0x0, v31;
	v51 =	vand.u32 $0x7F, v51;
	v30 =	vadd.s32 v30, v57  }
0x108: {  	v49 =	vld.idx.msk [tilespmem:v33+s19+$0x0], $0xffff;
	v30 =	vor.u32 v51, v30  }
0x109: {  	vm3 =	vnez.u8 v3;
	v3 =	vld [tilespmem:$0x1FF80];
	[tilespmem:v43+s25+$0x0] =	vst.idx.msk vm0, v42  }
0x10a: {  	[tilespmem:v43+s26+$0x0] =	vst.idx.msk vm0, v45  }
0x10b: {  	v37 =	vadd.s32 $0x1, v37;
	[tilespmem:v43+s28+$0x0] =	vst.idx.msk vm0, v32  }
0x10c: {  	v50 =	vld.idx.msk [tilespmem:v33+s20+$0x0], $0xffff;
	[tilespmem:v31+s29+$0x0] =	vst.idx.msk vm4, v37  }
0x10d: {  	v33 =	vld.idx.msk [tilespmem:v33+s21+$0x0], $0xffff;
	[tilespmem:v30+s25+$0x0] =	vst.idx.msk vm8, v49  }
0x10e: {  	vm2 =	vnez.u8 v3;
	v3 =	vld [tilespmem:$0x1FE70]  }
0x10f: {  	v27 =	vadd.s32 $0x1, v27;
	v38 =	vnsel vm15, $0x0, v63;
	v52 =	vnsel vm15, $0x0, v15  }
0x110: {  	vm5 =	vmand vm13, vm5;
	v29 =	vnsel vm15, $0x0, v29;
	v58 =	vand.u32 $0xFFFFFF80, v52  }
0x111: {  	v16 =	vnsel vm5, $0x0, v16;
	v52 =	vand.u32 $0x7F, v52;
	v48 =	vld [tilespmem:s7+$0xFFFFFFE0];
	v29 =	vadd.s32 v29, v58  }
0x112: {  	v47 =	vld [tilespmem:s7+$0xFFFFFFE1];
	v29 =	vor.u32 v52, v29;
	v41 =	vnsel vm14, $0x0, v54;
	v54 =	vnsel vm14, $0x0, v12;
	[tilespmem:v30+s26+$0x0] =	vst.idx.msk vm8, v50  }
0x113: {  	v23 =	vnsel vm14, $0x0, v23;
	vm1 =	vmand vm11, vm1;
	vm0 =	vnez.u8 v3;
	v3 =	vld [tilespmem:$0x1FE80]  }
0x114: {  	v53 =	vld.idx.msk [tilespmem:v38+s19+$0x0], $0xffff;
	v59 =	vand.u32 $0xFFFFFF80, v54;
	v39 =	vnsel vm1, $0x0, v56;
	v56 =	vnsel vm1, $0x0, v62  }
0x115: {  	v55 =	vld.idx.msk [tilespmem:v38+s20+$0x0], $0xffff;
	v21 =	vnsel vm1, $0x0, v21;
	v63 =	vand.u32 $0xFFFFFF80, v56;
	v58 =	vnsel vm12, $0x0, v13  }
0x116: {  	v38 =	vld.idx.msk [tilespmem:v38+s21+$0x0], $0xffff;
	v21 =	vadd.s32 v21, v63;
	v19 =	vnsel vm12, $0x0, v19;
	v63 =	vand.u32 $0xFFFFFF80, v58  }
0x117: {  	v23 =	vadd.s32 v23, v59;
	v59 =	vld.idx.msk [tilespmem:v41+s20+$0x0], $0xffff;
	v19 =	vadd.s32 v19, v63;
	vm3 =	vmand vm6, vm3  }
0x118: {  	v57 =	vld.idx.msk [tilespmem:v41+s19+$0x0], $0xffff;
	v44 =	vnsel vm3, $0x0, v44;
	v45 =	vnsel vm3, $0x0, v11;
	vm4 =	vnez.u8 v3  }
0x119: {  	v41 =	vld.idx.msk [tilespmem:v41+s21+$0x0], $0xffff;
	v18 =	vnsel vm3, $0x0, v18;
	v31 =	vand.u32 $0xFFFFFF80, v45;
	vm4 =	vmand vm13, vm4  }
0x11a: {  	v51 =	vld.idx.msk [tilespmem:v39+s20+$0x0], $0xffff;
	v18 =	vadd.s32 v18, v31;
	vm2 =	vmand vm9, vm2;
	[tilespmem:v30+s28+$0x0] =	vst.idx.msk vm8, v33;
	v15 =	vnsel vm4, $0x0, v15  }
0x11b: {  	v42 =	vld.idx.msk [tilespmem:v39+s19+$0x0], $0xffff;
	v63 =	vnsel vm2, $0x0, v61;
	v17 =	vnsel vm2, $0x0, v17;
	[tilespmem:v16+s29+$0x0] =	vst.idx.msk vm5, v27;
	v16 =	vand.u32 $0x7F, v56  }
0x11c: {  	v39 =	vld.idx.msk [tilespmem:v39+s21+$0x0], $0xffff;
	v31 =	vand.u32 $0xFFFFFF80, v63;
	[tilespmem:v29+s25+$0x0] =	vst.idx.msk vm15, v53;
	v21 =	vor.u32 v16, v21;
	v16 =	vand.u32 $0x7F, v45  }
0x11d: {  	v46 =	vld [tilespmem:s7+$0xFFFFFFF0];
	v17 =	vadd.s32 v17, v31;
	[tilespmem:v29+s26+$0x0] =	vst.idx.msk vm15, v55;
	v18 =	vor.u32 v16, v18;
	v16 =	vand.u32 $0x7F, v63  }
0x11e: {  	v43 =	vld.idx.msk [tilespmem:v40+s20+$0x0], $0xffff;
	[tilespmem:v29+s28+$0x0] =	vst.idx.msk vm15, v38;
	v45 =	vor.u32 v16, v17;
	v16 =	vadd.s32 $0x1, v25  }
0x11f: {  	v37 =	vld.idx.msk [tilespmem:v40+s19+$0x0], $0xffff;
	[tilespmem:v15+s29+$0x0] =	vst.idx.msk vm4, v16  }
0x120: {  	v3 =	vld [tilespmem:$0x1FE90]  }
0x121: {  	v40 =	vld.idx.msk [tilespmem:v40+s21+$0x0], $0xffff  }
0x122: {  	v49 =	vld.idx.msk [tilespmem:v44+s20+$0x0], $0xffff  }
0x123: {  	v31 =	vand.u32 $0x7F, v54;
	v30 =	vld.idx.msk [tilespmem:v44+s19+$0x0], $0xffff;
	vm0 =	vmand vm7, vm0  }
0x124: {  	v23 =	vor.u32 v31, v23;
	v31 =	vld [tilespmem:s7+$0xFFFFFFF1];
	v27 =	vand.u32 $0x7F, v58;
	vm7 =	vmand vm13, vm0  }
0x125: {  	s4 =	sadd.s32 $0x80, s4;
	v58 =	vld [tilespmem:s7+$0x0];
	vm4 =	vne.s32 v26, v24;
	vm0 =	vnez.u8 v3;
	v3 =	vimm.s32 $0x0  }
0x126: {  	v19 =	vor.u32 v27, v19;
	v27 =	vld [tilespmem:s4+$0xFFFFFFD0];
	v3 =	vsel vm4, $0xFFFFFFFF, v3  }
0x127: {  	[tilespmem:$0x1FEA0] =	vst v3;
	v3 =	vld [tilespmem:$0x1FEB0];
	_ =	sdelay $0x4  }
0x128: {  	vm4 =	vnez.u8 v3;
	v3 =	vld [tilespmem:$0x1FEC0];
	_ =	sdelay $0x4  }
0x129: {  	vm5 =	vnez.u8 v3;
	v3 =	vld [tilespmem:$0x1FED0];
	_ =	sdelay $0x4  }
0x12a: {  	v12 =	vnsel vm7, $0x0, v12;
	v25 =	vld [tilespmem:s4+$0xFFFFFFE0];
	vm8 =	vmand vm6, vm5;
	vm5 =	vnez.u8 v3  }
0x12b: {  	v33 =	vld [tilespmem:s4+$0xFFFFFFF0];
	vm4 =	vmand vm10, vm4;
	[tilespmem:v23+s25+$0x0] =	vst.idx.msk vm14, v57;
	v3 =	vimm.s32 $0x0;
	vm9 =	vmand vm9, vm5  }
0x12c: {  	v17 =	vld [tilespmem:s7+$0x1];
	[tilespmem:v23+s26+$0x0] =	vst.idx.msk vm14, v59;
	vm5 =	vmand vm13, vm4;
	vm4 =	vmand vm13, vm8;
	vm8 =	vne.s32 v48, v47  }
0x12d: {  	v16 =	vsub.s32 v26, v2;
	v26 =	vld [tilespmem:s4+$0x0];
	[tilespmem:v23+s28+$0x0] =	vst.idx.msk vm14, v41;
	v3 =	vsel vm8, $0xFFFFFFFF, v3  }
0x12e: {  	v9 =	vadd.s32 $0x1, v36;
	vm0 =	vmand vm11, vm0;
	v23 =	vld.idx.msk [tilespmem:v44+s21+$0x0], $0xffff;
	[tilespmem:$0x1FF00] =	vst v3  }
0x12f: {  	vm6 =	vmand vm13, vm0;
	v3 =	vimm.s32 $0x0;
	[tilespmem:v12+s29+$0x0] =	vst.idx.msk vm7, v9;
	vm7 =	vne.s32 v46, v31  }
0x130: {  	v29 =	vnsel vm6, $0x0, v62;
	[tilespmem:v21+s25+$0x0] =	vst.idx.msk vm1, v42;
	v3 =	vsel vm7, $0xFFFFFFFF, v3  }
0x131: {  	v52 =	vnsel vm4, $0x0, v11;
	v11 =	vld [tilespmem:s7+$0x10];
	vm7 =	vne.s32 v58, v17;
	[tilespmem:$0x1FF10] =	vst v3;
	v3 =	vimm.s32 $0x0  }
0x132: {  	v10 =	vadd.s32 $0x1, v34;
	[tilespmem:v21+s26+$0x0] =	vst.idx.msk vm1, v51;
	v3 =	vsel vm7, $0xFFFFFFFF, v3  }
0x133: {  	vm0 =	vmand vm13, vm9;
	vm8 =	vge.s32 v25, v0;
	vm9 =	vlt.s32 v25, v1;
	v31 =	vld [tilespmem:s4+$0x10];
	[tilespmem:$0x1FF20] =	vst v3  }
0x134: {  	v20 =	vadd.s32 $0x1, v20;
	vm7 =	vlt.s32 v27, v1;
	[tilespmem:v21+s28+$0x0] =	vst.idx.msk vm1, v39;
	v24 =	vld [tilespmem:s4+$0x20];
	vm1 =	vge.s32 v27, v0  }
0x135: {  	v3 =	vimm.s32 $0x0;
	v14 =	vld [tilespmem:s4+$0x30];
	[tilespmem:v19+s25+$0x0] =	vst.idx.msk vm12, v37;
	vm14 =	vmand vm1, vm7;
	vm1 =	vmand vm8, vm9  }
0x136: {  	vm10 =	vge.s32 v33, v0;
	vm11 =	vlt.s32 v33, v1;
	v21 =	vld [tilespmem:s7+$0x20];
	[tilespmem:v29+s29+$0x0] =	vst.idx.msk vm6, v10;
	v3 =	vsel vm1, $0xFFFFFFFF, v3  }
0x137: {  	v13 =	vnsel vm5, $0x0, v13;
	v10 =	vld [tilespmem:s7+$0x11];
	vm1 =	vmand vm10, vm11;
	[tilespmem:$0x1FF50] =	vst v3;
	v3 =	vimm.s32 $0x0  }
0x138: {  	v35 =	vnsel vm2, $0x0, v35;
	v38 =	vsub.s32 v27, v0;
	v3 =	vsel vm1, $0xFFFFFFFF, v3  }
0x139: {  	v17 =	vadd.s32 $0x1, v28;
	vm6 =	vge.s32 v26, v0;
	vm7 =	vlt.s32 v26, v1;
	[tilespmem:$0x1FF60] =	vst v3  }
0x13a: {  	vm11 =	vmand vm6, vm7;
	vm8 =	vge.s32 v31, v0;
	vm6 =	vlt.s32 v31, v1;
	[tilespmem:v19+s26+$0x0] =	vst.idx.msk vm12, v43  }
0x13b: {  	vm9 =	vmand vm8, vm6;
	vm7 =	vge.s32 v24, v0;
	vm6 =	vlt.s32 v24, v1;
	v29 =	vld [tilespmem:s7+$0x21];
	[tilespmem:v19+s28+$0x0] =	vst.idx.msk vm12, v40  }
0x13c: {  	v28 =	vld [tilespmem:s7+$0x30];
	vm12 =	vmand vm7, vm6;
	vm6 =	vlt.s32 v14, v1;
	[tilespmem:v13+s29+$0x0] =	vst.idx.msk vm5, v17;
	vm5 =	vge.s32 v14, v0  }
0x13d: {  	v3 =	vimm.s32 $0x0;
	v56 =	vld.idx.msk [tilespmem:v35+s19+$0x0], $0xffff;
	vm8 =	vmand vm5, vm6;
	vm5 =	vne.s32 v11, v10  }
0x13e: {  	v15 =	vsub.s32 v48, v2;
	v50 =	vsub.s32 v25, v0;
	v19 =	vld [tilespmem:s7+$0x31];
	v3 =	vsel vm5, $0xFFFFFFFF, v3  }
0x13f: {  	v22 =	vadd.s32 $0x1, v22;
	s18 =	sadd.s32 $0x80, s6;
	v53 =	vsub.s32 v33, v0;
	v55 =	vsub.s32 v26, v0;
	v57 =	vld.idx.msk [tilespmem:v35+s20+$0x0], $0xffff;
	[tilespmem:$0x1FF70] =	vst v3  }
0x140: {  	s12 =	sadd.s32 $0xFFFFFFC0, s18;
	v62 =	vsub.s32 v58, v2;
	vm5 =	vne.s32 v21, v29;
	v3 =	vimm.s32 $0x0;
	[tilespmem:v18+s25+$0x0] =	vst.idx.msk vm3, v30  }
0x141: {  	s9 =	sadd.s32 $0xFFFFFFE0, s18;
	s10 =	sadd.s32 $0xFFFFFFF0, s18;
	v41 =	vor.u32 s12, v60;
	v54 =	vnsel vm0, $0x0, v61;
	v3 =	vsel vm5, $0xFFFFFFFF, v3;
	[tilespmem:v18+s26+$0x0] =	vst.idx.msk vm3, v49  }
0x142: {  	v12 =	vsub.s32 v46, v2;
	v42 =	vor.u32 s9, v60;
	v39 =	vor.u32 s10, v60;
	v63 =	vld.idx.msk [tilespmem:v35+s21+$0x0], $0xffff;
	[tilespmem:$0x1FF30] =	vst v3  }
0x143: {  	vm1 =	vge.s32 v41, v7;
	v3 =	vimm.s32 $0x0;
	[tilespmem:v18+s28+$0x0] =	vst.idx.msk vm3, v23;
	vm3 =	vne.s32 v28, v19  }
0x144: {  	s11 =	sadd.s32 $0xFFFFFFD0, s18;
	v58 =	vsub.s32 v24, v0;
	v59 =	vsub.s32 v14, v0;
	v3 =	vsel vm3, $0xFFFFFFFF, v3  }
0x145: {  	v40 =	vor.u32 s11, v60;
	v13 =	vsub.s32 v11, v2;
	v17 =	vsub.s32 v31, v0;
	[tilespmem:$0x1FEF0] =	vst v3  }
0x146: {  	p2 =	sgt.s32 s3, $0x10;
	v11 =	vsub.s32 v21, v2;
	v61 =	vsub.s32 v28, v2;
	v29 =	vshll.u32 v50, $0x7;
	[tilespmem:v52+s29+$0x0] =	vst.idx.msk vm4, v20  }
.Ltmp6:
0x147: {  	s14 =	sadd.s32 $0xFFFFFF90, s18;
	v21 =	vshll.u32 v55, $0x7;
	v30 =	vshll.u32 v38, $0x7;
	v35 =	vmov s18;
	[tilespmem:v45+s25+$0x0] =	vst.idx.msk vm2, v56;
	(pc) =	sbr.rel @!p2 .LBB2_14-.Ltmp6, $4  }
0x148: {  	s8 =	sadd.s32 $0xFFFFFFB0, s18;
	s22 =	sadd.s32 s24, s14;
	v38 =	vor.u32 s18, v60;
	v23 =	vshll.u32 v53, $0x7;
	v19 =	vshll.u32 v17, $0x7;
	[tilespmem:v45+s26+$0x0] =	vst.idx.msk vm2, v57  }
0x149: {  	s13 =	sadd.s32 $0xFFFFFFA0, s18;
	s15 =	sand.u32 $0xFFFFFF80, s22;
	v18 =	vshll.u32 v58, $0x7;
	v17 =	vshll.u32 v59, $0x7;
	v28 =	vor.u32 s8, v60;
	[tilespmem:v45+s28+$0x0] =	vst.idx.msk vm2, v63  }
0x14a: {  	s6 =	simm.s32 $0x10;
	s16 =	sor.u32 s23, s15;
	vm6 =	vge.s32 v28, v7;
	vm7 =	vlt.s32 v28, v8;
	v20 =	vor.u32 s13, v60;
	[tilespmem:v54+s29+$0x0] =	vst.idx.msk vm0, v22  }
0x14b: {  	p1 =	por $0x1, $0x1;
	s22 =	smov.u32 s1;
	s7 =	sadd.s32 $0x80, s7;
	v37 =	vld [tilespmem:s16+$0x13A00];
	vm10 =	vge.s32 v20, v7;
	vm5 =	vlt.s32 v20, v8;
	vm2 =	vge.s32 v38, v7;
	[tilespmem:$0x1FEE0] =	vst v5  }
.LBB2_15:
0x14c: {  	v3 =	vimm.s32 $0x0  }
0x14d: {  	v3 =	vsel vm14, $0xFFFFFFFF, v3  }
0x14e: {  	[tilespmem:$0x1FF40] =	vst v3;
	v3 =	vimm.s32 $0x0  }
0x14f: {  	v3 =	vsel vm11, $0xFFFFFFFF, v3  }
0x150: {  	[tilespmem:$0x1FFB0] =	vst v3;
	v3 =	vimm.s32 $0x0  }
0x151: {  	v3 =	vsel vm9, $0xFFFFFFFF, v3  }
0x152: {  	[tilespmem:$0x1FFA0] =	vst v3;
	v3 =	vimm.s32 $0x0  }
0x153: {  	v3 =	vsel vm8, $0xFFFFFFFF, v3  }
0x154: {  	[tilespmem:$0x1FF80] =	vst v3;
	v3 =	vimm.s32 $0x0  }
0x155: {  	v3 =	vsel vm12, $0xFFFFFFFF, v3  }
0x156: {  	vm3 =	vge.s32 v40, v7;
	[tilespmem:$0x1FF90] =	vst v3;
	v3 =	vimm.s32 $0x0  }
0x157: {  	vm0 =	vlt.s32 v41, v8;
	v3 =	vsel vm3, $0xFFFFFFFF, v3  }
0x158: {  	v34 =	vor.u32 s14, v60;
	vm4 =	vmand vm10, vm5;
	[tilespmem:$0x1FD50] =	vst v3;
	v3 =	vimm.s32 $0x0  }
0x159: {  	vm5 =	vlt.s32 v34, v8;
	vm9 =	vge.s32 v34, v7;
	v3 =	vsel vm4, $0xFFFFFFFF, v3  }
0x15a: {  	vm10 =	vmand vm9, vm5;
	vm3 =	vmand vm6, vm7;
	[tilespmem:$0x1FD70] =	vst v3;
	v3 =	vimm.s32 $0x0  }
0x15b: {  	vm6 =	vge.s32 v37, v0;
	vm7 =	vlt.s32 v37, v1;
	v3 =	vsel vm3, $0xFFFFFFFF, v3  }
0x15c: {  	vm5 =	vmand vm6, vm7;
	vm6 =	vmand vm1, vm0;
	[tilespmem:$0x1FD90] =	vst v3;
	v3 =	vimm.s32 $0x0  }
0x15d: {  	v3 =	vsel vm6, $0xFFFFFFFF, v3  }
0x15e: {  	[tilespmem:$0x1FDA0] =	vst v3;
	v3 =	vld [tilespmem:$0x1FD50];
	_ =	sdelay $0x4  }
0x15f: {  	vm12 =	vlt.s32 v40, v8;
	vm0 =	vnez.u8 v3  }
0x160: {  	v3 =	vimm.s32 $0x0;
	vm1 =	vmand vm0, vm12  }
0x161: {  	vm13 =	vlt.s32 v42, v8;
	vm11 =	vge.s32 v42, v7;
	v3 =	vsel vm1, $0xFFFFFFFF, v3  }
0x162: {  	vm12 =	vmand vm11, vm13;
	[tilespmem:$0x1FDB0] =	vst v3;
	v3 =	vimm.s32 $0x0  }
0x163: {  	vm15 =	vlt.s32 v39, v8;
	vm14 =	vge.s32 v39, v7;
	v3 =	vsel vm12, $0xFFFFFFFF, v3  }
0x164: {  	vm13 =	vmand vm14, vm15;
	[tilespmem:$0x1FDC0] =	vst v3;
	v3 =	vimm.s32 $0x0  }
0x165: {  	vm8 =	vlt.s32 v38, v8;
	v3 =	vsel vm13, $0xFFFFFFFF, v3  }
0x166: {  	vm2 =	vmand vm2, vm8;
	[tilespmem:$0x1FDD0] =	vst v3;
	v3 =	vimm.s32 $0x0  }
0x167: {  	v3 =	vsel vm2, $0xFFFFFFFF, v3  }
0x168: {  	[tilespmem:$0x1FDE0] =	vst v3;
	v3 =	vld [tilespmem:$0x1FF40];
	_ =	sdelay $0x4  }
0x169: {  	vm0 =	vnez.u8 v3;
	v3 =	vld [tilespmem:$0x1FF50];
	_ =	sdelay $0x4  }
0x16a: {  	vm8 =	vmand vm4, vm0;
	vm0 =	vnez.u8 v3;
	v3 =	vld [tilespmem:$0x1FF60];
	_ =	sdelay $0x4  }
0x16b: {  	vm14 =	vmand vm3, vm0;
	vm0 =	vnez.u8 v3;
	v3 =	vld [tilespmem:$0x1FFB0];
	_ =	sdelay $0x2  }
0x16c: {  	v60 =	vld [tilespmem:s16+$0x11900]  }
0x16d: {  	v52 =	vld.idx.msk [tilespmem:v5+s15+$0x1 ss:$0x1], $0xffff  }
0x16e: {  	vm11 =	vmand vm6, vm0;
	vm0 =	vnez.u8 v3;
	v3 =	vld [tilespmem:$0x1FFA0];
	_ =	sdelay $0x2  }
0x16f: {  	v45 =	vmov s14;
	vm9 =	vmand vm10, vm5  }
0x170: {  	vm5 =	vmand vm1, vm0;
	vm0 =	veq.s32 v45, v6;
	vm1 =	vne.s32 v60, v52  }
0x171: {  	vm0 =	vmor vm0, vm1;
	vm1 =	vnez.u8 v3;
	v3 =	vld [tilespmem:$0x1FF90];
	_ =	sdelay $0x4  }
0x172: {  	vm4 =	vmand vm12, vm1;
	vm1 =	vnez.u8 v3;
	v3 =	vld [tilespmem:$0x1FF80];
	_ =	sdelay $0x3  }
0x173: {  	v28 =	vld [tilespmem:s16+$0x12980]  }
0x174: {  	vm3 =	vmand vm13, vm1;
	vm1 =	vnez.u8 v3;
	v3 =	vld [tilespmem:$0x1FFF0];
	_ =	sdelay $0x1  }
0x175: {  	s22 =	sadd.s32 $0x80, s22  }
0x176: {  	v36 =	vld [tilespmem:s22+$0xFFFFFFD0];
	v43 =	vsub.s32 v37, v0;
	v55 =	vsub.s32 v60, v2  }
0x177: {  	v43 =	vshll.u32 v43, $0x7;
	v28 =	vnsel vm9, $0x0, v28;
	v46 =	vnsel vm9, $0x0, v55  }
0x178: {  	vm2 =	vmand vm2, vm1;
	vm1 =	vnez.u8 v3;
	v3 =	vimm.s32 $0x0  }
0x179: {  	v43 =	vnsel vm9, $0x0, v43;
	v48 =	vand.u32 $0xFFFFFF80, v46;
	v3 =	vsel vm8, $0xFFFFFFFF, v3  }
0x17a: {  	v53 =	vld [tilespmem:s22+$0xFFFFFFF0];
	vm0 =	vmand vm10, vm0;
	vm10 =	vmmov vm11;
	[tilespmem:$0x1FD60] =	vst v3;
	v3 =	vimm.s32 $0x0  }
0x17b: {  	v44 =	vld [tilespmem:s22+$0x10];
	v43 =	vadd.s32 v43, v48;
	v48 =	vnsel vm8, $0x0, v36;
	v3 =	vsel vm10, $0xFFFFFFFF, v3  }
0x17c: {  	v56 =	vld [tilespmem:s22+$0x30];
	vm6 =	vmmov vm8;
	vm8 =	vmmov vm5;
	[tilespmem:$0x1FDF0] =	vst v3;
	v3 =	vimm.s32 $0x0  }
0x17d: {  	v46 =	vand.u32 $0x7F, v46;
	v49 =	vld.idx.msk [tilespmem:v28+s19+$0x0], $0xffff;
	v3 =	vsel vm8, $0xFFFFFFFF, v3  }
0x17e: {  	v58 =	vor.u32 v46, v43;
	v57 =	vld.idx.msk [tilespmem:v28+s20+$0x0], $0xffff;
	vm13 =	vmmov vm4;
	[tilespmem:$0x1FE00] =	vst v3;
	v3 =	vimm.s32 $0x0  }
0x17f: {  	v59 =	vld.idx.msk [tilespmem:v28+s21+$0x0], $0xffff;
	v3 =	vsel vm13, $0xFFFFFFFF, v3  }
0x180: {  	[tilespmem:$0x1FE10] =	vst v3;
	v3 =	vld [tilespmem:$0x1FEA0];
	_ =	sdelay $0x2  }
0x181: {  	[tilespmem:v58+s25+$0x0] =	vst.idx.msk vm9, v49;
	v40 =	vnsel vm11, $0x0, v53  }
0x182: {  	[tilespmem:v58+s26+$0x0] =	vst.idx.msk vm9, v57;
	v51 =	vnsel vm4, $0x0, v44;
	v44 =	vmov s13;
	v53 =	vnsel vm2, $0x0, v56  }
0x183: {  	[tilespmem:v58+s28+$0x0] =	vst.idx.msk vm9, v59;
	vm11 =	vmmov vm2;
	vm2 =	veq.s32 v44, v6;
	vm9 =	vnez.u8 v3  }
0x184: {  	v3 =	vimm.s32 $0x0;
	vm2 =	vmor vm2, vm9  }
0x185: {  	v47 =	vld [tilespmem:s22+$0x20];
	vm0 =	vmand vm1, vm0;
	v3 =	vsel vm2, $0xFFFFFFFF, v3  }
0x186: {  	v42 =	vnsel vm0, $0x0, v55;
	[tilespmem:$0x1FD80] =	vst v3;
	v3 =	vld [tilespmem:$0x1FF00];
	_ =	sdelay $0x2  }
0x187: {  	v43 =	vadd.s32 $0x1, v37;
	v55 =	vmov s10  }
0x188: {  	v52 =	vnsel vm3, $0x0, v47;
	vm15 =	veq.s32 v55, v6;
	v55 =	vnsel vm3, $0x0, v11  }
0x189: {  	[tilespmem:v42+s29+$0x0] =	vst.idx.msk vm0, v43;
	vm0 =	vmmov vm3;
	vm3 =	vnez.u8 v3;
	v3 =	vimm.s32 $0x0  }
0x18a: {  	v3 =	vsel vm11, $0xFFFFFFFF, v3  }
0x18b: {  	[tilespmem:$0x1FE40] =	vst v3;
	v3 =	vld [tilespmem:$0x1FF10];
	_ =	sdelay $0x2  }
0x18c: {  	v60 =	vmov s8  }
0x18d: {  	vm12 =	veq.s32 v60, v6  }
0x18e: {  	vm9 =	vmor vm12, vm3;
	vm3 =	vnez.u8 v3;
	v3 =	vld [tilespmem:$0x1FF20];
	_ =	sdelay $0x3  }
0x18f: {  	v54 =	vld [tilespmem:s22+$0x0]  }
0x190: {  	vm2 =	vnez.u8 v3;
	v3 =	vld [tilespmem:$0x1FF70];
	_ =	sdelay $0x2  }
0x191: {  	v32 =	vmov s11  }
0x192: {  	v41 =	vnsel vm5, $0x0, v54;
	vm5 =	veq.s32 v32, v6  }
0x193: {  	vm2 =	vmor vm5, vm2;
	vm5 =	vnez.u8 v3;
	v3 =	vld [tilespmem:$0x1FF30]  }
0x194: {  	v10 =	vld [tilespmem:$0x1FD70];
	_ =	sdelay $0x1  }
0x195: {  	v63 =	vld [tilespmem:s22+$0xFFFFFFE0];
	v54 =	vmov s9  }
0x196: {  	v9 =	vnsel vm13, $0x0, v19;
	v56 =	vnsel vm6, $0x0, v16;
	vm6 =	veq.s32 v54, v6  }
0x197: {  	v54 =	vnsel vm13, $0x0, v13;
	vm12 =	vmor vm6, vm5;
	vm5 =	vnez.u8 v3;
	v3 =	vld [tilespmem:$0x1FEF0]  }
0x198: {  	v18 =	vnsel vm0, $0x0, v18;
	vm13 =	vmmov vm0;
	vm0 =	vnez.u8 v10;
	v10 =	vld [tilespmem:$0x1FD80];
	_ =	sdelay $0x1  }
0x199: {  	v50 =	vnsel vm14, $0x0, v63;
	v63 =	vmov s12  }
0x19a: {  	vm7 =	veq.s32 v63, v6  }
0x19b: {  	vm4 =	veq.s32 v35, v6;
	vm6 =	vmor vm15, vm5;
	vm5 =	vnez.u8 v3  }
0x19c: {  	vm3 =	vmor vm7, vm3;
	vm7 =	vmor vm4, vm5;
	vm4 =	vnez.u8 v10;
	v10 =	vld [tilespmem:$0x1FD90];
	_ =	sdelay $0x1  }
0x19d: {  	v20 =	vld [tilespmem:s7+$0xFFFFFFD0]  }
0x19e: {  	v22 =	vld [tilespmem:s7+$0xFFFFFFD1]  }
0x19f: {  	v3 =	vld [tilespmem:$0x1FD60]  }
0x1a0: {  	vm5 =	vmand vm0, vm4;
	vm0 =	vnez.u8 v10;
	v10 =	vnsel vm11, $0x0, v17;
	v17 =	vld [tilespmem:$0x1FDA0]  }
0x1a1: {  	v34 =	vld [tilespmem:s7+$0xFFFFFFF0]  }
0x1a2: {  	v28 =	vld [tilespmem:s7+$0xFFFFFFE0]  }
0x1a3: {  	v36 =	vld [tilespmem:s7+$0xFFFFFFE1]  }
0x1a4: {  	v46 =	vld.idx.msk [tilespmem:v48+s20+$0x0], $0xffff;
	v38 =	vnsel vm10, $0x0, v12;
	vm15 =	vnez.u8 v3  }
0x1a5: {  	v3 =	vnsel vm10, $0x0, v23;
	vm10 =	vmand vm0, vm9;
	vm0 =	vnez.u8 v17;
	v17 =	vld [tilespmem:$0x1FDB0]  }
0x1a6: {  	v49 =	vld.idx.msk [tilespmem:v48+s21+$0x0], $0xffff  }
0x1a7: {  	v45 =	vld.idx.msk [tilespmem:v48+s19+$0x0], $0xffff  }
0x1a8: {  	v48 =	vld.idx.msk [tilespmem:v50+s20+$0x0], $0xffff  }
0x1a9: {  	v39 =	vld.idx.msk [tilespmem:v41+s19+$0x0], $0xffff  }
0x1aa: {  	vm4 =	vmand vm0, vm3;
	vm0 =	vnez.u8 v17;
	v17 =	vld [tilespmem:$0x1FDC0]  }
0x1ab: {  	v47 =	vld.idx.msk [tilespmem:v50+s19+$0x0], $0xffff  }
0x1ac: {  	v37 =	vnsel vm14, $0x0, v15;
	v50 =	vld.idx.msk [tilespmem:v50+s21+$0x0], $0xffff  }
0x1ad: {  	[tilespmem:$0x1FE30] =	vst v14;
	v14 =	vnsel vm14, $0x0, v29;
	v59 =	vand.u32 $0xFFFFFF80, v37;
	v29 =	vld.idx.msk [tilespmem:v51+s21+$0x0], $0xffff  }
0x1ae: {  	v14 =	vadd.s32 v14, v59;
	v44 =	vld.idx.msk [tilespmem:v40+s21+$0x0], $0xffff  }
0x1af: {  	[tilespmem:$0x1FE20] =	vst v24;
	v24 =	vmovc v2;
	v57 =	vnsel vm11, $0x0, v61;
	vm9 =	vmand vm0, vm2;
	vm0 =	vnez.u8 v17;
	v17 =	vld [tilespmem:$0x1FDD0]  }
0x1b0: {  	v2 =	vmovc v1;
	v1 =	vmovc v61;
	v60 =	vand.u32 $0xFFFFFF80, v38;
	v19 =	vld.idx.msk [tilespmem:v52+s19+$0x0], $0xffff;
	v58 =	vand.u32 $0xFFFFFF80, v56;
	v4 =	vand.u32 $0xFFFFFF80, v57  }
0x1b1: {  	v57 =	vand.u32 $0x7F, v57;
	v32 =	vmovc v8;
	v8 =	vmovc v7;
	v7 =	vmov v6;
	v35 =	vnsel vm8, $0x0, v62;
	v42 =	vld.idx.msk [tilespmem:v40+s19+$0x0], $0xffff  }
0x1b2: {  	v61 =	vand.u32 $0xFFFFFF80, v35;
	v6 =	vmovc v11;
	v11 =	vmovc v62;
	v62 =	vand.u32 $0xFFFFFF80, v54;
	v43 =	vld.idx.msk [tilespmem:v40+s20+$0x0], $0xffff;
	v5 =	vnsel vm15, $0x0, v30  }
0x1b3: {  	v63 =	vand.u32 $0xFFFFFF80, v55;
	v9 =	vadd.s32 v9, v62;
	v40 =	vld.idx.msk [tilespmem:v41+s20+$0x0], $0xffff;
	v5 =	vadd.s32 v5, v58  }
0x1b4: {  	v4 =	vadd.s32 v10, v4;
	v10 =	vand.u32 $0x7F, v56;
	vm2 =	vnez.u8 v17;
	v17 =	vld [tilespmem:$0x1FDE0]  }
0x1b5: {  	v62 =	vand.u32 $0x7F, v38;
	v30 =	vld.idx.msk [tilespmem:v41+s21+$0x0], $0xffff;
	v41 =	vnsel vm8, $0x0, v21;
	v5 =	vor.u32 v10, v5  }
0x1b6: {  	v55 =	vand.u32 $0x7F, v55;
	v38 =	vld.idx.msk [tilespmem:v53+s21+$0x0], $0xffff;
	v41 =	vadd.s32 v41, v61;
	v61 =	vand.u32 $0x7F, v37  }
0x1b7: {  	v23 =	vld.idx.msk [tilespmem:v51+s20+$0x0], $0xffff;
	v3 =	vadd.s32 v3, v60;
	v60 =	vadd.s32 v18, v63;
	v14 =	vor.u32 v61, v14  }
0x1b8: {  	v21 =	vld.idx.msk [tilespmem:v51+s19+$0x0], $0xffff;
	v63 =	vand.u32 $0x7F, v35;
	vm8 =	vmand vm1, vm5;
	v51 =	vor.u32 v55, v60  }
0x1b9: {  	v18 =	vld.idx.msk [tilespmem:v52+s21+$0x0], $0xffff;
	v10 =	vimm.s32 $0x0;
	vm3 =	vmand vm2, vm6;
	vm2 =	vnez.u8 v17  }
0x1ba: {  	s4 =	sadd.s32 $0x80, s4;
	v35 =	vld.idx.msk [tilespmem:v53+s20+$0x0], $0xffff;
	[tilespmem:v5+s25+$0x0] =	vst.idx.msk vm15, v45;
	vm0 =	vmand vm0, vm12;
	vm11 =	vmand vm2, vm7;
	vm2 =	vmand vm1, vm9  }
0x1bb: {  	vm5 =	vmand vm1, vm4;
	vm4 =	vmand vm1, vm0;
	v58 =	vnsel vm2, $0x0, v11;
	v11 =	vld [tilespmem:s4+$0xFFFFFFD0]  }
0x1bc: {  	v55 =	vnsel vm5, $0x0, v12;
	v12 =	vimm.s32 $0x0;
	v59 =	vnsel vm4, $0x0, v13;
	v13 =	vld [tilespmem:s4+$0xFFFFFFE0];
	[tilespmem:v14+s25+$0x0] =	vst.idx.msk vm14, v47  }
0x1bd: {  	vm3 =	vmand vm1, vm3;
	v17 =	vld.idx.msk [tilespmem:v52+s20+$0x0], $0xffff;
	v52 =	vor.u32 v63, v41;
	v41 =	vor.u32 v57, v4  }
0x1be: {  	v37 =	vld.idx.msk [tilespmem:v53+s19+$0x0], $0xffff;
	vm7 =	vmand vm1, vm10;
	vm0 =	vmand vm1, vm11;
	[tilespmem:v5+s26+$0x0] =	vst.idx.msk vm15, v46;
	vm1 =	vne.s32 v20, v22  }
0x1bf: {  	v53 =	vld [tilespmem:s7+$0xFFFFFFF1];
	v10 =	vsel vm0, $0xFFFFFFFF, v10;
	[tilespmem:v5+s28+$0x0] =	vst.idx.msk vm15, v49;
	v5 =	vadd.s32 $0x1, v27;
	v12 =	vsel vm1, $0xFFFFFFFF, v12  }
0x1c0: {  	[tilespmem:v14+s26+$0x0] =	vst.idx.msk vm14, v48;
	v4 =	vld [tilespmem:s7+$0x10];
	vm1 =	vne.s32 v28, v36;
	v48 =	vsub.s32 v11, v0;
	v27 =	vmovc v11;
	v11 =	vimm.s32 $0x0  }
0x1c1: {  	[tilespmem:$0x1FE50] =	vst v10;
	v10 =	vld [tilespmem:s7+$0x0];
	v11 =	vsel vm1, $0xFFFFFFFF, v11  }
0x1c2: {  	[tilespmem:$0x1FF00] =	vst v11;
	v11 =	vld [tilespmem:$0x1FDF0]  }
0x1c3: {  	v56 =	vld [tilespmem:s7+$0x1]  }
0x1c4: {  	v3 =	vor.u32 v62, v3;
	v57 =	vld [tilespmem:s7+$0x11]  }
0x1c5: {  	v16 =	vnsel vm8, $0x0, v16;
	[tilespmem:v14+s28+$0x0] =	vst.idx.msk vm14, v50;
	v14 =	vsub.s32 v13, v0;
	v45 =	vnsel vm0, $0x0, v1  }
0x1c6: {  	[tilespmem:$0x1FEA0] =	vst v12;
	v12 =	vadd.s32 $0x1, v25;
	v25 =	vmovc v13;
	v13 =	vsub.s32 v4, v24;
	vm1 =	vne.s32 v34, v53  }
0x1c7: {  	v62 =	vsub.s32 v10, v24;
	vm0 =	vnez.u8 v11;
	v11 =	vimm.s32 $0x0  }
0x1c8: {  	v11 =	vsel vm1, $0xFFFFFFFF, v11;
	vm1 =	vne.s32 v10, v56;
	v10 =	vimm.s32 $0x0  }
0x1c9: {  	v10 =	vsel vm1, $0xFFFFFFFF, v10;
	vm1 =	vne.s32 v4, v57;
	v4 =	vimm.s32 $0x0  }
0x1ca: {  	v4 =	vsel vm1, $0xFFFFFFFF, v4  }
0x1cb: {  	[tilespmem:$0x1FF70] =	vst v4;
	v4 =	vld [tilespmem:$0x1FE00]  }
0x1cc: {  	v61 =	vld [tilespmem:s7+$0x20]  }
0x1cd: {  	[tilespmem:v16+s29+$0x0] =	vst.idx.msk vm8, v5;
	v5 =	vld [tilespmem:s4+$0xFFFFFFF0]  }
0x1ce: {  	v46 =	vld [tilespmem:s7+$0x21];
	[tilespmem:v3+s25+$0x0] =	vst.idx.msk vm0, v42  }
0x1cf: {  	[tilespmem:v3+s26+$0x0] =	vst.idx.msk vm0, v43  }
0x1d0: {  	[tilespmem:v3+s28+$0x0] =	vst.idx.msk vm0, v44;
	vm0 =	vnez.u8 v4;
	_ =	sdelay $0x1  }
0x1d1: {  	v49 =	vsub.s32 v5, v0  }
0x1d2: {  	vm1 =	vne.s32 v61, v46;
	v3 =	vadd.s32 $0x1, v33;
	v33 =	vmovc v5;
	v5 =	vimm.s32 $0x0  }
0x1d3: {  	v5 =	vsel vm1, $0xFFFFFFFF, v5  }
0x1d4: {  	[tilespmem:$0x1FF30] =	vst v5  }
0x1d5: {  	v47 =	vld [tilespmem:s4+$0x0];
	[tilespmem:v52+s25+$0x0] =	vst.idx.msk vm0, v39  }
0x1d6: {  	[tilespmem:v52+s26+$0x0] =	vst.idx.msk vm0, v40  }
0x1d7: {  	v5 =	vadd.s32 $0x1, v26;
	[tilespmem:v52+s28+$0x0] =	vst.idx.msk vm0, v30  }
0x1d8: {  	[tilespmem:v58+s29+$0x0] =	vst.idx.msk vm2, v5;
	v5 =	vld [tilespmem:$0x1FE10];
	_ =	sdelay $0x2  }
0x1d9: {  	v54 =	vand.u32 $0x7F, v54  }
0x1da: {  	v9 =	vor.u32 v54, v9;
	v54 =	vnsel vm7, $0x0, v15  }
0x1db: {  	vm0 =	vnez.u8 v5;
	_ =	sdelay $0x3  }
0x1dc: {  	v22 =	vld [tilespmem:s4+$0x10];
	[tilespmem:v54+s29+$0x0] =	vst.idx.msk vm7, v12  }
0x1dd: {  	vm14 =	vmmov vm13;
	[tilespmem:v55+s29+$0x0] =	vst.idx.msk vm5, v3  }
0x1de: {  	[tilespmem:v9+s25+$0x0] =	vst.idx.msk vm0, v21  }
0x1df: {  	v15 =	vsub.s32 v28, v24;
	v28 =	vld [tilespmem:s4+$0x20];
	[tilespmem:v9+s26+$0x0] =	vst.idx.msk vm0, v23  }
0x1e0: {  	v54 =	vld [tilespmem:s4+$0x30];
	v5 =	vadd.s32 $0x1, v31;
	[tilespmem:v9+s28+$0x0] =	vst.idx.msk vm0, v29  }
0x1e1: {  	v3 =	vsub.s32 v22, v0;
	[tilespmem:v59+s29+$0x0] =	vst.idx.msk vm4, v5;
	v5 =	vld [tilespmem:$0x1FE20]  }
0x1e2: {  	v60 =	vnsel vm3, $0x0, v6;
	[tilespmem:v51+s25+$0x0] =	vst.idx.msk vm13, v19;
	v16 =	vsub.s32 v20, v24;
	v19 =	vshll.u32 v3, $0x7;
	v3 =	vld [tilespmem:$0x1FE40]  }
0x1e3: {  	v1 =	vmov v2;
	vm6 =	vge.s32 v25, v0;
	[tilespmem:v51+s26+$0x0] =	vst.idx.msk vm14, v17;
	v12 =	vsub.s32 v34, v24  }
0x1e4: {  	vm7 =	vlt.s32 v25, v1;
	v53 =	vsub.s32 v47, v0;
	vm10 =	vge.s32 v28, v0  }
0x1e5: {  	v20 =	vld [tilespmem:s7+$0x30];
	vm13 =	vlt.s32 v28, v1;
	vm5 =	vlt.s32 v27, v1;
	vm2 =	vge.s32 v27, v0  }
0x1e6: {  	v50 =	vld [tilespmem:s7+$0x31];
	[tilespmem:v51+s28+$0x0] =	vst.idx.msk vm14, v18;
	vm15 =	vlt.s32 v54, v1;
	vm14 =	vmand vm2, vm5;
	v5 =	vadd.s32 $0x1, v5  }
0x1e7: {  	vm2 =	vmand vm6, vm7;
	[tilespmem:v60+s29+$0x0] =	vst.idx.msk vm3, v5;
	vm3 =	vnez.u8 v3;
	v3 =	vimm.s32 $0x0  }
0x1e8: {  	[tilespmem:$0x1FF10] =	vst v11;
	vm8 =	vge.s32 v33, v0;
	vm9 =	vlt.s32 v33, v1;
	v3 =	vsel vm2, $0xFFFFFFFF, v3  }
0x1e9: {  	v11 =	vsub.s32 v61, v24;
	vm2 =	vmand vm8, vm9;
	[tilespmem:$0x1FF50] =	vst v3;
	v3 =	vimm.s32 $0x0  }
0x1ea: {  	[tilespmem:$0x1FF20] =	vst v10;
	v61 =	vsub.s32 v20, v24;
	v10 =	vsub.s32 v54, v0;
	v3 =	vsel vm2, $0xFFFFFFFF, v3  }
0x1eb: {  	v17 =	vshll.u32 v10, $0x7;
	v4 =	vsub.s32 v28, v0;
	vm1 =	vne.s32 v20, v50;
	v26 =	vmovc v47;
	[tilespmem:$0x1FF60] =	vst v3;
	v3 =	vld [tilespmem:$0x1FE50]  }
0x1ec: {  	v20 =	vimm.s32 $0x0;
	vm11 =	vge.s32 v26, v0;
	vm12 =	vlt.s32 v26, v1;
	v9 =	vld [tilespmem:$0x1FE30]  }
0x1ed: {  	v20 =	vsel vm1, $0xFFFFFFFF, v20;
	v18 =	vshll.u32 v4, $0x7;
	vm11 =	vmand vm11, vm12;
	v31 =	vmovc v22  }
0x1ee: {  	vm12 =	vmand vm10, vm13;
	v30 =	vshll.u32 v48, $0x7;
	vm1 =	vlt.s32 v31, v1  }
0x1ef: {  	s18 =	sadd.s32 $0x80, s18;
	v21 =	vshll.u32 v53, $0x7;
	v23 =	vshll.u32 v49, $0x7;
	vm0 =	vge.s32 v54, v0  }
0x1f0: {  	s6 =	sadd.s32 $0x8, s6;
	s14 =	sadd.s32 $0xFFFFFF90, s18;
	v29 =	vshll.u32 v14, $0x7;
	vm8 =	vmand vm0, vm15;
	vm0 =	vnez.u8 v3  }
0x1f1: {  	s11 =	sadd.s32 $0xFFFFFFD0, s18;
	p2 =	slt.s32 s6, s3;
	s8 =	sadd.s32 $0xFFFFFFB0, s18;
	vm4 =	vge.s32 v31, v0;
	v9 =	vadd.s32 $0x1, v9;
	v60 =	vlaneseq.u32  }
.Ltmp7:
0x1f2: {  	s9 =	sadd.s32 $0xFFFFFFE0, s18;
	s10 =	sadd.s32 $0xFFFFFFF0, s18;
	v6 =	vmovc v7;
	v7 =	vmovc v8;
	vm9 =	vmand vm4, vm1;
	v4 =	vor.u32 s8, v60;
	v40 =	vor.u32 s11, v60;
	[tilespmem:v41+s25+$0x0] =	vst.idx.msk vm3, v37;
	(pc) =	sbr.rel @p2 .LBB2_15-.Ltmp7, $4  }
0x1f3: {  	s16 =	sadd.s32 s24, s14;
	s12 =	sadd.s32 $0xFFFFFFC0, s18;
	v8 =	vmovc v32;
	v42 =	vor.u32 s9, v60;
	v39 =	vor.u32 s10, v60;
	vm6 =	vge.s32 v4, v7;
	[tilespmem:v41+s26+$0x0] =	vst.idx.msk vm3, v35  }
0x1f4: {  	s15 =	sand.u32 $0xFFFFFF80, s16;
	s13 =	sadd.s32 $0xFFFFFFA0, s18;
	v2 =	vmovc v24;
	vm7 =	vlt.s32 v4, v32;
	[tilespmem:v41+s28+$0x0] =	vst.idx.msk vm3, v38;
	v38 =	vor.u32 s18, v60;
	v41 =	vor.u32 s12, v60  }
0x1f5: {  	s16 =	sor.u32 s23, s15;
	v24 =	vmovc v28;
	[tilespmem:$0x1FEF0] =	vst v20;
	v5 =	vld [tilespmem:$0x1FEE0];
	v3 =	vor.u32 s13, v60;
	vm2 =	vge.s32 v38, v7;
	vm1 =	vge.s32 v41, v7  }
0x1f6: {  	s7 =	sadd.s32 $0x80, s7;
	v14 =	vmovc v54;
	v37 =	vld [tilespmem:s16+$0x13A00];
	v35 =	vmov s18;
	vm10 =	vge.s32 v3, v7;
	vm5 =	vlt.s32 v3, v32;
	[tilespmem:v45+s29+$0x0] =	vst.idx.msk vm0, v9  }
0x1f7: {  	v3 =	vimm.s32 $0x0  }
0x1f8: {  	v3 =	vsel vm14, $0xFFFFFFFF, v3  }
0x1f9: {  	[tilespmem:$0x1FF40] =	vst v3;
	v3 =	vimm.s32 $0x0  }
0x1fa: {  	v3 =	vsel vm11, $0xFFFFFFFF, v3  }
0x1fb: {  	[tilespmem:$0x1FFB0] =	vst v3;
	v3 =	vimm.s32 $0x0  }
0x1fc: {  	v3 =	vsel vm9, $0xFFFFFFFF, v3  }
0x1fd: {  	[tilespmem:$0x1FFA0] =	vst v3;
	v3 =	vimm.s32 $0x0  }
0x1fe: {  	v3 =	vsel vm12, $0xFFFFFFFF, v3  }
0x1ff: {  	[tilespmem:$0x1FF90] =	vst v3;
	v3 =	vimm.s32 $0x0  }
0x200: {  	v3 =	vsel vm8, $0xFFFFFFFF, v3  }
0x201: {  	[tilespmem:$0x1FF80] =	vst v3;
	v3 =	vld [tilespmem:$0x1FFF0];
	_ =	sdelay $0x4  }
0x202: {  	vm13 =	vnez.u8 v3;
	v3 =	vld [tilespmem:$0x1FEA0];
	_ =	sdelay $0x4  }
0x203: {  	vm12 =	vnez.u8 v3;
	v3 =	vld [tilespmem:$0x1FF10];
	_ =	sdelay $0x3  }
0x204: {  	v36 =	vmov v33;
	v34 =	vmov v26  }
0x205: {  	v28 =	vmovc v31;
	v20 =	vmovc v24;
	v22 =	vmov v14;
	s18 =	rddreg [dreg:$0x1];
	v43 =	vimm.s32 $0x0;
	v44 =	vld [tilespmem:$0x1FFE0];
	vm15 =	vnez.u8 v3  }
.LBB2_17:
0x206: {  	v3 =	vor.u32 s14, v60;
	vm14 =	vmand vm10, vm5;
	vm6 =	vmand vm6, vm7  }
0x207: {  	vm11 =	vge.s32 v37, v0;
	vm9 =	vlt.s32 v37, v1;
	vm10 =	vlt.s32 v41, v8  }
0x208: {  	vm4 =	vge.s32 v40, v7;
	vm8 =	vlt.s32 v42, v8;
	vm0 =	vge.s32 v3, v7  }
0x209: {  	vm3 =	vlt.s32 v3, v8;
	vm5 =	vmand vm1, vm10;
	vm1 =	vge.s32 v42, v7  }
0x20a: {  	v4 =	vld [tilespmem:s16+$0x11900];
	vm0 =	vmand vm0, vm3;
	vm3 =	vmand vm11, vm9;
	vm11 =	vlt.s32 v40, v8  }
0x20b: {  	v3 =	vld.idx.msk [tilespmem:v5+s15+$0x1 ss:$0x1], $0xffff;
	v5 =	vimm.s32 $0x0;
	vm7 =	vmand vm4, vm11;
	vm11 =	vmand vm1, vm8  }
0x20c: {  	vm4 =	vge.s32 v39, v7;
	vm1 =	vlt.s32 v39, v8;
	v5 =	vsel vm11, $0xFFFFFFFF, v5  }
0x20d: {  	vm11 =	vmand vm4, vm1;
	[tilespmem:$0x1FD10] =	vst v5;
	v5 =	vimm.s32 $0x0  }
0x20e: {  	v5 =	vsel vm11, $0xFFFFFFFF, v5  }
0x20f: {  	[tilespmem:$0x1FD30] =	vst v5;
	v5 =	vmov s14  }
0x210: {  	vm1 =	vlt.s32 v38, v8;
	vm9 =	vne.s32 v4, v3;
	vm8 =	veq.s32 v5, v6  }
0x211: {  	vm4 =	vmand vm2, vm1;
	v5 =	vmov s8;
	vm2 =	vmor vm8, vm9  }
0x212: {  	vm9 =	vmand vm0, vm3;
	vm2 =	vmand vm0, vm2;
	vm0 =	veq.s32 v5, v6;
	v5 =	vld [tilespmem:$0x1FF00];
	_ =	sdelay $0x4  }
0x213: {  	vm8 =	vnez.u8 v5;
	v5 =	vld [tilespmem:$0x1FF20]  }
0x214: {  	v10 =	vmov s11;
	v3 =	vimm.s32 $0x0  }
0x215: {  	v9 =	vmov s13;
	vm11 =	veq.s32 v10, v6;
	v10 =	vld [tilespmem:$0x1FF40];
	v3 =	vsel vm4, $0xFFFFFFFF, v3  }
0x216: {  	vm4 =	veq.s32 v9, v6;
	v9 =	vmov s12;
	[tilespmem:$0x1FD40] =	vst v3  }
0x217: {  	v4 =	vsub.s32 v4, v2;
	vm10 =	vmor vm4, vm12;
	vm1 =	veq.s32 v9, v6;
	v3 =	vld [tilespmem:s16+$0x12980]  }
0x218: {  	v9 =	vsub.s32 v37, v0;
	vm4 =	vmor vm0, vm8;
	vm0 =	vnez.u8 v5  }
0x219: {  	v9 =	vshll.u32 v9, $0x7;
	v5 =	vimm.s32 $0x0;
	vm0 =	vmor vm11, vm0  }
0x21a: {  	s4 =	sadd.s32 @p1 $0x80, s22;
	vm11 =	vnez.u8 v10;
	v10 =	vnsel vm9, $0x0, v4;
	v5 =	vsel vm0, $0xFFFFFFFF, v5  }
0x21b: {  	s1 =	smov.u32 @p1 s4;
	v9 =	vnsel vm9, $0x0, v9;
	v24 =	vand.u32 $0xFFFFFF80, v10;
	[tilespmem:$0x1FD20] =	vst v5  }
0x21c: {  	v3 =	vnsel vm9, $0x0, v3;
	v10 =	vand.u32 $0x7F, v10;
	v9 =	vadd.s32 v9, v24;
	v5 =	vld [tilespmem:s1+$0xFFFFFFD0]  }
0x21d: {  	v9 =	vor.u32 v10, v9;
	v10 =	vld [tilespmem:$0x1FF50];
	_ =	sdelay $0x1  }
0x21e: {  	v32 =	vld [tilespmem:$0x1FF70]  }
0x21f: {  	v33 =	vld [tilespmem:$0x1FF30]  }
0x220: {  	vm0 =	vmand vm14, vm11;
	v38 =	vld.idx.msk [tilespmem:v3+s19+$0x0], $0xffff  }
0x221: {  	v5 =	vnsel vm0, $0x0, v5;
	vm3 =	vnez.u8 v10;
	v10 =	vld.idx.msk [tilespmem:v3+s20+$0x0], $0xffff  }
0x222: {  	v26 =	vmov s10;
	v45 =	vadd.s32 $0x1, v37;
	vm2 =	vmand vm13, vm2;
	v3 =	vld.idx.msk [tilespmem:v3+s21+$0x0], $0xffff  }
0x223: {  	vm12 =	vnez.u8 v32;
	vm10 =	vmand vm14, vm10;
	v4 =	vnsel vm2, $0x0, v4;
	v14 =	vld [tilespmem:s1+$0xFFFFFFE0]  }
0x224: {  	v40 =	vld [tilespmem:$0x1FF60];
	vm8 =	vmor vm1, vm15;
	vm11 =	veq.s32 v26, v6;
	v39 =	vnsel vm0, $0x0, v16  }
0x225: {  	v30 =	vnsel vm0, $0x0, v30;
	v31 =	vld [tilespmem:s1+$0xFFFFFFF0];
	v32 =	vand.u32 $0xFFFFFF80, v39;
	[tilespmem:v9+s25+$0x0] =	vst.idx.msk vm9, v38;
	vm15 =	vmand vm6, vm3  }
0x226: {  	v26 =	vand.u32 $0x7F, v39;
	v30 =	vadd.s32 v30, v32;
	v47 =	vnsel vm15, $0x0, v15;
	v41 =	vld.idx.msk [tilespmem:v5+s19+$0x0], $0xffff;
	[tilespmem:v9+s26+$0x0] =	vst.idx.msk vm9, v10  }
0x227: {  	v26 =	vor.u32 v26, v30;
	v29 =	vnsel vm15, $0x0, v29;
	v46 =	vld.idx.msk [tilespmem:v5+s20+$0x0], $0xffff;
	v10 =	vand.u32 $0xFFFFFF80, v47;
	[tilespmem:v9+s28+$0x0] =	vst.idx.msk vm9, v3  }
0x228: {  	v14 =	vnsel vm15, $0x0, v14;
	v5 =	vld.idx.msk [tilespmem:v5+s21+$0x0], $0xffff;
	v9 =	vadd.s32 v29, v10;
	v10 =	vand.u32 $0x7F, v47;
	[tilespmem:v4+s29+$0x0] =	vst.idx.msk vm2, v45  }
0x229: {  	v63 =	vmov s9;
	vm10 =	vmand vm13, vm10;
	v9 =	vor.u32 v10, v9;
	v10 =	vld [tilespmem:$0x1FFB0]  }
0x22a: {  	v48 =	vnsel vm10, $0x0, v16;
	vm1 =	veq.s32 v63, v6  }
0x22b: {  	vm1 =	vmor vm1, vm12;
	vm12 =	vnez.u8 v33  }
0x22c: {  	vm12 =	vmor vm11, vm12;
	vm11 =	vnez.u8 v40;
	v33 =	vld [tilespmem:s1+$0x0];
	[tilespmem:v26+s25+$0x0] =	vst.idx.msk vm0, v41  }
0x22d: {  	vm3 =	vmand vm5, vm11;
	v4 =	vld.idx.msk [tilespmem:v14+s19+$0x0], $0xffff;
	[tilespmem:v26+s26+$0x0] =	vst.idx.msk vm0, v46  }
0x22e: {  	v53 =	vadd.s32 $0x1, v27;
	v42 =	vnsel vm3, $0x0, v31;
	[tilespmem:v26+s28+$0x0] =	vst.idx.msk vm0, v5;
	vm11 =	vnez.u8 v10;
	v10 =	vld.idx.msk [tilespmem:v14+s20+$0x0], $0xffff  }
0x22f: {  	v14 =	vld.idx.msk [tilespmem:v14+s21+$0x0], $0xffff;
	[tilespmem:v48+s29+$0x0] =	vst.idx.msk vm10, v53  }
0x230: {  	vm9 =	vmand vm6, vm4;
	v56 =	vld [tilespmem:$0x1FFA0]  }
0x231: {  	vm4 =	vmand vm13, vm9;
	v57 =	vld [tilespmem:$0x1FD10]  }
0x232: {  	v49 =	vnsel vm3, $0x0, v12;
	v3 =	vld [tilespmem:s1+$0x10];
	v52 =	vnsel vm4, $0x0, v15  }
0x233: {  	v23 =	vnsel vm3, $0x0, v23;
	v50 =	vand.u32 $0xFFFFFF80, v49;
	v55 =	vld.idx.msk [tilespmem:v42+s19+$0x0], $0xffff  }
0x234: {  	v24 =	vand.u32 $0x7F, v49;
	v23 =	vadd.s32 v23, v50;
	v58 =	vld.idx.msk [tilespmem:v42+s20+$0x0], $0xffff;
	vm6 =	vmand vm7, vm11;
	[tilespmem:v9+s25+$0x0] =	vst.idx.msk vm15, v4  }
0x235: {  	v23 =	vor.u32 v24, v23;
	v29 =	vadd.s32 $0x1, v25;
	v5 =	vld [tilespmem:s1+$0x20];
	v51 =	vnsel vm6, $0x0, v33;
	[tilespmem:v9+s26+$0x0] =	vst.idx.msk vm15, v10  }
0x236: {  	vm0 =	vmand vm5, vm8;
	v4 =	vld.idx.msk [tilespmem:v42+s21+$0x0], $0xffff;
	vm5 =	vnez.u8 v56;
	vm9 =	vnez.u8 v57;
	[tilespmem:v9+s28+$0x0] =	vst.idx.msk vm15, v14  }
0x237: {  	vm2 =	vmand vm9, vm5;
	v30 =	vld [tilespmem:$0x1FD20];
	[tilespmem:v52+s29+$0x0] =	vst.idx.msk vm4, v29  }
0x238: {  	v54 =	vnsel vm6, $0x0, v62;
	vm5 =	vmand vm13, vm0;
	v3 =	vnsel vm2, $0x0, v3;
	v37 =	vld [tilespmem:$0x1FF90]  }
0x239: {  	v21 =	vnsel vm6, $0x0, v21;
	v59 =	vand.u32 $0xFFFFFF80, v54;
	v63 =	vnsel vm5, $0x0, v12;
	v38 =	vld [tilespmem:$0x1FD30]  }
0x23a: {  	v21 =	vadd.s32 v21, v59;
	v10 =	vand.u32 $0x7F, v54;
	v33 =	vld.idx.msk [tilespmem:v51+s19+$0x0], $0xffff;
	v31 =	vnsel vm2, $0x0, v13;
	[tilespmem:v23+s25+$0x0] =	vst.idx.msk vm3, v55  }
0x23b: {  	v10 =	vor.u32 v10, v21;
	v40 =	vld.idx.msk [tilespmem:v51+s20+$0x0], $0xffff;
	v19 =	vnsel vm2, $0x0, v19;
	v39 =	vand.u32 $0xFFFFFF80, v31;
	[tilespmem:v23+s26+$0x0] =	vst.idx.msk vm3, v58  }
0x23c: {  	v41 =	vld.idx.msk [tilespmem:v51+s21+$0x0], $0xffff;
	v16 =	vadd.s32 v19, v39;
	[tilespmem:v23+s28+$0x0] =	vst.idx.msk vm3, v4;
	v4 =	vand.u32 $0x7F, v31  }
0x23d: {  	v45 =	vadd.s32 $0x1, v36;
	v4 =	vor.u32 v4, v16;
	vm11 =	vnez.u8 v30;
	v47 =	vld.idx.msk [tilespmem:v3+s19+$0x0], $0xffff  }
0x23e: {  	vm7 =	vmand vm7, vm11;
	vm4 =	vnez.u8 v37;
	vm8 =	vnez.u8 v38;
	[tilespmem:v63+s29+$0x0] =	vst.idx.msk vm5, v45;
	v51 =	vld.idx.msk [tilespmem:v3+s20+$0x0], $0xffff  }
0x23f: {  	vm0 =	vmand vm8, vm4;
	vm4 =	vmand vm13, vm7;
	v48 =	vld [tilespmem:$0x1FF80]  }
0x240: {  	v49 =	vld [tilespmem:$0x1FD40];
	[tilespmem:v10+s25+$0x0] =	vst.idx.msk vm6, v33;
	v42 =	vnsel vm4, $0x0, v62  }
0x241: {  	v3 =	vld.idx.msk [tilespmem:v3+s21+$0x0], $0xffff;
	[tilespmem:v10+s26+$0x0] =	vst.idx.msk vm6, v40  }
0x242: {  	[tilespmem:v10+s28+$0x0] =	vst.idx.msk vm6, v41  }
0x243: {  	v9 =	vld [tilespmem:s1+$0x30];
	vm10 =	vmand vm9, vm1;
	[tilespmem:v4+s25+$0x0] =	vst.idx.msk vm2, v47  }
0x244: {  	v54 =	vadd.s32 $0x1, v34;
	vm3 =	vmand vm13, vm10;
	v5 =	vnsel vm0, $0x0, v5;
	[tilespmem:v4+s26+$0x0] =	vst.idx.msk vm2, v51  }
0x245: {  	v53 =	vnsel vm3, $0x0, v13;
	vm9 =	vmand vm8, vm12;
	[tilespmem:v42+s29+$0x0] =	vst.idx.msk vm4, v54  }
0x246: {  	v46 =	vnsel vm0, $0x0, v11;
	vm11 =	vnez.u8 v48;
	vm7 =	vnez.u8 v49;
	[tilespmem:v4+s28+$0x0] =	vst.idx.msk vm2, v3  }
0x247: {  	v18 =	vnsel vm0, $0x0, v18;
	v50 =	vand.u32 $0xFFFFFF80, v46;
	vm1 =	vmand vm7, vm11;
	v62 =	vld [tilespmem:$0x1FEF0]  }
0x248: {  	v10 =	vand.u32 $0x7F, v46;
	v52 =	vadd.s32 v18, v50;
	v9 =	vnsel vm1, $0x0, v9  }
0x249: {  	vm5 =	vmand vm13, vm9;
	v10 =	vor.u32 v10, v52;
	v56 =	vld.idx.msk [tilespmem:v5+s19+$0x0], $0xffff  }
0x24a: {  	vm10 =	veq.s32 v35, v6;
	v59 =	vld.idx.msk [tilespmem:v5+s20+$0x0], $0xffff;
	v4 =	vnsel vm5, $0x0, v11;
	v55 =	vnsel vm1, $0x0, v61  }
0x24b: {  	v5 =	vld.idx.msk [tilespmem:v5+s21+$0x0], $0xffff;
	v11 =	vadd.s32 $0x1, v28;
	v58 =	vnsel vm1, $0x0, v17;
	v57 =	vand.u32 $0xFFFFFF80, v55  }
0x24c: {  	v3 =	vand.u32 $0x7F, v55;
	v13 =	vadd.s32 v58, v57;
	vm11 =	vnez.u8 v62  }
0x24d: {  	[tilespmem:v53+s29+$0x0] =	vst.idx.msk vm3, v11;
	v3 =	vor.u32 v3, v13;
	v11 =	vld.idx.msk [tilespmem:v9+s19+$0x0], $0xffff;
	vm2 =	vmor vm10, vm11  }
0x24e: {  	[tilespmem:v10+s25+$0x0] =	vst.idx.msk vm0, v56;
	v63 =	vld.idx.msk [tilespmem:v9+s20+$0x0], $0xffff;
	vm2 =	vmand vm7, vm2  }
0x24f: {  	v9 =	vld.idx.msk [tilespmem:v9+s21+$0x0], $0xffff;
	[tilespmem:v10+s26+$0x0] =	vst.idx.msk vm0, v59;
	vm2 =	vmand vm13, vm2  }
0x250: {  	[tilespmem:v10+s28+$0x0] =	vst.idx.msk vm0, v5;
	v10 =	vadd.s32 $0x1, v20;
	v5 =	vnsel vm2, $0x0, v61  }
0x251: {  	[tilespmem:v4+s29+$0x0] =	vst.idx.msk vm5, v10  }
0x252: {  	[tilespmem:v3+s25+$0x0] =	vst.idx.msk vm1, v11  }
0x253: {  	[tilespmem:v3+s26+$0x0] =	vst.idx.msk vm1, v63  }
0x254: {  	[tilespmem:v3+s28+$0x0] =	vst.idx.msk vm1, v9;
	v3 =	vadd.s32 $0x1, v22  }
0x255: {  	s11 =	rddreg [dreg:$0x4];
	s9 =	simm.s32 $0x16300;
	[tilespmem:v5+s29+$0x0] =	vst.idx.msk vm2, v3  }
.LBB2_8:
0x256: {  	s1 =	ssub.s32 s2, s3  }
0x257: {  	p1 =	slt.s32 s1, $0x1  }
.Ltmp8:
0x258: {  	_ = 	snop;
	(pc) =	sbr.rel @p1 .LBB2_11-.Ltmp8, $1  }
0x259: {  	_ =	sdelay $0x3  }
0x25a: {  	s1 =	sshll.u32 s3, $0x4  }
0x25b: {  	s0 =	sadd.s32 s0, s1  }
0x25c: {  	s1 =	ssub.s32 s0, s31  }
0x25d: {  	s1 =	sshll.u32 s1, $0x2  }
0x25e: {  	s6 =	sshra.s32 s1, $0x2  }
0x25f: {  	s1 =	sadd.s32 $0x11901, s6;
	s4 =	sadd.s32 $0x12980, s6;
	s6 =	sadd.s32 $0x13A00, s6  }
.LBB2_10:
0x260: {  	v3 =	vld [tilespmem:s6+$0x0];
	_ =	sdelay $0x2  }
0x261: {  	v4 =	vld [tilespmem:s4+$0x0];
	v5 =	vor.u32 s0, v60  }
0x262: {  	v9 =	vld [tilespmem:s1+$0xFFFFFFFF];
	vm0 =	vge.s32 v5, v7  }
0x263: {  	vm1 =	vlt.s32 v5, v8;
	vm2 =	vge.s32 v3, v0;
	vm3 =	vlt.s32 v3, v1  }
0x264: {  	vm0 =	vmand vm0, vm1;
	vm9 =	vmand vm2, vm3  }
0x265: {  	v5 =	vld [tilespmem:s1+$0x0];
	vm1 =	vmand vm0, vm9  }
0x266: {  	v4 =	vnsel vm1, $0x0, v4  }
0x267: {  	v10 =	vsub.s32 v9, v2;
	v11 =	vsub.s32 v3, v0  }
0x268: {  	v12 =	vmov s0;
	v11 =	vshll.u32 v11, $0x7;
	v13 =	vnsel vm1, $0x0, v10  }
0x269: {  	vm11 =	veq.s32 v12, v6;
	v11 =	vnsel vm1, $0x0, v11;
	v14 =	vand.u32 $0xFFFFFF80, v13  }
0x26a: {  	vm10 =	vne.s32 v9, v5;
	v13 =	vand.u32 $0x7F, v13;
	v11 =	vadd.s32 v11, v14  }
0x26b: {  	vm2 =	vmor vm11, vm10;
	v9 =	vor.u32 v13, v11;
	v5 =	vld.idx.msk [tilespmem:v4+s19+$0x0], $0xffff  }
0x26c: {  	vm2 =	vmand vm13, vm2;
	v11 =	vld.idx.msk [tilespmem:v4+s20+$0x0], $0xffff  }
0x26d: {  	s3 =	sadd.s32 $0x1, s3;
	vm0 =	vmand vm0, vm2;
	v4 =	vld.idx.msk [tilespmem:v4+s21+$0x0], $0xffff  }
0x26e: {  	p1 =	slt.s32 s3, s2;
	v10 =	vnsel vm0, $0x0, v10  }
.Ltmp9:
0x26f: {  	_ = 	snop;
	(pc) =	sbr.rel @p1 .LBB2_10-.Ltmp9, $4  }
0x270: {  	[tilespmem:v9+s25+$0x0] =	vst.idx.msk vm1, v5  }
0x271: {  	[tilespmem:v9+s26+$0x0] =	vst.idx.msk vm1, v11  }
0x272: {  	s0 =	sadd.s32 $0x10, s0;
	v3 =	vadd.s32 $0x1, v3;
	[tilespmem:v9+s28+$0x0] =	vst.idx.msk vm1, v4  }
0x273: {  	s4 =	sadd.s32 $0x10, s4;
	s6 =	sadd.s32 $0x10, s6;
	s1 =	sadd.s32 $0x10, s1;
	[tilespmem:v10+s29+$0x0] =	vst.idx.msk vm0, v3  }
.Ltmp10:
0x274: {  	_ = 	snop;
	(pc) =	sbr.rel .LBB2_11-.Ltmp10, $1  }
0x275: {  	_ =	sdelay $0x3  }
.LBB2_7:
0x276: {  	v3 =	vld [tilespmem:$0x1FF10];
	_ =	sdelay $0x2  }
.Ltmp11:
0x277: {  	_ = 	snop;
	(pc) =	sbr.rel .LBB2_17-.Ltmp11, $4  }
0x278: {  	_ = 	snop  }
0x279: {  	vm15 =	vnez.u8 v3;
	v3 =	vimm.s32 $0x0  }
0x27a: {  	v3 =	vsel vm11, $0xFFFFFFFF, v3  }
0x27b: {  	s22 =	smov.u32 s1;
	[tilespmem:$0x1FEF0] =	vst v3  }
.LBB2_14:
0x27c: {  	v3 =	vimm.s32 $0x0  }
0x27d: {  	v3 =	vsel vm14, $0xFFFFFFFF, v3  }
0x27e: {  	[tilespmem:$0x1FF40] =	vst v3;
	v3 =	vimm.s32 $0x0  }
0x27f: {  	v3 =	vsel vm11, $0xFFFFFFFF, v3  }
0x280: {  	[tilespmem:$0x1FFB0] =	vst v3;
	v3 =	vimm.s32 $0x0  }
0x281: {  	v3 =	vsel vm9, $0xFFFFFFFF, v3  }
0x282: {  	[tilespmem:$0x1FFA0] =	vst v3;
	v3 =	vimm.s32 $0x0  }
0x283: {  	v3 =	vsel vm12, $0xFFFFFFFF, v3  }
0x284: {  	[tilespmem:$0x1FF90] =	vst v3;
	v3 =	vimm.s32 $0x0  }
0x285: {  	v3 =	vsel vm8, $0xFFFFFFFF, v3  }
0x286: {  	[tilespmem:$0x1FF80] =	vst v3;
	v3 =	vld [tilespmem:$0x1FFF0];
	_ =	sdelay $0x4  }
0x287: {  	vm13 =	vnez.u8 v3;
	v3 =	vld [tilespmem:$0x1FEA0];
	_ =	sdelay $0x4  }
0x288: {  	vm12 =	vnez.u8 v3;
	v3 =	vld [tilespmem:$0x1FF10]  }
.Ltmp12:
0x289: {  	_ = 	snop;
	(pc) =	sbr.rel .LBB2_17-.Ltmp12, $3  }
0x28a: {  	_ =	sdelay $0x1  }
0x28b: {  	v36 =	vmov v33;
	v34 =	vmov v26  }
0x28c: {  	s22 =	smov.u32 s1;
	v28 =	vmovc v31;
	v20 =	vmovc v24;
	v22 =	vmov v14;
	s18 =	rddreg [dreg:$0x1];
	v43 =	vimm.s32 $0x0;
	v44 =	vld [tilespmem:$0x1FFE0];
	vm15 =	vnez.u8 v3  }
.LBB2_12:
0x28d: {  	_ =	sfence.sel $0x180000  }
0x28e: {  	[bflag:$0x0] =	sbarrier.arrive $0xFFFF  }
0x28f: {  	_ =	strace $0x90000047  }
0x290: {  	[bflag:$0x2] =	sbarrier.arrive $0xFFFF  }
0x291: {  	s0 =	rddreg [dreg:$0x5]  }
0x292: {  	s0 =	sadd.s32 @!p0 $0x100000, s0  }
0x293: {  	[sflag:s0] =	ssyncadd.tile.s32 @!p0 $0x1;
	_ =	shalt  }
.Lfunc_end2:
_tile_overlayer_lowered:
.L_overlay_start_2:
0x294: {  	(tag) =	ssettag $0x2  }
0x295: {  	s0 =	rddreg [dreg:$0x0];
	s2 =	stileid.u32  }
0x296: {  	s1 =	rddreg [dreg:$0x1];
	p0 =	sne.s32 s2, $0x0  }
0x297: {  	s3 =	rddreg [dreg:$0x2];
	[bflag:$0x3] =	sbarrier.arrive $0xFFFF;
	s2 =	simm.s32 @!p0 $0x1C01  }
0x298: {  	[timem:s3], [sflag:s2] =	dma.local @!p0 [hbm:s0], s1  }
0x299: {  	s0 =	simm.s32 @!p0 $0x1  }
0x29a: {  	_ =	swait.ge @!p0 [sflag:s0], s1  }
0x29b: {  	s1 =	ssub.s32 @!p0 $0x0, s1;
	[sflag:s0] =	ssyncset.done @!p0 $0x0  }
0x29c: {  	[sflag:s0] =	ssyncadd.s32 @!p0 s1  }
0x29d: {  	[bflag:$0x3] =	sbarrier.arrive $0xFFFF  }
0x29e: {  	_ =	shalt  }

</sc_bundles>
